<compile_context>
chip_gen: v7x
topology: tpu7x:2x2x1
jax: 0.10.2.dev20260603
libtpu: 0.0.44.dev20260713+nightly
codegen_flags: <defaults>
</compile_context>

<pallas_src>
import jax
import jax.numpy as jnp
from jax.experimental import pallas as pl
from jax.experimental.pallas import tpu as pltpu

_EPS = 1e-3
_P = 3200
_NV = 10000
_NEG = float(jnp.finfo(jnp.float32).min)


def _ln_t(x, g, b):
    m = x.mean(0, keepdims=True)
    v = ((x - m) ** 2).mean(0, keepdims=True)
    return (x - m) / jnp.sqrt(v + _EPS) * g + b


def _seg_scan_max_t(x, seg, reverse):
    f, n = x.shape
    d = 1
    while d < n:
        if not reverse:
            xs = jnp.concatenate([jnp.full((f, d), _NEG, x.dtype), x[:, :-d]], 1)
            ss = jnp.concatenate([jnp.full((1, d), -1, seg.dtype), seg[:, :-d]], 1)
        else:
            xs = jnp.concatenate([x[:, d:], jnp.full((f, d), _NEG, x.dtype)], 1)
            ss = jnp.concatenate([seg[:, d:], jnp.full((1, d), -1, seg.dtype)], 1)
        x = jnp.maximum(x, jnp.where(ss == seg, xs, _NEG))
        d *= 2
    return x


def _init_carry(cvec, cseg):
    @pl.when(pl.program_id(0) == 0)
    def _():
        cvec[...] = jnp.full(cvec.shape, _NEG, jnp.float32)
        cseg[0] = -1
        cseg[1] = -1


def _stage1(pts, a, b, fcl, w0p, w0a, w0b, b0, g0, bt0, rw1, rb1, rw2, rb2):
    dot = lambda w, v: jnp.dot(w, v, preferred_element_type=jnp.float32)
    pre = dot(w0p, pts) + dot(w0a, a)
    if b is not None:
        pre = pre + dot(w0b, b)
    pre = pre + b0
    x = jnp.maximum(_ln_t(pre, g0, bt0), 0.0)
    rel = jnp.maximum(dot(rw1, fcl / 10.0) + rb1, 0.0)
    rel = dot(rw2, rel) + rb2
    return x + rel


def _entry_fwd_kernel(seg_ref, pts_ref, a_ref, fcl_ref,
                      w0p_ref, w0a_ref, b0_ref, g0_ref, bt0_ref,
                      rw1_ref, rb1_ref, rw2_ref, rb2_ref,
                      x_out, fx_out, cvec, cseg):
    _init_carry(cvec, cseg)
    seg = seg_ref[...]
    x = _stage1(pts_ref[...], a_ref[...], None, fcl_ref[...],
                w0p_ref[...], w0a_ref[...], None,
                b0_ref[...], g0_ref[...], bt0_ref[...],
                rw1_ref[...], rb1_ref[...], rw2_ref[...], rb2_ref[...])
    x_out[...] = x
    fx = _seg_scan_max_t(x, seg, reverse=False)
    fx = jnp.where(seg == cseg[0], jnp.maximum(fx, cvec[:, :1]), fx)
    fx_out[...] = fx
    cvec[:, :1] = fx[:, -1:]
    cseg[0] = seg[0, -1]


def _rev_kernel(seg_ref, x_ref, fx_ref,
                w1a_ref, w1b_ref, b1_ref, g1_ref, bt1_ref,
                y_out, by_out, cvec, cseg):
    _init_carry(cvec, cseg)
    seg = seg_ref[...]
    x = x_ref[...]
    bx = _seg_scan_max_t(x, seg, reverse=True)
    bx = jnp.where(seg == cseg[0], jnp.maximum(bx, cvec[:, :1]), bx)
    cvec[:, :1] = bx[:, :1]
    cseg[0] = seg[0, 0]

    c0 = jnp.maximum(fx_ref[...], bx)
    dot = lambda w, v: jnp.dot(w, v, preferred_element_type=jnp.float32)
    pre = dot(w1a_ref[...], x) + dot(w1b_ref[...], c0) + b1_ref[...]
    y = jnp.maximum(_ln_t(pre, g1_ref[...], bt1_ref[...]), 0.0)
    y_out[...] = y

    by = _seg_scan_max_t(y, seg, reverse=True)
    by = jnp.where(seg == cseg[1], jnp.maximum(by, cvec[:, 1:]), by)
    by_out[...] = by
    cvec[:, 1:] = by[:, :1]
    cseg[1] = seg[0, 0]


def _fwd_next_kernel(seg_ref, y_ref, by_ref, pts_ref, fcl_ref,
                     w0p_ref, w0y_ref, w0c_ref, b0_ref, g0_ref, bt0_ref,
                     rw1_ref, rb1_ref, rw2_ref, rb2_ref,
                     c_out, x_out, fx_out, cvec, cseg):
    _init_carry(cvec, cseg)
    seg = seg_ref[...]
    y = y_ref[...]
    fy = _seg_scan_max_t(y, seg, reverse=False)
    fy = jnp.where(seg == cseg[0], jnp.maximum(fy, cvec[:, :1]), fy)
    cvec[:, :1] = fy[:, -1:]
    cseg[0] = seg[0, -1]
    c1 = jnp.maximum(fy, by_ref[...])
    c_out[...] = c1

    x = _stage1(pts_ref[...], y, c1, fcl_ref[...],
                w0p_ref[...], w0y_ref[...], w0c_ref[...],
                b0_ref[...], g0_ref[...], bt0_ref[...],
                rw1_ref[...], rb1_ref[...], rw2_ref[...], rb2_ref[...])
    x_out[...] = x
    fx = _seg_scan_max_t(x, seg, reverse=False)
    fx = jnp.where(seg == cseg[1], jnp.maximum(fx, cvec[:, 1:]), fx)
    fx_out[...] = fx
    cvec[:, 1:] = fx[:, -1:]
    cseg[1] = seg[0, -1]


def _fwd_final_kernel(seg_ref, y_ref, by_ref, c_out, cvec, cseg):
    _init_carry(cvec, cseg)
    seg = seg_ref[...]
    fy = _seg_scan_max_t(y_ref[...], seg, reverse=False)
    fy = jnp.where(seg == cseg[0], jnp.maximum(fy, cvec[:, :1]), fy)
    cvec[:, :1] = fy[:, -1:]
    cseg[0] = seg[0, -1]
    c_out[...] = jnp.maximum(fy, by_ref[...])


def _full(shape):
    return pl.BlockSpec(shape, lambda c: tuple(0 for _ in shape))


def _chunk(height, rev, nc):
    if rev:
        return pl.BlockSpec((height, _P), lambda c: (0, nc - 1 - c))
    return pl.BlockSpec((height, _P), lambda c: (0, c))


def _scratch():
    return [pltpu.VMEM((32, 2), jnp.float32), pltpu.SMEM((2,), jnp.int32)]


def _cparams():
    return pltpu.CompilerParams(dimension_semantics=("arbitrary",))


def kernel(points, features, coors, f_cluster, params):
    n = points.shape[0]
    nc = n // _P
    coors = coors.astype(jnp.int32)

    is_new = jnp.concatenate(
        [jnp.ones((1,), jnp.int32), (coors[1:] != coors[:-1]).astype(jnp.int32)])
    unq_inv = (jnp.cumsum(is_new) - 1).astype(jnp.int32)
    n_act = unq_inv[-1] + 1
    unq = jnp.full((_NV,), coors[0], coors.dtype).at[unq_inv].set(coors)
    seg_starts = jnp.searchsorted(coors, unq).astype(jnp.int32)
    seg_t = unq_inv.reshape(1, n)

    pts_t = points.T
    fcl_t = f_cluster.T
    f32 = jnp.float32
    out32 = jax.ShapeDtypeStruct((32, n), f32)
    col = lambda v: v.reshape(-1, 1)

    def rel_args(p):
        return (p['rel_W1'].T, col(p['rel_b1']), p['rel_W2'].T, col(p['rel_b2']))

    def ln0_args(p):
        return (col(p['b0']), col(p['g0']), col(p['bt0']))

    p0 = params[0]
    x, fx = pl.pallas_call(
        _entry_fwd_kernel,
        grid=(nc,),
        in_specs=[_chunk(1, False, nc), _chunk(4, False, nc),
                  _chunk(12, False, nc), _chunk(3, False, nc),
                  _full((32, 4)), _full((32, 12)),
                  _full((32, 1)), _full((32, 1)), _full((32, 1)),
                  _full((16, 3)), _full((16, 1)), _full((32, 16)),
                  _full((32, 1))],
        out_specs=[_chunk(32, False, nc), _chunk(32, False, nc)],
        out_shape=[out32, out32],
        scratch_shapes=_scratch(),
        compiler_params=_cparams(),
    )(seg_t, pts_t, features.T, fcl_t,
      p0['W0'][:4].T, p0['W0'][4:16].T, *ln0_args(p0), *rel_args(p0))

    def rev(p, x, fx):
        return pl.pallas_call(
            _rev_kernel,
            grid=(nc,),
            in_specs=[_chunk(1, True, nc), _chunk(32, True, nc),
                      _chunk(32, True, nc),
                      _full((32, 32)), _full((32, 32)),
                      _full((32, 1)), _full((32, 1)), _full((32, 1))],
            out_specs=[_chunk(32, True, nc), _chunk(32, True, nc)],
            out_shape=[out32, out32],
            scratch_shapes=_scratch(),
            compiler_params=_cparams(),
        )(seg_t, x, fx, p['W1'][:32].T, p['W1'][32:].T,
          col(p['b1']), col(p['g1']), col(p['bt1']))

    def fwd_next(pn, y, by):
        return pl.pallas_call(
            _fwd_next_kernel,
            grid=(nc,),
            in_specs=[_chunk(1, False, nc), _chunk(32, False, nc),
                      _chunk(32, False, nc), _chunk(4, False, nc),
                      _chunk(3, False, nc),
                      _full((32, 4)), _full((32, 32)), _full((32, 32)),
                      _full((32, 1)), _full((32, 1)), _full((32, 1)),
                      _full((16, 3)), _full((16, 1)), _full((32, 16)),
                      _full((32, 1))],
            out_specs=[_chunk(32, False, nc)] * 3,
            out_shape=[out32, out32, out32],
            scratch_shapes=_scratch(),
            compiler_params=_cparams(),
        )(seg_t, y, by, pts_t, fcl_t,
          pn['W0'][:4].T, pn['W0'][4:36].T, pn['W0'][36:].T,
          *ln0_args(pn), *rel_args(pn))

    pooled_pts = []
    y, by = rev(params[0], x, fx)
    c1, x, fx = fwd_next(params[1], y, by)
    pooled_pts.append(c1)
    y, by = rev(params[1], x, fx)
    c1, x, fx = fwd_next(params[2], y, by)
    pooled_pts.append(c1)
    y, by = rev(params[2], x, fx)
    c1 = pl.pallas_call(
        _fwd_final_kernel,
        grid=(nc,),
        in_specs=[_chunk(1, False, nc), _chunk(32, False, nc),
                  _chunk(32, False, nc)],
        out_specs=[_chunk(32, False, nc)],
        out_shape=[out32],
        scratch_shapes=_scratch(),
        compiler_params=_cparams(),
    )(seg_t, y, by)[0]
    pooled_pts.append(c1)

    out_feats = jnp.concatenate([y, c1], axis=0).T
    pooled = jnp.concatenate(
        [jnp.take(c, seg_starts, axis=1) for c in pooled_pts], axis=0).T
    mask = (jnp.arange(_NV) < n_act)[:, None]
    final_cluster_feats = jnp.where(mask, pooled, -jnp.inf)
    return (out_feats, final_cluster_feats, unq)

# --- scband reference (transcript-rebuilt; emitter-appended) ---
"""Pipeline reference for scband-stacked-vfe-32899449487472 (READ-ONLY COPY).

The authoritative reference and input builder live on the scoring server;
editing this copy changes nothing except your own understanding.
"""

import jax, jax.numpy as jnp
import numpy as np

EPS = 1e-3
N_PTS = 320000
N_VOX = 10000
BLOCK_IN = [16, 68, 68]


def _ln(x, g, b):
    m = x.mean(-1, keepdims=True)
    v = x.var(-1, keepdims=True)
    return (x - m) / jnp.sqrt(v + EPS) * g + b


def _lin_init(k, i, o):
    return jax.random.normal(k, (i, o), jnp.float32) * (1.0 / np.sqrt(i))


def _make_block(key, din):
    ks = jax.random.split(key, 4)
    p = {}
    # rel mlp: 3 -> 16 -> 32
    p['rel_W1'] = _lin_init(ks[0], 3, 16)
    p['rel_b1'] = jnp.zeros((16,), jnp.float32)
    p['rel_W2'] = _lin_init(ks[1], 16, 32)
    p['rel_b2'] = jnp.zeros((32,), jnp.float32)
    # VFE layer 0: din -> 32 (+LN)
    p['W0'] = _lin_init(ks[2], din, 32)
    p['b0'] = jnp.zeros((32,), jnp.float32)
    p['g0'] = jnp.ones((32,), jnp.float32)
    p['bt0'] = jnp.zeros((32,), jnp.float32)
    # VFE layer 1: 64 -> 32 (+LN)
    p['W1'] = _lin_init(ks[3], 64, 32)
    p['b1'] = jnp.zeros((32,), jnp.float32)
    p['g1'] = jnp.ones((32,), jnp.float32)
    p['bt1'] = jnp.zeros((32,), jnp.float32)
    return p


def setup_inputs(seed: int = 0) -> dict:
    key = jax.random.key(seed)
    k1, k2, k3, k4, k5 = jax.random.split(key, 5)
    points = jax.random.normal(k1, (N_PTS, 4), jnp.float32)
    features = jax.random.normal(k2, (N_PTS, 12), jnp.float32)
    coors = jnp.sort(jax.random.randint(k3, (N_PTS,), 0, N_VOX).astype(jnp.int64))
    f_cluster = jax.random.normal(k4, (N_PTS, 3), jnp.float32)
    bkeys = jax.random.split(k5, len(BLOCK_IN))
    params = [_make_block(bkeys[i], BLOCK_IN[i]) for i in range(len(BLOCK_IN))]
    return {'points': points, 'features': features, 'coors': coors,
            'f_cluster': f_cluster, 'params': params}


def _block_fwd(p, in_feats, f_cluster, unq_inv, n_unq):
    # relative-position MLP (rel_dist_scaler = 10.0)
    rel = jnp.maximum(f_cluster / 10.0 @ p['rel_W1'] + p['rel_b1'], 0.0)
    rel = rel @ p['rel_W2'] + p['rel_b2']
    # layer 0
    x = in_feats @ p['W0'] + p['b0']
    x = jnp.maximum(_ln(x, p['g0'], p['bt0']), 0.0)
    x = x + rel  # pos_fusion='add'
    pooled0 = jax.ops.segment_max(x, unq_inv, num_segments=n_unq)
    x = jnp.concatenate([x, pooled0[unq_inv]], axis=1)  # fusion='cat'
    # layer 1
    x = x @ p['W1'] + p['b1']
    x = jnp.maximum(_ln(x, p['g1'], p['bt1']), 0.0)
    pooled = jax.ops.segment_max(x, unq_inv, num_segments=n_unq)
    point_out = jnp.concatenate([x, pooled[unq_inv]], axis=1)
    return point_out, pooled


def reference(points, features, coors, f_cluster, params):
    # unique_once=True: compute unique voxel ids once for all blocks
    unq, unq_inv = jnp.unique(coors, return_inverse=True, size=N_VOX)
    unq_inv = unq_inv.reshape(-1)
    n_unq = int(unq.shape[0])

    out_feats = features
    cluster_feat_list = []
    for i, p in enumerate(params):
        in_feats = jnp.concatenate([points, out_feats], axis=1)
        out_feats, out_cluster_feats = _block_fwd(p, in_feats, f_cluster, unq_inv, n_unq)
        cluster_feat_list.append(out_cluster_feats)  # use_middle_cluster_feature=True
    final_cluster_feats = jnp.concatenate(cluster_feat_list, axis=1)

    # cluster_xyz = scatter mean of xyz (computed in original forward)
    ones = jnp.ones((points.shape[0], 1), jnp.float32)
    cnt = jax.ops.segment_sum(ones, unq_inv, num_segments=n_unq)
    cluster_xyz = jax.ops.segment_sum(points[:, :3], unq_inv, num_segments=n_unq) / jnp.maximum(cnt, 1.0)
    del cluster_xyz  # not returned by the original module

    out_coors = unq
    return (out_feats, final_cluster_feats, out_coors)

if __name__ == "__main__":
    import jax
    _d = setup_inputs()
    print(jax.jit(kernel)(*tuple(_d.values())))

</pallas_src>

<mosaic_0001>
module attributes {stable_mosaic.version = 14 : i64} {
  func.func @_rev_kernel(%arg0: i32, %arg1: memref<1x3200xi32, #tpu.memory_space<vmem>>, %arg2: memref<32x3200xf32, #tpu.memory_space<vmem>>, %arg3: memref<32x3200xf32, #tpu.memory_space<vmem>>, %arg4: memref<32x32xf32, #tpu.memory_space<vmem>>, %arg5: memref<32x32xf32, #tpu.memory_space<vmem>>, %arg6: memref<32x1xf32, #tpu.memory_space<vmem>>, %arg7: memref<32x1xf32, #tpu.memory_space<vmem>>, %arg8: memref<32x1xf32, #tpu.memory_space<vmem>>, %arg9: memref<32x3200xf32, #tpu.memory_space<vmem>>, %arg10: memref<32x3200xf32, #tpu.memory_space<vmem>>, %arg11: memref<32x2xf32, #tpu.memory_space<vmem>>, %arg12: memref<2xi32, #tpu.memory_space<smem>>) attributes {dimension_semantics = [#tpu.dimension_semantics<arbitrary>], iteration_bounds = array<i64: 100>, scalar_prefetch = 0 : i64, scratch_operands = 2 : i64, tpu.core_type = #tpu.core_type<tc>, window_params = [{transform_indices = @transform_0, window_bounds = array<i64: 1, 3200>}, {transform_indices = @transform_1, window_bounds = array<i64: 32, 3200>}, {transform_indices = @transform_2, window_bounds = array<i64: 32, 3200>}, {pipeline_mode = #tpu.pipeline_mode<synchronous>, transform_indices = @transform_3, window_bounds = array<i64: 32, 32>}, {pipeline_mode = #tpu.pipeline_mode<synchronous>, transform_indices = @transform_4, window_bounds = array<i64: 32, 32>}, {pipeline_mode = #tpu.pipeline_mode<synchronous>, transform_indices = @transform_5, window_bounds = array<i64: 32, 1>}, {pipeline_mode = #tpu.pipeline_mode<synchronous>, transform_indices = @transform_6, window_bounds = array<i64: 32, 1>}, {pipeline_mode = #tpu.pipeline_mode<synchronous>, transform_indices = @transform_7, window_bounds = array<i64: 32, 1>}, {transform_indices = @transform_8, window_bounds = array<i64: 32, 3200>}, {transform_indices = @transform_9, window_bounds = array<i64: 32, 3200>}]} {
    %eq3A = arith.constant 0 : i32
    %eq3A_0 = arith.cmpi eq, %arg0, %eq3A : i32
    %convert_element_type3A = arith.extui %eq3A_0 : i1 to i32
    %cond3A = arith.constant 0 : i32
    %cond3A_1 = arith.cmpi ne, %convert_element_type3A, %cond3A : i32
    scf.if %cond3A_1 {
      %broadcast_in_dim3A_453 = arith.constant -3.40282347E+38 : f32
      %broadcast_in_dim3A_454 = vector.broadcast %broadcast_in_dim3A_453 : f32 to vector<32x2xf32>
      %swap3A_455 = arith.constant 0 : index
      %swap3A_456 = arith.constant 0 : index
      %swap3A_457 = vector.load %arg11[%swap3A_455, %swap3A_456] : memref<32x2xf32, #tpu.memory_space<vmem>>, vector<32x2xf32>
      tpu.vector_store %arg11[%swap3A_455, %swap3A_456], %broadcast_in_dim3A_454 {strides = array<i32>} : memref<32x2xf32, #tpu.memory_space<vmem>>, vector<32x2xf32>,
      %swap3A_458 = arith.constant -1 : i32
      %swap3A_459 = arith.constant 0 : index
      %swap3A_460 = memref.load %arg12[%swap3A_459] : memref<2xi32, #tpu.memory_space<smem>>
      memref.store %swap3A_458, %arg12[%swap3A_459] : memref<2xi32, #tpu.memory_space<smem>>
      %swap3A_461 = arith.constant -1 : i32
      %swap3A_462 = arith.constant 1 : index
      %swap3A_463 = memref.load %arg12[%swap3A_462] : memref<2xi32, #tpu.memory_space<smem>>
      memref.store %swap3A_461, %arg12[%swap3A_462] : memref<2xi32, #tpu.memory_space<smem>>
    } else {
    }
    %get3A = arith.constant 0 : index
    %get3A_2 = arith.constant 0 : index
    %get3A_3 = vector.load %arg1[%get3A, %get3A_2] : memref<1x3200xi32, #tpu.memory_space<vmem>>, vector<1x3200xi32>
    %get3A_4 = arith.constant 0 : index
    %get3A_5 = arith.constant 0 : index
    %get3A_6 = vector.load %arg2[%get3A_4, %get3A_5] : memref<32x3200xf32, #tpu.memory_space<vmem>>, vector<32x3200xf32>
    %slice3A = vector.extract_strided_slice %get3A_6 {offsets = [0, 1], sizes = [32, 3199], strides = [1, 1]} : vector<32x3200xf32> to vector<32x3199xf32>
    %broadcast_in_dim3A = arith.constant -3.40282347E+38 : f32
    %broadcast_in_dim3A_7 = vector.broadcast %broadcast_in_dim3A : f32 to vector<32x1xf32>
    %concatenate3A = tpu.concatenate %slice3A, %broadcast_in_dim3A_7 in 1 : vector<32x3199xf32>, vector<32x1xf32> -> vector<32x3200xf32>
    %slice3A_8 = vector.extract_strided_slice %get3A_3 {offsets = [0, 1], sizes = [1, 3199], strides = [1, 1]} : vector<1x3200xi32> to vector<1x3199xi32>
    %broadcast_in_dim3A_9 = arith.constant -1 : i32
    %broadcast_in_dim3A_10 = vector.broadcast %broadcast_in_dim3A_9 : i32 to vector<1x1xi32>
    %concatenate3A_11 = tpu.concatenate %slice3A_8, %broadcast_in_dim3A_10 in 1 : vector<1x3199xi32>, vector<1x1xi32> -> vector<1x3200xi32>
    %eq3A_12 = arith.cmpi eq, %concatenate3A_11, %get3A_3 : vector<1x3200xi32>
    %jit3A = arith.constant -3.40282347E+38 : f32
    %broadcast_in_dim3A_13 = vector.shape_cast %eq3A_12 : vector<1x3200xi1> to vector<1x3200xi1>
    %broadcast_in_dim3A_14 = vector.broadcast %broadcast_in_dim3A_13 : vector<1x3200xi1> to vector<32x3200xi1>
    %broadcast_in_dim3A_15 = vector.broadcast %jit3A : f32 to vector<32x3200xf32>
    %select_n3A = arith.select %broadcast_in_dim3A_14, %concatenate3A, %broadcast_in_dim3A_15 : vector<32x3200xi1>, vector<32x3200xf32>
    %max3A = arith.maximumf %get3A_6, %select_n3A : vector<32x3200xf32>
    %slice3A_16 = vector.extract_strided_slice %max3A {offsets = [0, 2], sizes = [32, 3198], strides = [1, 1]} : vector<32x3200xf32> to vector<32x3198xf32>
    %broadcast_in_dim3A_17 = arith.constant -3.40282347E+38 : f32
    %broadcast_in_dim3A_18 = vector.broadcast %broadcast_in_dim3A_17 : f32 to vector<32x2xf32>
    %concatenate3A_19 = tpu.concatenate %slice3A_16, %broadcast_in_dim3A_18 in 1 : vector<32x3198xf32>, vector<32x2xf32> -> vector<32x3200xf32>
    %slice3A_20 = vector.extract_strided_slice %get3A_3 {offsets = [0, 2], sizes = [1, 3198], strides = [1, 1]} : vector<1x3200xi32> to vector<1x3198xi32>
    %broadcast_in_dim3A_21 = arith.constant -1 : i32
    %broadcast_in_dim3A_22 = vector.broadcast %broadcast_in_dim3A_21 : i32 to vector<1x2xi32>
    %concatenate3A_23 = tpu.concatenate %slice3A_20, %broadcast_in_dim3A_22 in 1 : vector<1x3198xi32>, vector<1x2xi32> -> vector<1x3200xi32>
    %eq3A_24 = arith.cmpi eq, %concatenate3A_23, %get3A_3 : vector<1x3200xi32>
    %jit3A_25 = arith.constant -3.40282347E+38 : f32
    %broadcast_in_dim3A_26 = vector.shape_cast %eq3A_24 : vector<1x3200xi1> to vector<1x3200xi1>
    %broadcast_in_dim3A_27 = vector.broadcast %broadcast_in_dim3A_26 : vector<1x3200xi1> to vector<32x3200xi1>
    %broadcast_in_dim3A_28 = vector.broadcast %jit3A_25 : f32 to vector<32x3200xf32>
    %select_n3A_29 = arith.select %broadcast_in_dim3A_27, %concatenate3A_19, %broadcast_in_dim3A_28 : vector<32x3200xi1>, vector<32x3200xf32>
    %max3A_30 = arith.maximumf %max3A, %select_n3A_29 : vector<32x3200xf32>
    %slice3A_31 = vector.extract_strided_slice %max3A_30 {offsets = [0, 4], sizes = [32, 3196], strides = [1, 1]} : vector<32x3200xf32> to vector<32x3196xf32>
    %broadcast_in_dim3A_32 = arith.constant -3.40282347E+38 : f32
    %broadcast_in_dim3A_33 = vector.broadcast %broadcast_in_dim3A_32 : f32 to vector<32x4xf32>
    %concatenate3A_34 = tpu.concatenate %slice3A_31, %broadcast_in_dim3A_33 in 1 : vector<32x3196xf32>, vector<32x4xf32> -> vector<32x3200xf32>
    %slice3A_35 = vector.extract_strided_slice %get3A_3 {offsets = [0, 4], sizes = [1, 3196], strides = [1, 1]} : vector<1x3200xi32> to vector<1x3196xi32>
    %broadcast_in_dim3A_36 = arith.constant -1 : i32
    %broadcast_in_dim3A_37 = vector.broadcast %broadcast_in_dim3A_36 : i32 to vector<1x4xi32>
    %concatenate3A_38 = tpu.concatenate %slice3A_35, %broadcast_in_dim3A_37 in 1 : vector<1x3196xi32>, vector<1x4xi32> -> vector<1x3200xi32>
    %eq3A_39 = arith.cmpi eq, %concatenate3A_38, %get3A_3 : vector<1x3200xi32>
    %jit3A_40 = arith.constant -3.40282347E+38 : f32
    %broadcast_in_dim3A_41 = vector.shape_cast %eq3A_39 : vector<1x3200xi1> to vector<1x3200xi1>
    %broadcast_in_dim3A_42 = vector.broadcast %broadcast_in_dim3A_41 : vector<1x3200xi1> to vector<32x3200xi1>
    %broadcast_in_dim3A_43 = vector.broadcast %jit3A_40 : f32 to vector<32x3200xf32>
    %select_n3A_44 = arith.select %broadcast_in_dim3A_42, %concatenate3A_34, %broadcast_in_dim3A_43 : vector<32x3200xi1>, vector<32x3200xf32>
    %max3A_45 = arith.maximumf %max3A_30, %select_n3A_44 : vector<32x3200xf32>
    %slice3A_46 = vector.extract_strided_slice %max3A_45 {offsets = [0, 8], sizes = [32, 3192], strides = [1, 1]} : vector<32x3200xf32> to vector<32x3192xf32>
    %broadcast_in_dim3A_47 = arith.constant -3.40282347E+38 : f32
    %broadcast_in_dim3A_48 = vector.broadcast %broadcast_in_dim3A_47 : f32 to vector<32x8xf32>
    %concatenate3A_49 = tpu.concatenate %slice3A_46, %broadcast_in_dim3A_48 in 1 : vector<32x3192xf32>, vector<32x8xf32> -> vector<32x3200xf32>
    %slice3A_50 = vector.extract_strided_slice %get3A_3 {offsets = [0, 8], sizes = [1, 3192], strides = [1, 1]} : vector<1x3200xi32> to vector<1x3192xi32>
    %broadcast_in_dim3A_51 = arith.constant -1 : i32
    %broadcast_in_dim3A_52 = vector.broadcast %broadcast_in_dim3A_51 : i32 to vector<1x8xi32>
    %concatenate3A_53 = tpu.concatenate %slice3A_50, %broadcast_in_dim3A_52 in 1 : vector<1x3192xi32>, vector<1x8xi32> -> vector<1x3200xi32>
    %eq3A_54 = arith.cmpi eq, %concatenate3A_53, %get3A_3 : vector<1x3200xi32>
    %jit3A_55 = arith.constant -3.40282347E+38 : f32
    %broadcast_in_dim3A_56 = vector.shape_cast %eq3A_54 : vector<1x3200xi1> to vector<1x3200xi1>
    %broadcast_in_dim3A_57 = vector.broadcast %broadcast_in_dim3A_56 : vector<1x3200xi1> to vector<32x3200xi1>
    %broadcast_in_dim3A_58 = vector.broadcast %jit3A_55 : f32 to vector<32x3200xf32>
    %select_n3A_59 = arith.select %broadcast_in_dim3A_57, %concatenate3A_49, %broadcast_in_dim3A_58 : vector<32x3200xi1>, vector<32x3200xf32>
    %max3A_60 = arith.maximumf %max3A_45, %select_n3A_59 : vector<32x3200xf32>
    %slice3A_61 = vector.extract_strided_slice %max3A_60 {offsets = [0, 16], sizes = [32, 3184], strides = [1, 1]} : vector<32x3200xf32> to vector<32x3184xf32>
    %broadcast_in_dim3A_62 = arith.constant -3.40282347E+38 : f32
    %broadcast_in_dim3A_63 = vector.broadcast %broadcast_in_dim3A_62 : f32 to vector<32x16xf32>
    %concatenate3A_64 = tpu.concatenate %slice3A_61, %broadcast_in_dim3A_63 in 1 : vector<32x3184xf32>, vector<32x16xf32> -> vector<32x3200xf32>
    %slice3A_65 = vector.extract_strided_slice %get3A_3 {offsets = [0, 16], sizes = [1, 3184], strides = [1, 1]} : vector<1x3200xi32> to vector<1x3184xi32>
    %broadcast_in_dim3A_66 = arith.constant -1 : i32
    %broadcast_in_dim3A_67 = vector.broadcast %broadcast_in_dim3A_66 : i32 to vector<1x16xi32>
    %concatenate3A_68 = tpu.concatenate %slice3A_65, %broadcast_in_dim3A_67 in 1 : vector<1x3184xi32>, vector<1x16xi32> -> vector<1x3200xi32>
    %eq3A_69 = arith.cmpi eq, %concatenate3A_68, %get3A_3 : vector<1x3200xi32>
    %jit3A_70 = arith.constant -3.40282347E+38 : f32
    %broadcast_in_dim3A_71 = vector.shape_cast %eq3A_69 : vector<1x3200xi1> to vector<1x3200xi1>
    %broadcast_in_dim3A_72 = vector.broadcast %broadcast_in_dim3A_71 : vector<1x3200xi1> to vector<32x3200xi1>
    %broadcast_in_dim3A_73 = vector.broadcast %jit3A_70 : f32 to vector<32x3200xf32>
    %select_n3A_74 = arith.select %broadcast_in_dim3A_72, %concatenate3A_64, %broadcast_in_dim3A_73 : vector<32x3200xi1>, vector<32x3200xf32>
    %max3A_75 = arith.maximumf %max3A_60, %select_n3A_74 : vector<32x3200xf32>
    %slice3A_76 = vector.extract_strided_slice %max3A_75 {offsets = [0, 32], sizes = [32, 3168], strides = [1, 1]} : vector<32x3200xf32> to vector<32x3168xf32>
    %broadcast_in_dim3A_77 = arith.constant -3.40282347E+38 : f32
    %broadcast_in_dim3A_78 = vector.broadcast %broadcast_in_dim3A_77 : f32 to vector<32x32xf32>
    %concatenate3A_79 = tpu.concatenate %slice3A_76, %broadcast_in_dim3A_78 in 1 : vector<32x3168xf32>, vector<32x32xf32> -> vector<32x3200xf32>
    %slice3A_80 = vector.extract_strided_slice %get3A_3 {offsets = [0, 32], sizes = [1, 3168], strides = [1, 1]} : vector<1x3200xi32> to vector<1x3168xi32>
    %broadcast_in_dim3A_81 = arith.constant -1 : i32
    %broadcast_in_dim3A_82 = vector.broadcast %broadcast_in_dim3A_81 : i32 to vector<1x32xi32>
    %concatenate3A_83 = tpu.concatenate %slice3A_80, %broadcast_in_dim3A_82 in 1 : vector<1x3168xi32>, vector<1x32xi32> -> vector<1x3200xi32>
    %eq3A_84 = arith.cmpi eq, %concatenate3A_83, %get3A_3 : vector<1x3200xi32>
    %jit3A_85 = arith.constant -3.40282347E+38 : f32
    %broadcast_in_dim3A_86 = vector.shape_cast %eq3A_84 : vector<1x3200xi1> to vector<1x3200xi1>
    %broadcast_in_dim3A_87 = vector.broadcast %broadcast_in_dim3A_86 : vector<1x3200xi1> to vector<32x3200xi1>
    %broadcast_in_dim3A_88 = vector.broadcast %jit3A_85 : f32 to vector<32x3200xf32>
    %select_n3A_89 = arith.select %broadcast_in_dim3A_87, %concatenate3A_79, %broadcast_in_dim3A_88 : vector<32x3200xi1>, vector<32x3200xf32>
    %max3A_90 = arith.maximumf %max3A_75, %select_n3A_89 : vector<32x3200xf32>
    %slice3A_91 = vector.extract_strided_slice %max3A_90 {offsets = [0, 64], sizes = [32, 3136], strides = [1, 1]} : vector<32x3200xf32> to vector<32x3136xf32>
    %broadcast_in_dim3A_92 = arith.constant -3.40282347E+38 : f32
    %broadcast_in_dim3A_93 = vector.broadcast %broadcast_in_dim3A_92 : f32 to vector<32x64xf32>
    %concatenate3A_94 = tpu.concatenate %slice3A_91, %broadcast_in_dim3A_93 in 1 : vector<32x3136xf32>, vector<32x64xf32> -> vector<32x3200xf32>
    %slice3A_95 = vector.extract_strided_slice %get3A_3 {offsets = [0, 64], sizes = [1, 3136], strides = [1, 1]} : vector<1x3200xi32> to vector<1x3136xi32>
    %broadcast_in_dim3A_96 = arith.constant -1 : i32
    %broadcast_in_dim3A_97 = vector.broadcast %broadcast_in_dim3A_96 : i32 to vector<1x64xi32>
    %concatenate3A_98 = tpu.concatenate %slice3A_95, %broadcast_in_dim3A_97 in 1 : vector<1x3136xi32>, vector<1x64xi32> -> vector<1x3200xi32>
    %eq3A_99 = arith.cmpi eq, %concatenate3A_98, %get3A_3 : vector<1x3200xi32>
    %jit3A_100 = arith.constant -3.40282347E+38 : f32
    %broadcast_in_dim3A_101 = vector.shape_cast %eq3A_99 : vector<1x3200xi1> to vector<1x3200xi1>
    %broadcast_in_dim3A_102 = vector.broadcast %broadcast_in_dim3A_101 : vector<1x3200xi1> to vector<32x3200xi1>
    %broadcast_in_dim3A_103 = vector.broadcast %jit3A_100 : f32 to vector<32x3200xf32>
    %select_n3A_104 = arith.select %broadcast_in_dim3A_102, %concatenate3A_94, %broadcast_in_dim3A_103 : vector<32x3200xi1>, vector<32x3200xf32>
    %max3A_105 = arith.maximumf %max3A_90, %select_n3A_104 : vector<32x3200xf32>
    %slice3A_106 = vector.extract_strided_slice %max3A_105 {offsets = [0, 128], sizes = [32, 3072], strides = [1, 1]} : vector<32x3200xf32> to vector<32x3072xf32>
    %broadcast_in_dim3A_107 = arith.constant -3.40282347E+38 : f32
    %broadcast_in_dim3A_108 = vector.broadcast %broadcast_in_dim3A_107 : f32 to vector<32x128xf32>
    %concatenate3A_109 = tpu.concatenate %slice3A_106, %broadcast_in_dim3A_108 in 1 : vector<32x3072xf32>, vector<32x128xf32> -> vector<32x3200xf32>
    %slice3A_110 = vector.extract_strided_slice %get3A_3 {offsets = [0, 128], sizes = [1, 3072], strides = [1, 1]} : vector<1x3200xi32> to vector<1x3072xi32>
    %broadcast_in_dim3A_111 = arith.constant -1 : i32
    %broadcast_in_dim3A_112 = vector.broadcast %broadcast_in_dim3A_111 : i32 to vector<1x128xi32>
    %concatenate3A_113 = tpu.concatenate %slice3A_110, %broadcast_in_dim3A_112 in 1 : vector<1x3072xi32>, vector<1x128xi32> -> vector<1x3200xi32>
    %eq3A_114 = arith.cmpi eq, %concatenate3A_113, %get3A_3 : vector<1x3200xi32>
    %jit3A_115 = arith.constant -3.40282347E+38 : f32
    %broadcast_in_dim3A_116 = vector.shape_cast %eq3A_114 : vector<1x3200xi1> to vector<1x3200xi1>
    %broadcast_in_dim3A_117 = vector.broadcast %broadcast_in_dim3A_116 : vector<1x3200xi1> to vector<32x3200xi1>
    %broadcast_in_dim3A_118 = vector.broadcast %jit3A_115 : f32 to vector<32x3200xf32>
    %select_n3A_119 = arith.select %broadcast_in_dim3A_117, %concatenate3A_109, %broadcast_in_dim3A_118 : vector<32x3200xi1>, vector<32x3200xf32>
    %max3A_120 = arith.maximumf %max3A_105, %select_n3A_119 : vector<32x3200xf32>
    %slice3A_121 = vector.extract_strided_slice %max3A_120 {offsets = [0, 256], sizes = [32, 2944], strides = [1, 1]} : vector<32x3200xf32> to vector<32x2944xf32>
    %broadcast_in_dim3A_122 = arith.constant -3.40282347E+38 : f32
    %broadcast_in_dim3A_123 = vector.broadcast %broadcast_in_dim3A_122 : f32 to vector<32x256xf32>
    %concatenate3A_124 = tpu.concatenate %slice3A_121, %broadcast_in_dim3A_123 in 1 : vector<32x2944xf32>, vector<32x256xf32> -> vector<32x3200xf32>
    %slice3A_125 = vector.extract_strided_slice %get3A_3 {offsets = [0, 256], sizes = [1, 2944], strides = [1, 1]} : vector<1x3200xi32> to vector<1x2944xi32>
    %broadcast_in_dim3A_126 = arith.constant -1 : i32
    %broadcast_in_dim3A_127 = vector.broadcast %broadcast_in_dim3A_126 : i32 to vector<1x256xi32>
    %concatenate3A_128 = tpu.concatenate %slice3A_125, %broadcast_in_dim3A_127 in 1 : vector<1x2944xi32>, vector<1x256xi32> -> vector<1x3200xi32>
    %eq3A_129 = arith.cmpi eq, %concatenate3A_128, %get3A_3 : vector<1x3200xi32>
    %jit3A_130 = arith.constant -3.40282347E+38 : f32
    %broadcast_in_dim3A_131 = vector.shape_cast %eq3A_129 : vector<1x3200xi1> to vector<1x3200xi1>
    %broadcast_in_dim3A_132 = vector.broadcast %broadcast_in_dim3A_131 : vector<1x3200xi1> to vector<32x3200xi1>
    %broadcast_in_dim3A_133 = vector.broadcast %jit3A_130 : f32 to vector<32x3200xf32>
    %select_n3A_134 = arith.select %broadcast_in_dim3A_132, %concatenate3A_124, %broadcast_in_dim3A_133 : vector<32x3200xi1>, vector<32x3200xf32>
    %max3A_135 = arith.maximumf %max3A_120, %select_n3A_134 : vector<32x3200xf32>
    %slice3A_136 = vector.extract_strided_slice %max3A_135 {offsets = [0, 512], sizes = [32, 2688], strides = [1, 1]} : vector<32x3200xf32> to vector<32x2688xf32>
    %broadcast_in_dim3A_137 = arith.constant -3.40282347E+38 : f32
    %broadcast_in_dim3A_138 = vector.broadcast %broadcast_in_dim3A_137 : f32 to vector<32x512xf32>
    %concatenate3A_139 = tpu.concatenate %slice3A_136, %broadcast_in_dim3A_138 in 1 : vector<32x2688xf32>, vector<32x512xf32> -> vector<32x3200xf32>
    %slice3A_140 = vector.extract_strided_slice %get3A_3 {offsets = [0, 512], sizes = [1, 2688], strides = [1, 1]} : vector<1x3200xi32> to vector<1x2688xi32>
    %broadcast_in_dim3A_141 = arith.constant -1 : i32
    %broadcast_in_dim3A_142 = vector.broadcast %broadcast_in_dim3A_141 : i32 to vector<1x512xi32>
    %concatenate3A_143 = tpu.concatenate %slice3A_140, %broadcast_in_dim3A_142 in 1 : vector<1x2688xi32>, vector<1x512xi32> -> vector<1x3200xi32>
    %eq3A_144 = arith.cmpi eq, %concatenate3A_143, %get3A_3 : vector<1x3200xi32>
    %jit3A_145 = arith.constant -3.40282347E+38 : f32
    %broadcast_in_dim3A_146 = vector.shape_cast %eq3A_144 : vector<1x3200xi1> to vector<1x3200xi1>
    %broadcast_in_dim3A_147 = vector.broadcast %broadcast_in_dim3A_146 : vector<1x3200xi1> to vector<32x3200xi1>
    %broadcast_in_dim3A_148 = vector.broadcast %jit3A_145 : f32 to vector<32x3200xf32>
    %select_n3A_149 = arith.select %broadcast_in_dim3A_147, %concatenate3A_139, %broadcast_in_dim3A_148 : vector<32x3200xi1>, vector<32x3200xf32>
    %max3A_150 = arith.maximumf %max3A_135, %select_n3A_149 : vector<32x3200xf32>
    %slice3A_151 = vector.extract_strided_slice %max3A_150 {offsets = [0, 1024], sizes = [32, 2176], strides = [1, 1]} : vector<32x3200xf32> to vector<32x2176xf32>
    %broadcast_in_dim3A_152 = arith.constant -3.40282347E+38 : f32
    %broadcast_in_dim3A_153 = vector.broadcast %broadcast_in_dim3A_152 : f32 to vector<32x1024xf32>
    %concatenate3A_154 = tpu.concatenate %slice3A_151, %broadcast_in_dim3A_153 in 1 : vector<32x2176xf32>, vector<32x1024xf32> -> vector<32x3200xf32>
    %slice3A_155 = vector.extract_strided_slice %get3A_3 {offsets = [0, 1024], sizes = [1, 2176], strides = [1, 1]} : vector<1x3200xi32> to vector<1x2176xi32>
    %broadcast_in_dim3A_156 = arith.constant -1 : i32
    %broadcast_in_dim3A_157 = vector.broadcast %broadcast_in_dim3A_156 : i32 to vector<1x1024xi32>
    %concatenate3A_158 = tpu.concatenate %slice3A_155, %broadcast_in_dim3A_157 in 1 : vector<1x2176xi32>, vector<1x1024xi32> -> vector<1x3200xi32>
    %eq3A_159 = arith.cmpi eq, %concatenate3A_158, %get3A_3 : vector<1x3200xi32>
    %jit3A_160 = arith.constant -3.40282347E+38 : f32
    %broadcast_in_dim3A_161 = vector.shape_cast %eq3A_159 : vector<1x3200xi1> to vector<1x3200xi1>
    %broadcast_in_dim3A_162 = vector.broadcast %broadcast_in_dim3A_161 : vector<1x3200xi1> to vector<32x3200xi1>
    %broadcast_in_dim3A_163 = vector.broadcast %jit3A_160 : f32 to vector<32x3200xf32>
    %select_n3A_164 = arith.select %broadcast_in_dim3A_162, %concatenate3A_154, %broadcast_in_dim3A_163 : vector<32x3200xi1>, vector<32x3200xf32>
    %max3A_165 = arith.maximumf %max3A_150, %select_n3A_164 : vector<32x3200xf32>
    %slice3A_166 = vector.extract_strided_slice %max3A_165 {offsets = [0, 2048], sizes = [32, 1152], strides = [1, 1]} : vector<32x3200xf32> to vector<32x1152xf32>
    %broadcast_in_dim3A_167 = arith.constant -3.40282347E+38 : f32
    %broadcast_in_dim3A_168 = vector.broadcast %broadcast_in_dim3A_167 : f32 to vector<32x2048xf32>
    %concatenate3A_169 = tpu.concatenate %slice3A_166, %broadcast_in_dim3A_168 in 1 : vector<32x1152xf32>, vector<32x2048xf32> -> vector<32x3200xf32>
    %slice3A_170 = vector.extract_strided_slice %get3A_3 {offsets = [0, 2048], sizes = [1, 1152], strides = [1, 1]} : vector<1x3200xi32> to vector<1x1152xi32>
    %broadcast_in_dim3A_171 = arith.constant -1 : i32
    %broadcast_in_dim3A_172 = vector.broadcast %broadcast_in_dim3A_171 : i32 to vector<1x2048xi32>
    %concatenate3A_173 = tpu.concatenate %slice3A_170, %broadcast_in_dim3A_172 in 1 : vector<1x1152xi32>, vector<1x2048xi32> -> vector<1x3200xi32>
    %eq3A_174 = arith.cmpi eq, %concatenate3A_173, %get3A_3 : vector<1x3200xi32>
    %jit3A_175 = arith.constant -3.40282347E+38 : f32
    %broadcast_in_dim3A_176 = vector.shape_cast %eq3A_174 : vector<1x3200xi1> to vector<1x3200xi1>
    %broadcast_in_dim3A_177 = vector.broadcast %broadcast_in_dim3A_176 : vector<1x3200xi1> to vector<32x3200xi1>
    %broadcast_in_dim3A_178 = vector.broadcast %jit3A_175 : f32 to vector<32x3200xf32>
    %select_n3A_179 = arith.select %broadcast_in_dim3A_177, %concatenate3A_169, %broadcast_in_dim3A_178 : vector<32x3200xi1>, vector<32x3200xf32>
    %max3A_180 = arith.maximumf %max3A_165, %select_n3A_179 : vector<32x3200xf32>
    %get3A_181 = arith.constant 0 : index
    %get3A_182 = memref.load %arg12[%get3A_181] : memref<2xi32, #tpu.memory_space<smem>>
    %eq3A_183 = vector.broadcast %get3A_182 : i32 to vector<1x3200xi32>
    %eq3A_184 = arith.cmpi eq, %get3A_3, %eq3A_183 : vector<1x3200xi32>
    %get3A_185 = arith.constant 0 : index
    %get3A_186 = arith.constant 0 : index
    %get3A_187 = vector.load %arg11[%get3A_185, %get3A_186] : memref<32x2xf32, #tpu.memory_space<vmem>>, vector<32x1xf32>
    %max3A_188 = vector.broadcast %get3A_187 : vector<32x1xf32> to vector<32x3200xf32>
    %max3A_189 = arith.maximumf %max3A_180, %max3A_188 : vector<32x3200xf32>
    %broadcast_in_dim3A_190 = vector.shape_cast %eq3A_184 : vector<1x3200xi1> to vector<1x3200xi1>
    %broadcast_in_dim3A_191 = vector.broadcast %broadcast_in_dim3A_190 : vector<1x3200xi1> to vector<32x3200xi1>
    %select_n3A_192 = arith.select %broadcast_in_dim3A_191, %max3A_189, %max3A_180 : vector<32x3200xi1>, vector<32x3200xf32>
    %slice3A_193 = vector.extract_strided_slice %select_n3A_192 {offsets = [0, 0], sizes = [32, 1], strides = [1, 1]} : vector<32x3200xf32> to vector<32x1xf32>
    %swap3A = arith.constant 0 : index
    %swap3A_194 = arith.constant 0 : index
    %swap3A_195 = vector.load %arg11[%swap3A, %swap3A_194] : memref<32x2xf32, #tpu.memory_space<vmem>>, vector<32x1xf32>
    tpu.vector_store %arg11[%swap3A, %swap3A_194], %slice3A_193 {strides = array<i32>} : memref<32x2xf32, #tpu.memory_space<vmem>>, vector<32x1xf32>,
    %slice3A_196 = vector.extract_strided_slice %get3A_3 {offsets = [0, 0], sizes = [1, 1], strides = [1, 1]} : vector<1x3200xi32> to vector<1x1xi32>
    %squeeze3A = vector.extract %slice3A_196[0, 0] : i32 from vector<1x1xi32>
    %swap3A_197 = arith.constant 0 : index
    %swap3A_198 = memref.load %arg12[%swap3A_197] : memref<2xi32, #tpu.memory_space<smem>>
    memref.store %squeeze3A, %arg12[%swap3A_197] : memref<2xi32, #tpu.memory_space<smem>>
    %get3A_199 = arith.constant 0 : index
    %get3A_200 = arith.constant 0 : index
    %get3A_201 = vector.load %arg3[%get3A_199, %get3A_200] : memref<32x3200xf32, #tpu.memory_space<vmem>>, vector<32x3200xf32>
    %max3A_202 = arith.maximumf %get3A_201, %select_n3A_192 : vector<32x3200xf32>
    %get3A_203 = arith.constant 0 : index
    %get3A_204 = arith.constant 0 : index
    %get3A_205 = vector.load %arg4[%get3A_203, %get3A_204] : memref<32x32xf32, #tpu.memory_space<vmem>>, vector<32x32xf32>
    %dot_general3A = arith.constant dense<0.000000e+00> : vector<32x3200xf32>
    %dot_general3A_206 = tpu.matmul %get3A_205, %get3A_6, %dot_general3A {dimension_numbers = #tpu.dot_dimension_numbers<[1], [0], [0], [1], [0, 0, 1, 1], [], []>, transpose_lhs_hint = false} : vector<32x32xf32>, vector<32x3200xf32>, vector<32x3200xf32> -> vector<32x3200xf32>
    %get3A_207 = arith.constant 0 : index
    %get3A_208 = arith.constant 0 : index
    %get3A_209 = vector.load %arg5[%get3A_207, %get3A_208] : memref<32x32xf32, #tpu.memory_space<vmem>>, vector<32x32xf32>
    %dot_general3A_210 = arith.constant dense<0.000000e+00> : vector<32x3200xf32>
    %dot_general3A_211 = tpu.matmul %get3A_209, %max3A_202, %dot_general3A_210 {dimension_numbers = #tpu.dot_dimension_numbers<[1], [0], [0], [1], [0, 0, 1, 1], [], []>, transpose_lhs_hint = false} : vector<32x32xf32>, vector<32x3200xf32>, vector<32x3200xf32> -> vector<32x3200xf32>
    %add3A = arith.addf %dot_general3A_206, %dot_general3A_211 : vector<32x3200xf32>
    %get3A_212 = arith.constant 0 : index
    %get3A_213 = arith.constant 0 : index
    %get3A_214 = vector.load %arg6[%get3A_212, %get3A_213] : memref<32x1xf32, #tpu.memory_space<vmem>>, vector<32x1xf32>
    %add3A_215 = vector.broadcast %get3A_214 : vector<32x1xf32> to vector<32x3200xf32>
    %add3A_216 = arith.addf %add3A, %add3A_215 : vector<32x3200xf32>
    %get3A_217 = arith.constant 0 : index
    %get3A_218 = arith.constant 0 : index
    %get3A_219 = vector.load %arg7[%get3A_217, %get3A_218] : memref<32x1xf32, #tpu.memory_space<vmem>>, vector<32x1xf32>
    %get3A_220 = arith.constant 0 : index
    %get3A_221 = arith.constant 0 : index
    %get3A_222 = vector.load %arg8[%get3A_220, %get3A_221] : memref<32x1xf32, #tpu.memory_space<vmem>>, vector<32x1xf32>
    %reduce_sum3A = arith.constant dense<0.000000e+00> : vector<3200xf32>
    %reduce_sum3A_223 = vector.multi_reduction <add>, %add3A_216, %reduce_sum3A [0] : vector<32x3200xf32> to vector<3200xf32>
    %broadcast_in_dim3A_224 = vector.shape_cast %reduce_sum3A_223 : vector<3200xf32> to vector<1x3200xf32>
    %div3A = arith.constant 3.200000e+01 : f32
    %div3A_225 = vector.broadcast %div3A : f32 to vector<1x3200xf32>
    %div3A_226 = arith.divf %broadcast_in_dim3A_224, %div3A_225 : vector<1x3200xf32>
    %sub3A = vector.broadcast %div3A_226 : vector<1x3200xf32> to vector<32x3200xf32>
    %sub3A_227 = arith.subf %add3A_216, %sub3A : vector<32x3200xf32>
    %integer_pow3A = arith.mulf %sub3A_227, %sub3A_227 : vector<32x3200xf32>
    %reduce_sum3A_228 = arith.constant dense<0.000000e+00> : vector<3200xf32>
    %reduce_sum3A_229 = vector.multi_reduction <add>, %integer_pow3A, %reduce_sum3A_228 [0] : vector<32x3200xf32> to vector<3200xf32>
    %broadcast_in_dim3A_230 = vector.shape_cast %reduce_sum3A_229 : vector<3200xf32> to vector<1x3200xf32>
    %div3A_231 = arith.constant 3.200000e+01 : f32
    %div3A_232 = vector.broadcast %div3A_231 : f32 to vector<1x3200xf32>
    %div3A_233 = arith.divf %broadcast_in_dim3A_230, %div3A_232 : vector<1x3200xf32>
    %sub3A_234 = vector.broadcast %div3A_226 : vector<1x3200xf32> to vector<32x3200xf32>
    %sub3A_235 = arith.subf %add3A_216, %sub3A_234 : vector<32x3200xf32>
    %add3A_236 = arith.constant 1.000000e-03 : f32
    %add3A_237 = vector.broadcast %add3A_236 : f32 to vector<1x3200xf32>
    %add3A_238 = arith.addf %div3A_233, %add3A_237 : vector<1x3200xf32>
    %sqrt3A = math.sqrt %add3A_238 : vector<1x3200xf32>
    %div3A_239 = vector.broadcast %sqrt3A : vector<1x3200xf32> to vector<32x3200xf32>
    %div3A_240 = arith.divf %sub3A_235, %div3A_239 : vector<32x3200xf32>
    %mul3A = vector.broadcast %get3A_219 : vector<32x1xf32> to vector<32x3200xf32>
    %mul3A_241 = arith.mulf %div3A_240, %mul3A : vector<32x3200xf32>
    %add3A_242 = vector.broadcast %get3A_222 : vector<32x1xf32> to vector<32x3200xf32>
    %add3A_243 = arith.addf %mul3A_241, %add3A_242 : vector<32x3200xf32>
    %max3A_244 = arith.constant 0.000000e+00 : f32
    %max3A_245 = vector.broadcast %max3A_244 : f32 to vector<32x3200xf32>
    %max3A_246 = arith.maximumf %add3A_243, %max3A_245 : vector<32x3200xf32>
    %swap3A_247 = arith.constant 0 : index
    %swap3A_248 = arith.constant 0 : index
    %swap3A_249 = vector.load %arg9[%swap3A_247, %swap3A_248] : memref<32x3200xf32, #tpu.memory_space<vmem>>, vector<32x3200xf32>
    tpu.vector_store %arg9[%swap3A_247, %swap3A_248], %max3A_246 {strides = array<i32>} : memref<32x3200xf32, #tpu.memory_space<vmem>>, vector<32x3200xf32>,
    %slice3A_250 = vector.extract_strided_slice %max3A_246 {offsets = [0, 1], sizes = [32, 3199], strides = [1, 1]} : vector<32x3200xf32> to vector<32x3199xf32>
    %broadcast_in_dim3A_251 = arith.constant -3.40282347E+38 : f32
    %broadcast_in_dim3A_252 = vector.broadcast %broadcast_in_dim3A_251 : f32 to vector<32x1xf32>
    %concatenate3A_253 = tpu.concatenate %slice3A_250, %broadcast_in_dim3A_252 in 1 : vector<32x3199xf32>, vector<32x1xf32> -> vector<32x3200xf32>
    %slice3A_254 = vector.extract_strided_slice %get3A_3 {offsets = [0, 1], sizes = [1, 3199], strides = [1, 1]} : vector<1x3200xi32> to vector<1x3199xi32>
    %broadcast_in_dim3A_255 = arith.constant -1 : i32
    %broadcast_in_dim3A_256 = vector.broadcast %broadcast_in_dim3A_255 : i32 to vector<1x1xi32>
    %concatenate3A_257 = tpu.concatenate %slice3A_254, %broadcast_in_dim3A_256 in 1 : vector<1x3199xi32>, vector<1x1xi32> -> vector<1x3200xi32>
    %eq3A_258 = arith.cmpi eq, %concatenate3A_257, %get3A_3 : vector<1x3200xi32>
    %jit3A_259 = arith.constant -3.40282347E+38 : f32
    %broadcast_in_dim3A_260 = vector.shape_cast %eq3A_258 : vector<1x3200xi1> to vector<1x3200xi1>
    %broadcast_in_dim3A_261 = vector.broadcast %broadcast_in_dim3A_260 : vector<1x3200xi1> to vector<32x3200xi1>
    %broadcast_in_dim3A_262 = vector.broadcast %jit3A_259 : f32 to vector<32x3200xf32>
    %select_n3A_263 = arith.select %broadcast_in_dim3A_261, %concatenate3A_253, %broadcast_in_dim3A_262 : vector<32x3200xi1>, vector<32x3200xf32>
    %max3A_264 = arith.maximumf %max3A_246, %select_n3A_263 : vector<32x3200xf32>
    %slice3A_265 = vector.extract_strided_slice %max3A_264 {offsets = [0, 2], sizes = [32, 3198], strides = [1, 1]} : vector<32x3200xf32> to vector<32x3198xf32>
    %broadcast_in_dim3A_266 = arith.constant -3.40282347E+38 : f32
    %broadcast_in_dim3A_267 = vector.broadcast %broadcast_in_dim3A_266 : f32 to vector<32x2xf32>
    %concatenate3A_268 = tpu.concatenate %slice3A_265, %broadcast_in_dim3A_267 in 1 : vector<32x3198xf32>, vector<32x2xf32> -> vector<32x3200xf32>
    %slice3A_269 = vector.extract_strided_slice %get3A_3 {offsets = [0, 2], sizes = [1, 3198], strides = [1, 1]} : vector<1x3200xi32> to vector<1x3198xi32>
    %broadcast_in_dim3A_270 = arith.constant -1 : i32
    %broadcast_in_dim3A_271 = vector.broadcast %broadcast_in_dim3A_270 : i32 to vector<1x2xi32>
    %concatenate3A_272 = tpu.concatenate %slice3A_269, %broadcast_in_dim3A_271 in 1 : vector<1x3198xi32>, vector<1x2xi32> -> vector<1x3200xi32>
    %eq3A_273 = arith.cmpi eq, %concatenate3A_272, %get3A_3 : vector<1x3200xi32>
    %jit3A_274 = arith.constant -3.40282347E+38 : f32
    %broadcast_in_dim3A_275 = vector.shape_cast %eq3A_273 : vector<1x3200xi1> to vector<1x3200xi1>
    %broadcast_in_dim3A_276 = vector.broadcast %broadcast_in_dim3A_275 : vector<1x3200xi1> to vector<32x3200xi1>
    %broadcast_in_dim3A_277 = vector.broadcast %jit3A_274 : f32 to vector<32x3200xf32>
    %select_n3A_278 = arith.select %broadcast_in_dim3A_276, %concatenate3A_268, %broadcast_in_dim3A_277 : vector<32x3200xi1>, vector<32x3200xf32>
    %max3A_279 = arith.maximumf %max3A_264, %select_n3A_278 : vector<32x3200xf32>
    %slice3A_280 = vector.extract_strided_slice %max3A_279 {offsets = [0, 4], sizes = [32, 3196], strides = [1, 1]} : vector<32x3200xf32> to vector<32x3196xf32>
    %broadcast_in_dim3A_281 = arith.constant -3.40282347E+38 : f32
    %broadcast_in_dim3A_282 = vector.broadcast %broadcast_in_dim3A_281 : f32 to vector<32x4xf32>
    %concatenate3A_283 = tpu.concatenate %slice3A_280, %broadcast_in_dim3A_282 in 1 : vector<32x3196xf32>, vector<32x4xf32> -> vector<32x3200xf32>
    %slice3A_284 = vector.extract_strided_slice %get3A_3 {offsets = [0, 4], sizes = [1, 3196], strides = [1, 1]} : vector<1x3200xi32> to vector<1x3196xi32>
    %broadcast_in_dim3A_285 = arith.constant -1 : i32
    %broadcast_in_dim3A_286 = vector.broadcast %broadcast_in_dim3A_285 : i32 to vector<1x4xi32>
    %concatenate3A_287 = tpu.concatenate %slice3A_284, %broadcast_in_dim3A_286 in 1 : vector<1x3196xi32>, vector<1x4xi32> -> vector<1x3200xi32>
    %eq3A_288 = arith.cmpi eq, %concatenate3A_287, %get3A_3 : vector<1x3200xi32>
    %jit3A_289 = arith.constant -3.40282347E+38 : f32
    %broadcast_in_dim3A_290 = vector.shape_cast %eq3A_288 : vector<1x3200xi1> to vector<1x3200xi1>
    %broadcast_in_dim3A_291 = vector.broadcast %broadcast_in_dim3A_290 : vector<1x3200xi1> to vector<32x3200xi1>
    %broadcast_in_dim3A_292 = vector.broadcast %jit3A_289 : f32 to vector<32x3200xf32>
    %select_n3A_293 = arith.select %broadcast_in_dim3A_291, %concatenate3A_283, %broadcast_in_dim3A_292 : vector<32x3200xi1>, vector<32x3200xf32>
    %max3A_294 = arith.maximumf %max3A_279, %select_n3A_293 : vector<32x3200xf32>
    %slice3A_295 = vector.extract_strided_slice %max3A_294 {offsets = [0, 8], sizes = [32, 3192], strides = [1, 1]} : vector<32x3200xf32> to vector<32x3192xf32>
    %broadcast_in_dim3A_296 = arith.constant -3.40282347E+38 : f32
    %broadcast_in_dim3A_297 = vector.broadcast %broadcast_in_dim3A_296 : f32 to vector<32x8xf32>
    %concatenate3A_298 = tpu.concatenate %slice3A_295, %broadcast_in_dim3A_297 in 1 : vector<32x3192xf32>, vector<32x8xf32> -> vector<32x3200xf32>
    %slice3A_299 = vector.extract_strided_slice %get3A_3 {offsets = [0, 8], sizes = [1, 3192], strides = [1, 1]} : vector<1x3200xi32> to vector<1x3192xi32>
    %broadcast_in_dim3A_300 = arith.constant -1 : i32
    %broadcast_in_dim3A_301 = vector.broadcast %broadcast_in_dim3A_300 : i32 to vector<1x8xi32>
    %concatenate3A_302 = tpu.concatenate %slice3A_299, %broadcast_in_dim3A_301 in 1 : vector<1x3192xi32>, vector<1x8xi32> -> vector<1x3200xi32>
    %eq3A_303 = arith.cmpi eq, %concatenate3A_302, %get3A_3 : vector<1x3200xi32>
    %jit3A_304 = arith.constant -3.40282347E+38 : f32
    %broadcast_in_dim3A_305 = vector.shape_cast %eq3A_303 : vector<1x3200xi1> to vector<1x3200xi1>
    %broadcast_in_dim3A_306 = vector.broadcast %broadcast_in_dim3A_305 : vector<1x3200xi1> to vector<32x3200xi1>
    %broadcast_in_dim3A_307 = vector.broadcast %jit3A_304 : f32 to vector<32x3200xf32>
    %select_n3A_308 = arith.select %broadcast_in_dim3A_306, %concatenate3A_298, %broadcast_in_dim3A_307 : vector<32x3200xi1>, vector<32x3200xf32>
    %max3A_309 = arith.maximumf %max3A_294, %select_n3A_308 : vector<32x3200xf32>
    %slice3A_310 = vector.extract_strided_slice %max3A_309 {offsets = [0, 16], sizes = [32, 3184], strides = [1, 1]} : vector<32x3200xf32> to vector<32x3184xf32>
    %broadcast_in_dim3A_311 = arith.constant -3.40282347E+38 : f32
    %broadcast_in_dim3A_312 = vector.broadcast %broadcast_in_dim3A_311 : f32 to vector<32x16xf32>
    %concatenate3A_313 = tpu.concatenate %slice3A_310, %broadcast_in_dim3A_312 in 1 : vector<32x3184xf32>, vector<32x16xf32> -> vector<32x3200xf32>
    %slice3A_314 = vector.extract_strided_slice %get3A_3 {offsets = [0, 16], sizes = [1, 3184], strides = [1, 1]} : vector<1x3200xi32> to vector<1x3184xi32>
    %broadcast_in_dim3A_315 = arith.constant -1 : i32
    %broadcast_in_dim3A_316 = vector.broadcast %broadcast_in_dim3A_315 : i32 to vector<1x16xi32>
    %concatenate3A_317 = tpu.concatenate %slice3A_314, %broadcast_in_dim3A_316 in 1 : vector<1x3184xi32>, vector<1x16xi32> -> vector<1x3200xi32>
    %eq3A_318 = arith.cmpi eq, %concatenate3A_317, %get3A_3 : vector<1x3200xi32>
    %jit3A_319 = arith.constant -3.40282347E+38 : f32
    %broadcast_in_dim3A_320 = vector.shape_cast %eq3A_318 : vector<1x3200xi1> to vector<1x3200xi1>
    %broadcast_in_dim3A_321 = vector.broadcast %broadcast_in_dim3A_320 : vector<1x3200xi1> to vector<32x3200xi1>
    %broadcast_in_dim3A_322 = vector.broadcast %jit3A_319 : f32 to vector<32x3200xf32>
    %select_n3A_323 = arith.select %broadcast_in_dim3A_321, %concatenate3A_313, %broadcast_in_dim3A_322 : vector<32x3200xi1>, vector<32x3200xf32>
    %max3A_324 = arith.maximumf %max3A_309, %select_n3A_323 : vector<32x3200xf32>
    %slice3A_325 = vector.extract_strided_slice %max3A_324 {offsets = [0, 32], sizes = [32, 3168], strides = [1, 1]} : vector<32x3200xf32> to vector<32x3168xf32>
    %broadcast_in_dim3A_326 = arith.constant -3.40282347E+38 : f32
    %broadcast_in_dim3A_327 = vector.broadcast %broadcast_in_dim3A_326 : f32 to vector<32x32xf32>
    %concatenate3A_328 = tpu.concatenate %slice3A_325, %broadcast_in_dim3A_327 in 1 : vector<32x3168xf32>, vector<32x32xf32> -> vector<32x3200xf32>
    %slice3A_329 = vector.extract_strided_slice %get3A_3 {offsets = [0, 32], sizes = [1, 3168], strides = [1, 1]} : vector<1x3200xi32> to vector<1x3168xi32>
    %broadcast_in_dim3A_330 = arith.constant -1 : i32
    %broadcast_in_dim3A_331 = vector.broadcast %broadcast_in_dim3A_330 : i32 to vector<1x32xi32>
    %concatenate3A_332 = tpu.concatenate %slice3A_329, %broadcast_in_dim3A_331 in 1 : vector<1x3168xi32>, vector<1x32xi32> -> vector<1x3200xi32>
    %eq3A_333 = arith.cmpi eq, %concatenate3A_332, %get3A_3 : vector<1x3200xi32>
    %jit3A_334 = arith.constant -3.40282347E+38 : f32
    %broadcast_in_dim3A_335 = vector.shape_cast %eq3A_333 : vector<1x3200xi1> to vector<1x3200xi1>
    %broadcast_in_dim3A_336 = vector.broadcast %broadcast_in_dim3A_335 : vector<1x3200xi1> to vector<32x3200xi1>
    %broadcast_in_dim3A_337 = vector.broadcast %jit3A_334 : f32 to vector<32x3200xf32>
    %select_n3A_338 = arith.select %broadcast_in_dim3A_336, %concatenate3A_328, %broadcast_in_dim3A_337 : vector<32x3200xi1>, vector<32x3200xf32>
    %max3A_339 = arith.maximumf %max3A_324, %select_n3A_338 : vector<32x3200xf32>
    %slice3A_340 = vector.extract_strided_slice %max3A_339 {offsets = [0, 64], sizes = [32, 3136], strides = [1, 1]} : vector<32x3200xf32> to vector<32x3136xf32>
    %broadcast_in_dim3A_341 = arith.constant -3.40282347E+38 : f32
    %broadcast_in_dim3A_342 = vector.broadcast %broadcast_in_dim3A_341 : f32 to vector<32x64xf32>
    %concatenate3A_343 = tpu.concatenate %slice3A_340, %broadcast_in_dim3A_342 in 1 : vector<32x3136xf32>, vector<32x64xf32> -> vector<32x3200xf32>
    %slice3A_344 = vector.extract_strided_slice %get3A_3 {offsets = [0, 64], sizes = [1, 3136], strides = [1, 1]} : vector<1x3200xi32> to vector<1x3136xi32>
    %broadcast_in_dim3A_345 = arith.constant -1 : i32
    %broadcast_in_dim3A_346 = vector.broadcast %broadcast_in_dim3A_345 : i32 to vector<1x64xi32>
    %concatenate3A_347 = tpu.concatenate %slice3A_344, %broadcast_in_dim3A_346 in 1 : vector<1x3136xi32>, vector<1x64xi32> -> vector<1x3200xi32>
    %eq3A_348 = arith.cmpi eq, %concatenate3A_347, %get3A_3 : vector<1x3200xi32>
    %jit3A_349 = arith.constant -3.40282347E+38 : f32
    %broadcast_in_dim3A_350 = vector.shape_cast %eq3A_348 : vector<1x3200xi1> to vector<1x3200xi1>
    %broadcast_in_dim3A_351 = vector.broadcast %broadcast_in_dim3A_350 : vector<1x3200xi1> to vector<32x3200xi1>
    %broadcast_in_dim3A_352 = vector.broadcast %jit3A_349 : f32 to vector<32x3200xf32>
    %select_n3A_353 = arith.select %broadcast_in_dim3A_351, %concatenate3A_343, %broadcast_in_dim3A_352 : vector<32x3200xi1>, vector<32x3200xf32>
    %max3A_354 = arith.maximumf %max3A_339, %select_n3A_353 : vector<32x3200xf32>
    %slice3A_355 = vector.extract_strided_slice %max3A_354 {offsets = [0, 128], sizes = [32, 3072], strides = [1, 1]} : vector<32x3200xf32> to vector<32x3072xf32>
    %broadcast_in_dim3A_356 = arith.constant -3.40282347E+38 : f32
    %broadcast_in_dim3A_357 = vector.broadcast %broadcast_in_dim3A_356 : f32 to vector<32x128xf32>
    %concatenate3A_358 = tpu.concatenate %slice3A_355, %broadcast_in_dim3A_357 in 1 : vector<32x3072xf32>, vector<32x128xf32> -> vector<32x3200xf32>
    %slice3A_359 = vector.extract_strided_slice %get3A_3 {offsets = [0, 128], sizes = [1, 3072], strides = [1, 1]} : vector<1x3200xi32> to vector<1x3072xi32>
    %broadcast_in_dim3A_360 = arith.constant -1 : i32
    %broadcast_in_dim3A_361 = vector.broadcast %broadcast_in_dim3A_360 : i32 to vector<1x128xi32>
    %concatenate3A_362 = tpu.concatenate %slice3A_359, %broadcast_in_dim3A_361 in 1 : vector<1x3072xi32>, vector<1x128xi32> -> vector<1x3200xi32>
    %eq3A_363 = arith.cmpi eq, %concatenate3A_362, %get3A_3 : vector<1x3200xi32>
    %jit3A_364 = arith.constant -3.40282347E+38 : f32
    %broadcast_in_dim3A_365 = vector.shape_cast %eq3A_363 : vector<1x3200xi1> to vector<1x3200xi1>
    %broadcast_in_dim3A_366 = vector.broadcast %broadcast_in_dim3A_365 : vector<1x3200xi1> to vector<32x3200xi1>
    %broadcast_in_dim3A_367 = vector.broadcast %jit3A_364 : f32 to vector<32x3200xf32>
    %select_n3A_368 = arith.select %broadcast_in_dim3A_366, %concatenate3A_358, %broadcast_in_dim3A_367 : vector<32x3200xi1>, vector<32x3200xf32>
    %max3A_369 = arith.maximumf %max3A_354, %select_n3A_368 : vector<32x3200xf32>
    %slice3A_370 = vector.extract_strided_slice %max3A_369 {offsets = [0, 256], sizes = [32, 2944], strides = [1, 1]} : vector<32x3200xf32> to vector<32x2944xf32>
    %broadcast_in_dim3A_371 = arith.constant -3.40282347E+38 : f32
    %broadcast_in_dim3A_372 = vector.broadcast %broadcast_in_dim3A_371 : f32 to vector<32x256xf32>
    %concatenate3A_373 = tpu.concatenate %slice3A_370, %broadcast_in_dim3A_372 in 1 : vector<32x2944xf32>, vector<32x256xf32> -> vector<32x3200xf32>
    %slice3A_374 = vector.extract_strided_slice %get3A_3 {offsets = [0, 256], sizes = [1, 2944], strides = [1, 1]} : vector<1x3200xi32> to vector<1x2944xi32>
    %broadcast_in_dim3A_375 = arith.constant -1 : i32
    %broadcast_in_dim3A_376 = vector.broadcast %broadcast_in_dim3A_375 : i32 to vector<1x256xi32>
    %concatenate3A_377 = tpu.concatenate %slice3A_374, %broadcast_in_dim3A_376 in 1 : vector<1x2944xi32>, vector<1x256xi32> -> vector<1x3200xi32>
    %eq3A_378 = arith.cmpi eq, %concatenate3A_377, %get3A_3 : vector<1x3200xi32>
    %jit3A_379 = arith.constant -3.40282347E+38 : f32
    %broadcast_in_dim3A_380 = vector.shape_cast %eq3A_378 : vector<1x3200xi1> to vector<1x3200xi1>
    %broadcast_in_dim3A_381 = vector.broadcast %broadcast_in_dim3A_380 : vector<1x3200xi1> to vector<32x3200xi1>
    %broadcast_in_dim3A_382 = vector.broadcast %jit3A_379 : f32 to vector<32x3200xf32>
    %select_n3A_383 = arith.select %broadcast_in_dim3A_381, %concatenate3A_373, %broadcast_in_dim3A_382 : vector<32x3200xi1>, vector<32x3200xf32>
    %max3A_384 = arith.maximumf %max3A_369, %select_n3A_383 : vector<32x3200xf32>
    %slice3A_385 = vector.extract_strided_slice %max3A_384 {offsets = [0, 512], sizes = [32, 2688], strides = [1, 1]} : vector<32x3200xf32> to vector<32x2688xf32>
    %broadcast_in_dim3A_386 = arith.constant -3.40282347E+38 : f32
    %broadcast_in_dim3A_387 = vector.broadcast %broadcast_in_dim3A_386 : f32 to vector<32x512xf32>
    %concatenate3A_388 = tpu.concatenate %slice3A_385, %broadcast_in_dim3A_387 in 1 : vector<32x2688xf32>, vector<32x512xf32> -> vector<32x3200xf32>
    %slice3A_389 = vector.extract_strided_slice %get3A_3 {offsets = [0, 512], sizes = [1, 2688], strides = [1, 1]} : vector<1x3200xi32> to vector<1x2688xi32>
    %broadcast_in_dim3A_390 = arith.constant -1 : i32
    %broadcast_in_dim3A_391 = vector.broadcast %broadcast_in_dim3A_390 : i32 to vector<1x512xi32>
    %concatenate3A_392 = tpu.concatenate %slice3A_389, %broadcast_in_dim3A_391 in 1 : vector<1x2688xi32>, vector<1x512xi32> -> vector<1x3200xi32>
    %eq3A_393 = arith.cmpi eq, %concatenate3A_392, %get3A_3 : vector<1x3200xi32>
    %jit3A_394 = arith.constant -3.40282347E+38 : f32
    %broadcast_in_dim3A_395 = vector.shape_cast %eq3A_393 : vector<1x3200xi1> to vector<1x3200xi1>
    %broadcast_in_dim3A_396 = vector.broadcast %broadcast_in_dim3A_395 : vector<1x3200xi1> to vector<32x3200xi1>
    %broadcast_in_dim3A_397 = vector.broadcast %jit3A_394 : f32 to vector<32x3200xf32>
    %select_n3A_398 = arith.select %broadcast_in_dim3A_396, %concatenate3A_388, %broadcast_in_dim3A_397 : vector<32x3200xi1>, vector<32x3200xf32>
    %max3A_399 = arith.maximumf %max3A_384, %select_n3A_398 : vector<32x3200xf32>
    %slice3A_400 = vector.extract_strided_slice %max3A_399 {offsets = [0, 1024], sizes = [32, 2176], strides = [1, 1]} : vector<32x3200xf32> to vector<32x2176xf32>
    %broadcast_in_dim3A_401 = arith.constant -3.40282347E+38 : f32
    %broadcast_in_dim3A_402 = vector.broadcast %broadcast_in_dim3A_401 : f32 to vector<32x1024xf32>
    %concatenate3A_403 = tpu.concatenate %slice3A_400, %broadcast_in_dim3A_402 in 1 : vector<32x2176xf32>, vector<32x1024xf32> -> vector<32x3200xf32>
    %slice3A_404 = vector.extract_strided_slice %get3A_3 {offsets = [0, 1024], sizes = [1, 2176], strides = [1, 1]} : vector<1x3200xi32> to vector<1x2176xi32>
    %broadcast_in_dim3A_405 = arith.constant -1 : i32
    %broadcast_in_dim3A_406 = vector.broadcast %broadcast_in_dim3A_405 : i32 to vector<1x1024xi32>
    %concatenate3A_407 = tpu.concatenate %slice3A_404, %broadcast_in_dim3A_406 in 1 : vector<1x2176xi32>, vector<1x1024xi32> -> vector<1x3200xi32>
    %eq3A_408 = arith.cmpi eq, %concatenate3A_407, %get3A_3 : vector<1x3200xi32>
    %jit3A_409 = arith.constant -3.40282347E+38 : f32
    %broadcast_in_dim3A_410 = vector.shape_cast %eq3A_408 : vector<1x3200xi1> to vector<1x3200xi1>
    %broadcast_in_dim3A_411 = vector.broadcast %broadcast_in_dim3A_410 : vector<1x3200xi1> to vector<32x3200xi1>
    %broadcast_in_dim3A_412 = vector.broadcast %jit3A_409 : f32 to vector<32x3200xf32>
    %select_n3A_413 = arith.select %broadcast_in_dim3A_411, %concatenate3A_403, %broadcast_in_dim3A_412 : vector<32x3200xi1>, vector<32x3200xf32>
    %max3A_414 = arith.maximumf %max3A_399, %select_n3A_413 : vector<32x3200xf32>
    %slice3A_415 = vector.extract_strided_slice %max3A_414 {offsets = [0, 2048], sizes = [32, 1152], strides = [1, 1]} : vector<32x3200xf32> to vector<32x1152xf32>
    %broadcast_in_dim3A_416 = arith.constant -3.40282347E+38 : f32
    %broadcast_in_dim3A_417 = vector.broadcast %broadcast_in_dim3A_416 : f32 to vector<32x2048xf32>
    %concatenate3A_418 = tpu.concatenate %slice3A_415, %broadcast_in_dim3A_417 in 1 : vector<32x1152xf32>, vector<32x2048xf32> -> vector<32x3200xf32>
    %slice3A_419 = vector.extract_strided_slice %get3A_3 {offsets = [0, 2048], sizes = [1, 1152], strides = [1, 1]} : vector<1x3200xi32> to vector<1x1152xi32>
    %broadcast_in_dim3A_420 = arith.constant -1 : i32
    %broadcast_in_dim3A_421 = vector.broadcast %broadcast_in_dim3A_420 : i32 to vector<1x2048xi32>
    %concatenate3A_422 = tpu.concatenate %slice3A_419, %broadcast_in_dim3A_421 in 1 : vector<1x1152xi32>, vector<1x2048xi32> -> vector<1x3200xi32>
    %eq3A_423 = arith.cmpi eq, %concatenate3A_422, %get3A_3 : vector<1x3200xi32>
    %jit3A_424 = arith.constant -3.40282347E+38 : f32
    %broadcast_in_dim3A_425 = vector.shape_cast %eq3A_423 : vector<1x3200xi1> to vector<1x3200xi1>
    %broadcast_in_dim3A_426 = vector.broadcast %broadcast_in_dim3A_425 : vector<1x3200xi1> to vector<32x3200xi1>
    %broadcast_in_dim3A_427 = vector.broadcast %jit3A_424 : f32 to vector<32x3200xf32>
    %select_n3A_428 = arith.select %broadcast_in_dim3A_426, %concatenate3A_418, %broadcast_in_dim3A_427 : vector<32x3200xi1>, vector<32x3200xf32>
    %max3A_429 = arith.maximumf %max3A_414, %select_n3A_428 : vector<32x3200xf32>
    %get3A_430 = arith.constant 1 : index
    %get3A_431 = memref.load %arg12[%get3A_430] : memref<2xi32, #tpu.memory_space<smem>>
    %eq3A_432 = vector.broadcast %get3A_431 : i32 to vector<1x3200xi32>
    %eq3A_433 = arith.cmpi eq, %get3A_3, %eq3A_432 : vector<1x3200xi32>
    %get3A_434 = arith.constant 0 : index
    %get3A_435 = arith.constant 1 : index
    %get3A_436 = vector.load %arg11[%get3A_434, %get3A_435] : memref<32x2xf32, #tpu.memory_space<vmem>>, vector<32x1xf32>
    %max3A_437 = vector.broadcast %get3A_436 : vector<32x1xf32> to vector<32x3200xf32>
    %max3A_438 = arith.maximumf %max3A_429, %max3A_437 : vector<32x3200xf32>
    %broadcast_in_dim3A_439 = vector.shape_cast %eq3A_433 : vector<1x3200xi1> to vector<1x3200xi1>
    %broadcast_in_dim3A_440 = vector.broadcast %broadcast_in_dim3A_439 : vector<1x3200xi1> to vector<32x3200xi1>
    %select_n3A_441 = arith.select %broadcast_in_dim3A_440, %max3A_438, %max3A_429 : vector<32x3200xi1>, vector<32x3200xf32>
    %swap3A_442 = arith.constant 0 : index
    %swap3A_443 = arith.constant 0 : index
    %swap3A_444 = vector.load %arg10[%swap3A_442, %swap3A_443] : memref<32x3200xf32, #tpu.memory_space<vmem>>, vector<32x3200xf32>
    tpu.vector_store %arg10[%swap3A_442, %swap3A_443], %select_n3A_441 {strides = array<i32>} : memref<32x3200xf32, #tpu.memory_space<vmem>>, vector<32x3200xf32>,
    %slice3A_445 = vector.extract_strided_slice %select_n3A_441 {offsets = [0, 0], sizes = [32, 1], strides = [1, 1]} : vector<32x3200xf32> to vector<32x1xf32>
    %swap3A_446 = arith.constant 0 : index
    %swap3A_447 = arith.constant 1 : index
    %swap3A_448 = vector.load %arg11[%swap3A_446, %swap3A_447] : memref<32x2xf32, #tpu.memory_space<vmem>>, vector<32x1xf32>
    tpu.vector_store %arg11[%swap3A_446, %swap3A_447], %slice3A_445 {strides = array<i32>} : memref<32x2xf32, #tpu.memory_space<vmem>>, vector<32x1xf32>,
    %slice3A_449 = vector.extract_strided_slice %get3A_3 {offsets = [0, 0], sizes = [1, 1], strides = [1, 1]} : vector<1x3200xi32> to vector<1x1xi32>
    %squeeze3A_450 = vector.extract %slice3A_449[0, 0] : i32 from vector<1x1xi32>
    %swap3A_451 = arith.constant 1 : index
    %swap3A_452 = memref.load %arg12[%swap3A_451] : memref<2xi32, #tpu.memory_space<smem>>
    memref.store %squeeze3A_450, %arg12[%swap3A_451] : memref<2xi32, #tpu.memory_space<smem>>
    return
  }
  func.func @transform_0(%arg0: i32) -> (i32, i32) {
    %sub3A = arith.constant 99 : i32
    %sub3A_0 = arith.subi %sub3A, %arg0 : i32
    %c0_i32 = arith.constant 0 : i32
    %c0_i32_1 = arith.constant 0 : i32
    return %c0_i32, %sub3A_0 : i32, i32
  }
  func.func @transform_1(%arg0: i32) -> (i32, i32) {
    %sub3A = arith.constant 99 : i32
    %sub3A_0 = arith.subi %sub3A, %arg0 : i32
    %c0_i32 = arith.constant 0 : i32
    %c0_i32_1 = arith.constant 0 : i32
    return %c0_i32, %sub3A_0 : i32, i32
  }
  func.func @transform_2(%arg0: i32) -> (i32, i32) {
    %sub3A = arith.constant 99 : i32
    %sub3A_0 = arith.subi %sub3A, %arg0 : i32
    %c0_i32 = arith.constant 0 : i32
    %c0_i32_1 = arith.constant 0 : i32
    return %c0_i32, %sub3A_0 : i32, i32
  }
  func.func @transform_3(%arg0: i32) -> (i32, i32) {
    %c0_i32 = arith.constant 0 : i32
    %c0_i32_0 = arith.constant 0 : i32
    %c0_i32_1 = arith.constant 0 : i32
    return %c0_i32, %c0_i32_0 : i32, i32
  }
  func.func @transform_4(%arg0: i32) -> (i32, i32) {
    %c0_i32 = arith.constant 0 : i32
    %c0_i32_0 = arith.constant 0 : i32
    %c0_i32_1 = arith.constant 0 : i32
    return %c0_i32, %c0_i32_0 : i32, i32
  }
  func.func @transform_5(%arg0: i32) -> (i32, i32) {
    %c0_i32 = arith.constant 0 : i32
    %c0_i32_0 = arith.constant 0 : i32
    %c0_i32_1 = arith.constant 0 : i32
    return %c0_i32, %c0_i32_0 : i32, i32
  }
  func.func @transform_6(%arg0: i32) -> (i32, i32) {
    %c0_i32 = arith.constant 0 : i32
    %c0_i32_0 = arith.constant 0 : i32
    %c0_i32_1 = arith.constant 0 : i32
    return %c0_i32, %c0_i32_0 : i32, i32
  }
  func.func @transform_7(%arg0: i32) -> (i32, i32) {
    %c0_i32 = arith.constant 0 : i32
    %c0_i32_0 = arith.constant 0 : i32
    %c0_i32_1 = arith.constant 0 : i32
    return %c0_i32, %c0_i32_0 : i32, i32
  }
  func.func @transform_8(%arg0: i32) -> (i32, i32) {
    %sub3A = arith.constant 99 : i32
    %sub3A_0 = arith.subi %sub3A, %arg0 : i32
    %c0_i32 = arith.constant 0 : i32
    %c0_i32_1 = arith.constant 0 : i32
    return %c0_i32, %sub3A_0 : i32, i32
  }
  func.func @transform_9(%arg0: i32) -> (i32, i32) {
    %sub3A = arith.constant 99 : i32
    %sub3A_0 = arith.subi %sub3A, %arg0 : i32
    %c0_i32 = arith.constant 0 : i32
    %c0_i32_1 = arith.constant 0 : i32
    return %c0_i32, %sub3A_0 : i32, i32
  }
}

module attributes {stable_mosaic.version = 14 : i64} {
  func.func @_entry_fwd_kernel(%arg0: i32, %arg1: memref<1x3200xi32, #tpu.memory_space<vmem>>, %arg2: memref<4x3200xf32, #tpu.memory_space<vmem>>, %arg3: memref<12x3200xf32, #tpu.memory_space<vmem>>, %arg4: memref<3x3200xf32, #tpu.memory_space<vmem>>, %arg5: memref<32x4xf32, #tpu.memory_space<vmem>>, %arg6: memref<32x12xf32, #tpu.memory_space<vmem>>, %arg7: memref<32x1xf32, #tpu.memory_space<vmem>>, %arg8: memref<32x1xf32, #tpu.memory_space<vmem>>, %arg9: memref<32x1xf32, #tpu.memory_space<vmem>>, %arg10: memref<16x3xf32, #tpu.memory_space<vmem>>, %arg11: memref<16x1xf32, #tpu.memory_space<vmem>>, %arg12: memref<32x16xf32, #tpu.memory_space<vmem>>, %arg13: memref<32x1xf32, #tpu.memory_space<vmem>>, %arg14: memref<32x3200xf32, #tpu.memory_space<vmem>>, %arg15: memref<32x3200xf32, #tpu.memory_space<vmem>>, %arg16: memref<32x2xf32, #tpu.memory_space<vmem>>, %arg17: memref<2xi32, #tpu.memory_space<smem>>) attributes {dimension_semantics = [#tpu.dimension_semantics<arbitrary>], iteration_bounds = array<i64: 100>, scalar_prefetch = 0 : i64, scratch_operands = 2 : i64, tpu.core_type = #tpu.core_type<tc>, window_params = [{transform_indices = @transform_0, window_bounds = array<i64: 1, 3200>}, {transform_indices = @transform_1, window_bounds = array<i64: 4, 3200>}, {transform_indices = @transform_2, window_bounds = array<i64: 12, 3200>}, {transform_indices = @transform_3, window_bounds = array<i64: 3, 3200>}, {pipeline_mode = #tpu.pipeline_mode<synchronous>, transform_indices = @transform_4, window_bounds = array<i64: 32, 4>}, {pipeline_mode = #tpu.pipeline_mode<synchronous>, transform_indices = @transform_5, window_bounds = array<i64: 32, 12>}, {pipeline_mode = #tpu.pipeline_mode<synchronous>, transform_indices = @transform_6, window_bounds = array<i64: 32, 1>}, {pipeline_mode = #tpu.pipeline_mode<synchronous>, transform_indices = @transform_7, window_bounds = array<i64: 32, 1>}, {pipeline_mode = #tpu.pipeline_mode<synchronous>, transform_indices = @transform_8, window_bounds = array<i64: 32, 1>}, {pipeline_mode = #tpu.pipeline_mode<synchronous>, transform_indices = @transform_9, window_bounds = array<i64: 16, 3>}, {pipeline_mode = #tpu.pipeline_mode<synchronous>, transform_indices = @transform_10, window_bounds = array<i64: 16, 1>}, {pipeline_mode = #tpu.pipeline_mode<synchronous>, transform_indices = @transform_11, window_bounds = array<i64: 32, 16>}, {pipeline_mode = #tpu.pipeline_mode<synchronous>, transform_indices = @transform_12, window_bounds = array<i64: 32, 1>}, {transform_indices = @transform_13, window_bounds = array<i64: 32, 3200>}, {transform_indices = @transform_14, window_bounds = array<i64: 32, 3200>}]} {
    %eq3A = arith.constant 0 : i32
    %eq3A_0 = arith.cmpi eq, %arg0, %eq3A : i32
    %convert_element_type3A = arith.extui %eq3A_0 : i1 to i32
    %cond3A = arith.constant 0 : i32
    %cond3A_1 = arith.cmpi ne, %convert_element_type3A, %cond3A : i32
    scf.if %cond3A_1 {
      %broadcast_in_dim3A_282 = arith.constant -3.40282347E+38 : f32
      %broadcast_in_dim3A_283 = vector.broadcast %broadcast_in_dim3A_282 : f32 to vector<32x2xf32>
      %swap3A_284 = arith.constant 0 : index
      %swap3A_285 = arith.constant 0 : index
      %swap3A_286 = vector.load %arg16[%swap3A_284, %swap3A_285] : memref<32x2xf32, #tpu.memory_space<vmem>>, vector<32x2xf32>
      tpu.vector_store %arg16[%swap3A_284, %swap3A_285], %broadcast_in_dim3A_283 {strides = array<i32>} : memref<32x2xf32, #tpu.memory_space<vmem>>, vector<32x2xf32>,
      %swap3A_287 = arith.constant -1 : i32
      %swap3A_288 = arith.constant 0 : index
      %swap3A_289 = memref.load %arg17[%swap3A_288] : memref<2xi32, #tpu.memory_space<smem>>
      memref.store %swap3A_287, %arg17[%swap3A_288] : memref<2xi32, #tpu.memory_space<smem>>
      %swap3A_290 = arith.constant -1 : i32
      %swap3A_291 = arith.constant 1 : index
      %swap3A_292 = memref.load %arg17[%swap3A_291] : memref<2xi32, #tpu.memory_space<smem>>
      memref.store %swap3A_290, %arg17[%swap3A_291] : memref<2xi32, #tpu.memory_space<smem>>
    } else {
    }
    %get3A = arith.constant 0 : index
    %get3A_2 = arith.constant 0 : index
    %get3A_3 = vector.load %arg1[%get3A, %get3A_2] : memref<1x3200xi32, #tpu.memory_space<vmem>>, vector<1x3200xi32>
    %get3A_4 = arith.constant 0 : index
    %get3A_5 = arith.constant 0 : index
    %get3A_6 = vector.load %arg2[%get3A_4, %get3A_5] : memref<4x3200xf32, #tpu.memory_space<vmem>>, vector<4x3200xf32>
    %get3A_7 = arith.constant 0 : index
    %get3A_8 = arith.constant 0 : index
    %get3A_9 = vector.load %arg3[%get3A_7, %get3A_8] : memref<12x3200xf32, #tpu.memory_space<vmem>>, vector<12x3200xf32>
    %get3A_10 = arith.constant 0 : index
    %get3A_11 = arith.constant 0 : index
    %get3A_12 = vector.load %arg4[%get3A_10, %get3A_11] : memref<3x3200xf32, #tpu.memory_space<vmem>>, vector<3x3200xf32>
    %get3A_13 = arith.constant 0 : index
    %get3A_14 = arith.constant 0 : index
    %get3A_15 = vector.load %arg5[%get3A_13, %get3A_14] : memref<32x4xf32, #tpu.memory_space<vmem>>, vector<32x4xf32>
    %get3A_16 = arith.constant 0 : index
    %get3A_17 = arith.constant 0 : index
    %get3A_18 = vector.load %arg6[%get3A_16, %get3A_17] : memref<32x12xf32, #tpu.memory_space<vmem>>, vector<32x12xf32>
    %get3A_19 = arith.constant 0 : index
    %get3A_20 = arith.constant 0 : index
    %get3A_21 = vector.load %arg7[%get3A_19, %get3A_20] : memref<32x1xf32, #tpu.memory_space<vmem>>, vector<32x1xf32>
    %get3A_22 = arith.constant 0 : index
    %get3A_23 = arith.constant 0 : index
    %get3A_24 = vector.load %arg8[%get3A_22, %get3A_23] : memref<32x1xf32, #tpu.memory_space<vmem>>, vector<32x1xf32>
    %get3A_25 = arith.constant 0 : index
    %get3A_26 = arith.constant 0 : index
    %get3A_27 = vector.load %arg9[%get3A_25, %get3A_26] : memref<32x1xf32, #tpu.memory_space<vmem>>, vector<32x1xf32>
    %get3A_28 = arith.constant 0 : index
    %get3A_29 = arith.constant 0 : index
    %get3A_30 = vector.load %arg10[%get3A_28, %get3A_29] : memref<16x3xf32, #tpu.memory_space<vmem>>, vector<16x3xf32>
    %get3A_31 = arith.constant 0 : index
    %get3A_32 = arith.constant 0 : index
    %get3A_33 = vector.load %arg11[%get3A_31, %get3A_32] : memref<16x1xf32, #tpu.memory_space<vmem>>, vector<16x1xf32>
    %get3A_34 = arith.constant 0 : index
    %get3A_35 = arith.constant 0 : index
    %get3A_36 = vector.load %arg12[%get3A_34, %get3A_35] : memref<32x16xf32, #tpu.memory_space<vmem>>, vector<32x16xf32>
    %get3A_37 = arith.constant 0 : index
    %get3A_38 = arith.constant 0 : index
    %get3A_39 = vector.load %arg13[%get3A_37, %get3A_38] : memref<32x1xf32, #tpu.memory_space<vmem>>, vector<32x1xf32>
    %dot_general3A = arith.constant dense<0.000000e+00> : vector<32x3200xf32>
    %dot_general3A_40 = tpu.matmul %get3A_15, %get3A_6, %dot_general3A {dimension_numbers = #tpu.dot_dimension_numbers<[1], [0], [0], [1], [0, 0, 1, 1], [], []>, transpose_lhs_hint = false} : vector<32x4xf32>, vector<4x3200xf32>, vector<32x3200xf32> -> vector<32x3200xf32>
    %dot_general3A_41 = arith.constant dense<0.000000e+00> : vector<32x3200xf32>
    %dot_general3A_42 = tpu.matmul %get3A_18, %get3A_9, %dot_general3A_41 {dimension_numbers = #tpu.dot_dimension_numbers<[1], [0], [0], [1], [0, 0, 1, 1], [], []>, transpose_lhs_hint = false} : vector<32x12xf32>, vector<12x3200xf32>, vector<32x3200xf32> -> vector<32x3200xf32>
    %add3A = arith.addf %dot_general3A_40, %dot_general3A_42 : vector<32x3200xf32>
    %add3A_43 = vector.broadcast %get3A_21 : vector<32x1xf32> to vector<32x3200xf32>
    %add3A_44 = arith.addf %add3A, %add3A_43 : vector<32x3200xf32>
    %reduce_sum3A = arith.constant dense<0.000000e+00> : vector<3200xf32>
    %reduce_sum3A_45 = vector.multi_reduction <add>, %add3A_44, %reduce_sum3A [0] : vector<32x3200xf32> to vector<3200xf32>
    %broadcast_in_dim3A = vector.shape_cast %reduce_sum3A_45 : vector<3200xf32> to vector<1x3200xf32>
    %div3A = arith.constant 3.200000e+01 : f32
    %div3A_46 = vector.broadcast %div3A : f32 to vector<1x3200xf32>
    %div3A_47 = arith.divf %broadcast_in_dim3A, %div3A_46 : vector<1x3200xf32>
    %sub3A = vector.broadcast %div3A_47 : vector<1x3200xf32> to vector<32x3200xf32>
    %sub3A_48 = arith.subf %add3A_44, %sub3A : vector<32x3200xf32>
    %integer_pow3A = arith.mulf %sub3A_48, %sub3A_48 : vector<32x3200xf32>
    %reduce_sum3A_49 = arith.constant dense<0.000000e+00> : vector<3200xf32>
    %reduce_sum3A_50 = vector.multi_reduction <add>, %integer_pow3A, %reduce_sum3A_49 [0] : vector<32x3200xf32> to vector<3200xf32>
    %broadcast_in_dim3A_51 = vector.shape_cast %reduce_sum3A_50 : vector<3200xf32> to vector<1x3200xf32>
    %div3A_52 = arith.constant 3.200000e+01 : f32
    %div3A_53 = vector.broadcast %div3A_52 : f32 to vector<1x3200xf32>
    %div3A_54 = arith.divf %broadcast_in_dim3A_51, %div3A_53 : vector<1x3200xf32>
    %sub3A_55 = vector.broadcast %div3A_47 : vector<1x3200xf32> to vector<32x3200xf32>
    %sub3A_56 = arith.subf %add3A_44, %sub3A_55 : vector<32x3200xf32>
    %add3A_57 = arith.constant 1.000000e-03 : f32
    %add3A_58 = vector.broadcast %add3A_57 : f32 to vector<1x3200xf32>
    %add3A_59 = arith.addf %div3A_54, %add3A_58 : vector<1x3200xf32>
    %sqrt3A = math.sqrt %add3A_59 : vector<1x3200xf32>
    %div3A_60 = vector.broadcast %sqrt3A : vector<1x3200xf32> to vector<32x3200xf32>
    %div3A_61 = arith.divf %sub3A_56, %div3A_60 : vector<32x3200xf32>
    %mul3A = vector.broadcast %get3A_24 : vector<32x1xf32> to vector<32x3200xf32>
    %mul3A_62 = arith.mulf %div3A_61, %mul3A : vector<32x3200xf32>
    %add3A_63 = vector.broadcast %get3A_27 : vector<32x1xf32> to vector<32x3200xf32>
    %add3A_64 = arith.addf %mul3A_62, %add3A_63 : vector<32x3200xf32>
    %max3A = arith.constant 0.000000e+00 : f32
    %max3A_65 = vector.broadcast %max3A : f32 to vector<32x3200xf32>
    %max3A_66 = arith.maximumf %add3A_64, %max3A_65 : vector<32x3200xf32>
    %div3A_67 = arith.constant 1.000000e+01 : f32
    %div3A_68 = vector.broadcast %div3A_67 : f32 to vector<3x3200xf32>
    %div3A_69 = arith.divf %get3A_12, %div3A_68 : vector<3x3200xf32>
    %dot_general3A_70 = arith.constant dense<0.000000e+00> : vector<16x3200xf32>
    %dot_general3A_71 = tpu.matmul %get3A_30, %div3A_69, %dot_general3A_70 {dimension_numbers = #tpu.dot_dimension_numbers<[1], [0], [0], [1], [0, 0, 1, 1], [], []>, transpose_lhs_hint = false} : vector<16x3xf32>, vector<3x3200xf32>, vector<16x3200xf32> -> vector<16x3200xf32>
    %add3A_72 = vector.broadcast %get3A_33 : vector<16x1xf32> to vector<16x3200xf32>
    %add3A_73 = arith.addf %dot_general3A_71, %add3A_72 : vector<16x3200xf32>
    %max3A_74 = arith.constant 0.000000e+00 : f32
    %max3A_75 = vector.broadcast %max3A_74 : f32 to vector<16x3200xf32>
    %max3A_76 = arith.maximumf %add3A_73, %max3A_75 : vector<16x3200xf32>
    %dot_general3A_77 = arith.constant dense<0.000000e+00> : vector<32x3200xf32>
    %dot_general3A_78 = tpu.matmul %get3A_36, %max3A_76, %dot_general3A_77 {dimension_numbers = #tpu.dot_dimension_numbers<[1], [0], [0], [1], [0, 0, 1, 1], [], []>, transpose_lhs_hint = false} : vector<32x16xf32>, vector<16x3200xf32>, vector<32x3200xf32> -> vector<32x3200xf32>
    %add3A_79 = vector.broadcast %get3A_39 : vector<32x1xf32> to vector<32x3200xf32>
    %add3A_80 = arith.addf %dot_general3A_78, %add3A_79 : vector<32x3200xf32>
    %add3A_81 = arith.addf %max3A_66, %add3A_80 : vector<32x3200xf32>
    %swap3A = arith.constant 0 : index
    %swap3A_82 = arith.constant 0 : index
    %swap3A_83 = vector.load %arg14[%swap3A, %swap3A_82] : memref<32x3200xf32, #tpu.memory_space<vmem>>, vector<32x3200xf32>
    tpu.vector_store %arg14[%swap3A, %swap3A_82], %add3A_81 {strides = array<i32>} : memref<32x3200xf32, #tpu.memory_space<vmem>>, vector<32x3200xf32>,
    %broadcast_in_dim3A_84 = arith.constant -3.40282347E+38 : f32
    %broadcast_in_dim3A_85 = vector.broadcast %broadcast_in_dim3A_84 : f32 to vector<32x1xf32>
    %slice3A = vector.extract_strided_slice %add3A_81 {offsets = [0, 0], sizes = [32, 3199], strides = [1, 1]} : vector<32x3200xf32> to vector<32x3199xf32>
    %concatenate3A = tpu.concatenate %broadcast_in_dim3A_85, %slice3A in 1 : vector<32x1xf32>, vector<32x3199xf32> -> vector<32x3200xf32>
    %broadcast_in_dim3A_86 = arith.constant -1 : i32
    %broadcast_in_dim3A_87 = vector.broadcast %broadcast_in_dim3A_86 : i32 to vector<1x1xi32>
    %slice3A_88 = vector.extract_strided_slice %get3A_3 {offsets = [0, 0], sizes = [1, 3199], strides = [1, 1]} : vector<1x3200xi32> to vector<1x3199xi32>
    %concatenate3A_89 = tpu.concatenate %broadcast_in_dim3A_87, %slice3A_88 in 1 : vector<1x1xi32>, vector<1x3199xi32> -> vector<1x3200xi32>
    %eq3A_90 = arith.cmpi eq, %concatenate3A_89, %get3A_3 : vector<1x3200xi32>
    %jit3A = arith.constant -3.40282347E+38 : f32
    %broadcast_in_dim3A_91 = vector.shape_cast %eq3A_90 : vector<1x3200xi1> to vector<1x3200xi1>
    %broadcast_in_dim3A_92 = vector.broadcast %broadcast_in_dim3A_91 : vector<1x3200xi1> to vector<32x3200xi1>
    %broadcast_in_dim3A_93 = vector.broadcast %jit3A : f32 to vector<32x3200xf32>
    %select_n3A = arith.select %broadcast_in_dim3A_92, %concatenate3A, %broadcast_in_dim3A_93 : vector<32x3200xi1>, vector<32x3200xf32>
    %max3A_94 = arith.maximumf %add3A_81, %select_n3A : vector<32x3200xf32>
    %broadcast_in_dim3A_95 = arith.constant -3.40282347E+38 : f32
    %broadcast_in_dim3A_96 = vector.broadcast %broadcast_in_dim3A_95 : f32 to vector<32x2xf32>
    %slice3A_97 = vector.extract_strided_slice %max3A_94 {offsets = [0, 0], sizes = [32, 3198], strides = [1, 1]} : vector<32x3200xf32> to vector<32x3198xf32>
    %concatenate3A_98 = tpu.concatenate %broadcast_in_dim3A_96, %slice3A_97 in 1 : vector<32x2xf32>, vector<32x3198xf32> -> vector<32x3200xf32>
    %broadcast_in_dim3A_99 = arith.constant -1 : i32
    %broadcast_in_dim3A_100 = vector.broadcast %broadcast_in_dim3A_99 : i32 to vector<1x2xi32>
    %slice3A_101 = vector.extract_strided_slice %get3A_3 {offsets = [0, 0], sizes = [1, 3198], strides = [1, 1]} : vector<1x3200xi32> to vector<1x3198xi32>
    %concatenate3A_102 = tpu.concatenate %broadcast_in_dim3A_100, %slice3A_101 in 1 : vector<1x2xi32>, vector<1x3198xi32> -> vector<1x3200xi32>
    %eq3A_103 = arith.cmpi eq, %concatenate3A_102, %get3A_3 : vector<1x3200xi32>
    %jit3A_104 = arith.constant -3.40282347E+38 : f32
    %broadcast_in_dim3A_105 = vector.shape_cast %eq3A_103 : vector<1x3200xi1> to vector<1x3200xi1>
    %broadcast_in_dim3A_106 = vector.broadcast %broadcast_in_dim3A_105 : vector<1x3200xi1> to vector<32x3200xi1>
    %broadcast_in_dim3A_107 = vector.broadcast %jit3A_104 : f32 to vector<32x3200xf32>
    %select_n3A_108 = arith.select %broadcast_in_dim3A_106, %concatenate3A_98, %broadcast_in_dim3A_107 : vector<32x3200xi1>, vector<32x3200xf32>
    %max3A_109 = arith.maximumf %max3A_94, %select_n3A_108 : vector<32x3200xf32>
    %broadcast_in_dim3A_110 = arith.constant -3.40282347E+38 : f32
    %broadcast_in_dim3A_111 = vector.broadcast %broadcast_in_dim3A_110 : f32 to vector<32x4xf32>
    %slice3A_112 = vector.extract_strided_slice %max3A_109 {offsets = [0, 0], sizes = [32, 3196], strides = [1, 1]} : vector<32x3200xf32> to vector<32x3196xf32>
    %concatenate3A_113 = tpu.concatenate %broadcast_in_dim3A_111, %slice3A_112 in 1 : vector<32x4xf32>, vector<32x3196xf32> -> vector<32x3200xf32>
    %broadcast_in_dim3A_114 = arith.constant -1 : i32
    %broadcast_in_dim3A_115 = vector.broadcast %broadcast_in_dim3A_114 : i32 to vector<1x4xi32>
    %slice3A_116 = vector.extract_strided_slice %get3A_3 {offsets = [0, 0], sizes = [1, 3196], strides = [1, 1]} : vector<1x3200xi32> to vector<1x3196xi32>
    %concatenate3A_117 = tpu.concatenate %broadcast_in_dim3A_115, %slice3A_116 in 1 : vector<1x4xi32>, vector<1x3196xi32> -> vector<1x3200xi32>
    %eq3A_118 = arith.cmpi eq, %concatenate3A_117, %get3A_3 : vector<1x3200xi32>
    %jit3A_119 = arith.constant -3.40282347E+38 : f32
    %broadcast_in_dim3A_120 = vector.shape_cast %eq3A_118 : vector<1x3200xi1> to vector<1x3200xi1>
    %broadcast_in_dim3A_121 = vector.broadcast %broadcast_in_dim3A_120 : vector<1x3200xi1> to vector<32x3200xi1>
    %broadcast_in_dim3A_122 = vector.broadcast %jit3A_119 : f32 to vector<32x3200xf32>
    %select_n3A_123 = arith.select %broadcast_in_dim3A_121, %concatenate3A_113, %broadcast_in_dim3A_122 : vector<32x3200xi1>, vector<32x3200xf32>
    %max3A_124 = arith.maximumf %max3A_109, %select_n3A_123 : vector<32x3200xf32>
    %broadcast_in_dim3A_125 = arith.constant -3.40282347E+38 : f32
    %broadcast_in_dim3A_126 = vector.broadcast %broadcast_in_dim3A_125 : f32 to vector<32x8xf32>
    %slice3A_127 = vector.extract_strided_slice %max3A_124 {offsets = [0, 0], sizes = [32, 3192], strides = [1, 1]} : vector<32x3200xf32> to vector<32x3192xf32>
    %concatenate3A_128 = tpu.concatenate %broadcast_in_dim3A_126, %slice3A_127 in 1 : vector<32x8xf32>, vector<32x3192xf32> -> vector<32x3200xf32>
    %broadcast_in_dim3A_129 = arith.constant -1 : i32
    %broadcast_in_dim3A_130 = vector.broadcast %broadcast_in_dim3A_129 : i32 to vector<1x8xi32>
    %slice3A_131 = vector.extract_strided_slice %get3A_3 {offsets = [0, 0], sizes = [1, 3192], strides = [1, 1]} : vector<1x3200xi32> to vector<1x3192xi32>
    %concatenate3A_132 = tpu.concatenate %broadcast_in_dim3A_130, %slice3A_131 in 1 : vector<1x8xi32>, vector<1x3192xi32> -> vector<1x3200xi32>
    %eq3A_133 = arith.cmpi eq, %concatenate3A_132, %get3A_3 : vector<1x3200xi32>
    %jit3A_134 = arith.constant -3.40282347E+38 : f32
    %broadcast_in_dim3A_135 = vector.shape_cast %eq3A_133 : vector<1x3200xi1> to vector<1x3200xi1>
    %broadcast_in_dim3A_136 = vector.broadcast %broadcast_in_dim3A_135 : vector<1x3200xi1> to vector<32x3200xi1>
    %broadcast_in_dim3A_137 = vector.broadcast %jit3A_134 : f32 to vector<32x3200xf32>
    %select_n3A_138 = arith.select %broadcast_in_dim3A_136, %concatenate3A_128, %broadcast_in_dim3A_137 : vector<32x3200xi1>, vector<32x3200xf32>
    %max3A_139 = arith.maximumf %max3A_124, %select_n3A_138 : vector<32x3200xf32>
    %broadcast_in_dim3A_140 = arith.constant -3.40282347E+38 : f32
    %broadcast_in_dim3A_141 = vector.broadcast %broadcast_in_dim3A_140 : f32 to vector<32x16xf32>
    %slice3A_142 = vector.extract_strided_slice %max3A_139 {offsets = [0, 0], sizes = [32, 3184], strides = [1, 1]} : vector<32x3200xf32> to vector<32x3184xf32>
    %concatenate3A_143 = tpu.concatenate %broadcast_in_dim3A_141, %slice3A_142 in 1 : vector<32x16xf32>, vector<32x3184xf32> -> vector<32x3200xf32>
    %broadcast_in_dim3A_144 = arith.constant -1 : i32
    %broadcast_in_dim3A_145 = vector.broadcast %broadcast_in_dim3A_144 : i32 to vector<1x16xi32>
    %slice3A_146 = vector.extract_strided_slice %get3A_3 {offsets = [0, 0], sizes = [1, 3184], strides = [1, 1]} : vector<1x3200xi32> to vector<1x3184xi32>
    %concatenate3A_147 = tpu.concatenate %broadcast_in_dim3A_145, %slice3A_146 in 1 : vector<1x16xi32>, vector<1x3184xi32> -> vector<1x3200xi32>
    %eq3A_148 = arith.cmpi eq, %concatenate3A_147, %get3A_3 : vector<1x3200xi32>
    %jit3A_149 = arith.constant -3.40282347E+38 : f32
    %broadcast_in_dim3A_150 = vector.shape_cast %eq3A_148 : vector<1x3200xi1> to vector<1x3200xi1>
    %broadcast_in_dim3A_151 = vector.broadcast %broadcast_in_dim3A_150 : vector<1x3200xi1> to vector<32x3200xi1>
    %broadcast_in_dim3A_152 = vector.broadcast %jit3A_149 : f32 to vector<32x3200xf32>
    %select_n3A_153 = arith.select %broadcast_in_dim3A_151, %concatenate3A_143, %broadcast_in_dim3A_152 : vector<32x3200xi1>, vector<32x3200xf32>
    %max3A_154 = arith.maximumf %max3A_139, %select_n3A_153 : vector<32x3200xf32>
    %broadcast_in_dim3A_155 = arith.constant -3.40282347E+38 : f32
    %broadcast_in_dim3A_156 = vector.broadcast %broadcast_in_dim3A_155 : f32 to vector<32x32xf32>
    %slice3A_157 = vector.extract_strided_slice %max3A_154 {offsets = [0, 0], sizes = [32, 3168], strides = [1, 1]} : vector<32x3200xf32> to vector<32x3168xf32>
    %concatenate3A_158 = tpu.concatenate %broadcast_in_dim3A_156, %slice3A_157 in 1 : vector<32x32xf32>, vector<32x3168xf32> -> vector<32x3200xf32>
    %broadcast_in_dim3A_159 = arith.constant -1 : i32
    %broadcast_in_dim3A_160 = vector.broadcast %broadcast_in_dim3A_159 : i32 to vector<1x32xi32>
    %slice3A_161 = vector.extract_strided_slice %get3A_3 {offsets = [0, 0], sizes = [1, 3168], strides = [1, 1]} : vector<1x3200xi32> to vector<1x3168xi32>
    %concatenate3A_162 = tpu.concatenate %broadcast_in_dim3A_160, %slice3A_161 in 1 : vector<1x32xi32>, vector<1x3168xi32> -> vector<1x3200xi32>
    %eq3A_163 = arith.cmpi eq, %concatenate3A_162, %get3A_3 : vector<1x3200xi32>
    %jit3A_164 = arith.constant -3.40282347E+38 : f32
    %broadcast_in_dim3A_165 = vector.shape_cast %eq3A_163 : vector<1x3200xi1> to vector<1x3200xi1>
    %broadcast_in_dim3A_166 = vector.broadcast %broadcast_in_dim3A_165 : vector<1x3200xi1> to vector<32x3200xi1>
    %broadcast_in_dim3A_167 = vector.broadcast %jit3A_164 : f32 to vector<32x3200xf32>
    %select_n3A_168 = arith.select %broadcast_in_dim3A_166, %concatenate3A_158, %broadcast_in_dim3A_167 : vector<32x3200xi1>, vector<32x3200xf32>
    %max3A_169 = arith.maximumf %max3A_154, %select_n3A_168 : vector<32x3200xf32>
    %broadcast_in_dim3A_170 = arith.constant -3.40282347E+38 : f32
    %broadcast_in_dim3A_171 = vector.broadcast %broadcast_in_dim3A_170 : f32 to vector<32x64xf32>
    %slice3A_172 = vector.extract_strided_slice %max3A_169 {offsets = [0, 0], sizes = [32, 3136], strides = [1, 1]} : vector<32x3200xf32> to vector<32x3136xf32>
    %concatenate3A_173 = tpu.concatenate %broadcast_in_dim3A_171, %slice3A_172 in 1 : vector<32x64xf32>, vector<32x3136xf32> -> vector<32x3200xf32>
    %broadcast_in_dim3A_174 = arith.constant -1 : i32
    %broadcast_in_dim3A_175 = vector.broadcast %broadcast_in_dim3A_174 : i32 to vector<1x64xi32>
    %slice3A_176 = vector.extract_strided_slice %get3A_3 {offsets = [0, 0], sizes = [1, 3136], strides = [1, 1]} : vector<1x3200xi32> to vector<1x3136xi32>
    %concatenate3A_177 = tpu.concatenate %broadcast_in_dim3A_175, %slice3A_176 in 1 : vector<1x64xi32>, vector<1x3136xi32> -> vector<1x3200xi32>
    %eq3A_178 = arith.cmpi eq, %concatenate3A_177, %get3A_3 : vector<1x3200xi32>
    %jit3A_179 = arith.constant -3.40282347E+38 : f32
    %broadcast_in_dim3A_180 = vector.shape_cast %eq3A_178 : vector<1x3200xi1> to vector<1x3200xi1>
    %broadcast_in_dim3A_181 = vector.broadcast %broadcast_in_dim3A_180 : vector<1x3200xi1> to vector<32x3200xi1>
    %broadcast_in_dim3A_182 = vector.broadcast %jit3A_179 : f32 to vector<32x3200xf32>
    %select_n3A_183 = arith.select %broadcast_in_dim3A_181, %concatenate3A_173, %broadcast_in_dim3A_182 : vector<32x3200xi1>, vector<32x3200xf32>
    %max3A_184 = arith.maximumf %max3A_169, %select_n3A_183 : vector<32x3200xf32>
    %broadcast_in_dim3A_185 = arith.constant -3.40282347E+38 : f32
    %broadcast_in_dim3A_186 = vector.broadcast %broadcast_in_dim3A_185 : f32 to vector<32x128xf32>
    %slice3A_187 = vector.extract_strided_slice %max3A_184 {offsets = [0, 0], sizes = [32, 3072], strides = [1, 1]} : vector<32x3200xf32> to vector<32x3072xf32>
    %concatenate3A_188 = tpu.concatenate %broadcast_in_dim3A_186, %slice3A_187 in 1 : vector<32x128xf32>, vector<32x3072xf32> -> vector<32x3200xf32>
    %broadcast_in_dim3A_189 = arith.constant -1 : i32
    %broadcast_in_dim3A_190 = vector.broadcast %broadcast_in_dim3A_189 : i32 to vector<1x128xi32>
    %slice3A_191 = vector.extract_strided_slice %get3A_3 {offsets = [0, 0], sizes = [1, 3072], strides = [1, 1]} : vector<1x3200xi32> to vector<1x3072xi32>
    %concatenate3A_192 = tpu.concatenate %broadcast_in_dim3A_190, %slice3A_191 in 1 : vector<1x128xi32>, vector<1x3072xi32> -> vector<1x3200xi32>
    %eq3A_193 = arith.cmpi eq, %concatenate3A_192, %get3A_3 : vector<1x3200xi32>
    %jit3A_194 = arith.constant -3.40282347E+38 : f32
    %broadcast_in_dim3A_195 = vector.shape_cast %eq3A_193 : vector<1x3200xi1> to vector<1x3200xi1>
    %broadcast_in_dim3A_196 = vector.broadcast %broadcast_in_dim3A_195 : vector<1x3200xi1> to vector<32x3200xi1>
    %broadcast_in_dim3A_197 = vector.broadcast %jit3A_194 : f32 to vector<32x3200xf32>
    %select_n3A_198 = arith.select %broadcast_in_dim3A_196, %concatenate3A_188, %broadcast_in_dim3A_197 : vector<32x3200xi1>, vector<32x3200xf32>
    %max3A_199 = arith.maximumf %max3A_184, %select_n3A_198 : vector<32x3200xf32>
    %broadcast_in_dim3A_200 = arith.constant -3.40282347E+38 : f32
    %broadcast_in_dim3A_201 = vector.broadcast %broadcast_in_dim3A_200 : f32 to vector<32x256xf32>
    %slice3A_202 = vector.extract_strided_slice %max3A_199 {offsets = [0, 0], sizes = [32, 2944], strides = [1, 1]} : vector<32x3200xf32> to vector<32x2944xf32>
    %concatenate3A_203 = tpu.concatenate %broadcast_in_dim3A_201, %slice3A_202 in 1 : vector<32x256xf32>, vector<32x2944xf32> -> vector<32x3200xf32>
    %broadcast_in_dim3A_204 = arith.constant -1 : i32
    %broadcast_in_dim3A_205 = vector.broadcast %broadcast_in_dim3A_204 : i32 to vector<1x256xi32>
    %slice3A_206 = vector.extract_strided_slice %get3A_3 {offsets = [0, 0], sizes = [1, 2944], strides = [1, 1]} : vector<1x3200xi32> to vector<1x2944xi32>
    %concatenate3A_207 = tpu.concatenate %broadcast_in_dim3A_205, %slice3A_206 in 1 : vector<1x256xi32>, vector<1x2944xi32> -> vector<1x3200xi32>
    %eq3A_208 = arith.cmpi eq, %concatenate3A_207, %get3A_3 : vector<1x3200xi32>
    %jit3A_209 = arith.constant -3.40282347E+38 : f32
    %broadcast_in_dim3A_210 = vector.shape_cast %eq3A_208 : vector<1x3200xi1> to vector<1x3200xi1>
    %broadcast_in_dim3A_211 = vector.broadcast %broadcast_in_dim3A_210 : vector<1x3200xi1> to vector<32x3200xi1>
    %broadcast_in_dim3A_212 = vector.broadcast %jit3A_209 : f32 to vector<32x3200xf32>
    %select_n3A_213 = arith.select %broadcast_in_dim3A_211, %concatenate3A_203, %broadcast_in_dim3A_212 : vector<32x3200xi1>, vector<32x3200xf32>
    %max3A_214 = arith.maximumf %max3A_199, %select_n3A_213 : vector<32x3200xf32>
    %broadcast_in_dim3A_215 = arith.constant -3.40282347E+38 : f32
    %broadcast_in_dim3A_216 = vector.broadcast %broadcast_in_dim3A_215 : f32 to vector<32x512xf32>
    %slice3A_217 = vector.extract_strided_slice %max3A_214 {offsets = [0, 0], sizes = [32, 2688], strides = [1, 1]} : vector<32x3200xf32> to vector<32x2688xf32>
    %concatenate3A_218 = tpu.concatenate %broadcast_in_dim3A_216, %slice3A_217 in 1 : vector<32x512xf32>, vector<32x2688xf32> -> vector<32x3200xf32>
    %broadcast_in_dim3A_219 = arith.constant -1 : i32
    %broadcast_in_dim3A_220 = vector.broadcast %broadcast_in_dim3A_219 : i32 to vector<1x512xi32>
    %slice3A_221 = vector.extract_strided_slice %get3A_3 {offsets = [0, 0], sizes = [1, 2688], strides = [1, 1]} : vector<1x3200xi32> to vector<1x2688xi32>
    %concatenate3A_222 = tpu.concatenate %broadcast_in_dim3A_220, %slice3A_221 in 1 : vector<1x512xi32>, vector<1x2688xi32> -> vector<1x3200xi32>
    %eq3A_223 = arith.cmpi eq, %concatenate3A_222, %get3A_3 : vector<1x3200xi32>
    %jit3A_224 = arith.constant -3.40282347E+38 : f32
    %broadcast_in_dim3A_225 = vector.shape_cast %eq3A_223 : vector<1x3200xi1> to vector<1x3200xi1>
    %broadcast_in_dim3A_226 = vector.broadcast %broadcast_in_dim3A_225 : vector<1x3200xi1> to vector<32x3200xi1>
    %broadcast_in_dim3A_227 = vector.broadcast %jit3A_224 : f32 to vector<32x3200xf32>
    %select_n3A_228 = arith.select %broadcast_in_dim3A_226, %concatenate3A_218, %broadcast_in_dim3A_227 : vector<32x3200xi1>, vector<32x3200xf32>
    %max3A_229 = arith.maximumf %max3A_214, %select_n3A_228 : vector<32x3200xf32>
    %broadcast_in_dim3A_230 = arith.constant -3.40282347E+38 : f32
    %broadcast_in_dim3A_231 = vector.broadcast %broadcast_in_dim3A_230 : f32 to vector<32x1024xf32>
    %slice3A_232 = vector.extract_strided_slice %max3A_229 {offsets = [0, 0], sizes = [32, 2176], strides = [1, 1]} : vector<32x3200xf32> to vector<32x2176xf32>
    %concatenate3A_233 = tpu.concatenate %broadcast_in_dim3A_231, %slice3A_232 in 1 : vector<32x1024xf32>, vector<32x2176xf32> -> vector<32x3200xf32>
    %broadcast_in_dim3A_234 = arith.constant -1 : i32
    %broadcast_in_dim3A_235 = vector.broadcast %broadcast_in_dim3A_234 : i32 to vector<1x1024xi32>
    %slice3A_236 = vector.extract_strided_slice %get3A_3 {offsets = [0, 0], sizes = [1, 2176], strides = [1, 1]} : vector<1x3200xi32> to vector<1x2176xi32>
    %concatenate3A_237 = tpu.concatenate %broadcast_in_dim3A_235, %slice3A_236 in 1 : vector<1x1024xi32>, vector<1x2176xi32> -> vector<1x3200xi32>
    %eq3A_238 = arith.cmpi eq, %concatenate3A_237, %get3A_3 : vector<1x3200xi32>
    %jit3A_239 = arith.constant -3.40282347E+38 : f32
    %broadcast_in_dim3A_240 = vector.shape_cast %eq3A_238 : vector<1x3200xi1> to vector<1x3200xi1>
    %broadcast_in_dim3A_241 = vector.broadcast %broadcast_in_dim3A_240 : vector<1x3200xi1> to vector<32x3200xi1>
    %broadcast_in_dim3A_242 = vector.broadcast %jit3A_239 : f32 to vector<32x3200xf32>
    %select_n3A_243 = arith.select %broadcast_in_dim3A_241, %concatenate3A_233, %broadcast_in_dim3A_242 : vector<32x3200xi1>, vector<32x3200xf32>
    %max3A_244 = arith.maximumf %max3A_229, %select_n3A_243 : vector<32x3200xf32>
    %broadcast_in_dim3A_245 = arith.constant -3.40282347E+38 : f32
    %broadcast_in_dim3A_246 = vector.broadcast %broadcast_in_dim3A_245 : f32 to vector<32x2048xf32>
    %slice3A_247 = vector.extract_strided_slice %max3A_244 {offsets = [0, 0], sizes = [32, 1152], strides = [1, 1]} : vector<32x3200xf32> to vector<32x1152xf32>
    %concatenate3A_248 = tpu.concatenate %broadcast_in_dim3A_246, %slice3A_247 in 1 : vector<32x2048xf32>, vector<32x1152xf32> -> vector<32x3200xf32>
    %broadcast_in_dim3A_249 = arith.constant -1 : i32
    %broadcast_in_dim3A_250 = vector.broadcast %broadcast_in_dim3A_249 : i32 to vector<1x2048xi32>
    %slice3A_251 = vector.extract_strided_slice %get3A_3 {offsets = [0, 0], sizes = [1, 1152], strides = [1, 1]} : vector<1x3200xi32> to vector<1x1152xi32>
    %concatenate3A_252 = tpu.concatenate %broadcast_in_dim3A_250, %slice3A_251 in 1 : vector<1x2048xi32>, vector<1x1152xi32> -> vector<1x3200xi32>
    %eq3A_253 = arith.cmpi eq, %concatenate3A_252, %get3A_3 : vector<1x3200xi32>
    %jit3A_254 = arith.constant -3.40282347E+38 : f32
    %broadcast_in_dim3A_255 = vector.shape_cast %eq3A_253 : vector<1x3200xi1> to vector<1x3200xi1>
    %broadcast_in_dim3A_256 = vector.broadcast %broadcast_in_dim3A_255 : vector<1x3200xi1> to vector<32x3200xi1>
    %broadcast_in_dim3A_257 = vector.broadcast %jit3A_254 : f32 to vector<32x3200xf32>
    %select_n3A_258 = arith.select %broadcast_in_dim3A_256, %concatenate3A_248, %broadcast_in_dim3A_257 : vector<32x3200xi1>, vector<32x3200xf32>
    %max3A_259 = arith.maximumf %max3A_244, %select_n3A_258 : vector<32x3200xf32>
    %get3A_260 = arith.constant 0 : index
    %get3A_261 = memref.load %arg17[%get3A_260] : memref<2xi32, #tpu.memory_space<smem>>
    %eq3A_262 = vector.broadcast %get3A_261 : i32 to vector<1x3200xi32>
    %eq3A_263 = arith.cmpi eq, %get3A_3, %eq3A_262 : vector<1x3200xi32>
    %get3A_264 = arith.constant 0 : index
    %get3A_265 = arith.constant 0 : index
    %get3A_266 = vector.load %arg16[%get3A_264, %get3A_265] : memref<32x2xf32, #tpu.memory_space<vmem>>, vector<32x1xf32>
    %max3A_267 = vector.broadcast %get3A_266 : vector<32x1xf32> to vector<32x3200xf32>
    %max3A_268 = arith.maximumf %max3A_259, %max3A_267 : vector<32x3200xf32>
    %broadcast_in_dim3A_269 = vector.shape_cast %eq3A_263 : vector<1x3200xi1> to vector<1x3200xi1>
    %broadcast_in_dim3A_270 = vector.broadcast %broadcast_in_dim3A_269 : vector<1x3200xi1> to vector<32x3200xi1>
    %select_n3A_271 = arith.select %broadcast_in_dim3A_270, %max3A_268, %max3A_259 : vector<32x3200xi1>, vector<32x3200xf32>
    %swap3A_272 = arith.constant 0 : index
    %swap3A_273 = arith.constant 0 : index
    %swap3A_274 = vector.load %arg15[%swap3A_272, %swap3A_273] : memref<32x3200xf32, #tpu.memory_space<vmem>>, vector<32x3200xf32>
    tpu.vector_store %arg15[%swap3A_272, %swap3A_273], %select_n3A_271 {strides = array<i32>} : memref<32x3200xf32, #tpu.memory_space<vmem>>, vector<32x3200xf32>,
    %slice3A_275 = vector.extract_strided_slice %select_n3A_271 {offsets = [0, 3199], sizes = [32, 1], strides = [1, 1]} : vector<32x3200xf32> to vector<32x1xf32>
    %swap3A_276 = arith.constant 0 : index
    %swap3A_277 = arith.constant 0 : index
    %swap3A_278 = vector.load %arg16[%swap3A_276, %swap3A_277] : memref<32x2xf32, #tpu.memory_space<vmem>>, vector<32x1xf32>
    tpu.vector_store %arg16[%swap3A_276, %swap3A_277], %slice3A_275 {strides = array<i32>} : memref<32x2xf32, #tpu.memory_space<vmem>>, vector<32x1xf32>,
    %slice3A_279 = vector.extract_strided_slice %get3A_3 {offsets = [0, 3199], sizes = [1, 1], strides = [1, 1]} : vector<1x3200xi32> to vector<1x1xi32>
    %squeeze3A = vector.extract %slice3A_279[0, 0] : i32 from vector<1x1xi32>
    %swap3A_280 = arith.constant 0 : index
    %swap3A_281 = memref.load %arg17[%swap3A_280] : memref<2xi32, #tpu.memory_space<smem>>
    memref.store %squeeze3A, %arg17[%swap3A_280] : memref<2xi32, #tpu.memory_space<smem>>
    return
  }
  func.func @transform_0(%arg0: i32) -> (i32, i32) {
    %c0_i32 = arith.constant 0 : i32
    %c0_i32_0 = arith.constant 0 : i32
    return %c0_i32, %arg0 : i32, i32
  }
  func.func @transform_1(%arg0: i32) -> (i32, i32) {
    %c0_i32 = arith.constant 0 : i32
    %c0_i32_0 = arith.constant 0 : i32
    return %c0_i32, %arg0 : i32, i32
  }
  func.func @transform_2(%arg0: i32) -> (i32, i32) {
    %c0_i32 = arith.constant 0 : i32
    %c0_i32_0 = arith.constant 0 : i32
    return %c0_i32, %arg0 : i32, i32
  }
  func.func @transform_3(%arg0: i32) -> (i32, i32) {
    %c0_i32 = arith.constant 0 : i32
    %c0_i32_0 = arith.constant 0 : i32
    return %c0_i32, %arg0 : i32, i32
  }
  func.func @transform_4(%arg0: i32) -> (i32, i32) {
    %c0_i32 = arith.constant 0 : i32
    %c0_i32_0 = arith.constant 0 : i32
    %c0_i32_1 = arith.constant 0 : i32
    return %c0_i32, %c0_i32_0 : i32, i32
  }
  func.func @transform_5(%arg0: i32) -> (i32, i32) {
    %c0_i32 = arith.constant 0 : i32
    %c0_i32_0 = arith.constant 0 : i32
    %c0_i32_1 = arith.constant 0 : i32
    return %c0_i32, %c0_i32_0 : i32, i32
  }
  func.func @transform_6(%arg0: i32) -> (i32, i32) {
    %c0_i32 = arith.constant 0 : i32
    %c0_i32_0 = arith.constant 0 : i32
    %c0_i32_1 = arith.constant 0 : i32
    return %c0_i32, %c0_i32_0 : i32, i32
  }
  func.func @transform_7(%arg0: i32) -> (i32, i32) {
    %c0_i32 = arith.constant 0 : i32
    %c0_i32_0 = arith.constant 0 : i32
    %c0_i32_1 = arith.constant 0 : i32
    return %c0_i32, %c0_i32_0 : i32, i32
  }
  func.func @transform_8(%arg0: i32) -> (i32, i32) {
    %c0_i32 = arith.constant 0 : i32
    %c0_i32_0 = arith.constant 0 : i32
    %c0_i32_1 = arith.constant 0 : i32
    return %c0_i32, %c0_i32_0 : i32, i32
  }
  func.func @transform_9(%arg0: i32) -> (i32, i32) {
    %c0_i32 = arith.constant 0 : i32
    %c0_i32_0 = arith.constant 0 : i32
    %c0_i32_1 = arith.constant 0 : i32
    return %c0_i32, %c0_i32_0 : i32, i32
  }
  func.func @transform_10(%arg0: i32) -> (i32, i32) {
    %c0_i32 = arith.constant 0 : i32
    %c0_i32_0 = arith.constant 0 : i32
    %c0_i32_1 = arith.constant 0 : i32
    return %c0_i32, %c0_i32_0 : i32, i32
  }
  func.func @transform_11(%arg0: i32) -> (i32, i32) {
    %c0_i32 = arith.constant 0 : i32
    %c0_i32_0 = arith.constant 0 : i32
    %c0_i32_1 = arith.constant 0 : i32
    return %c0_i32, %c0_i32_0 : i32, i32
  }
  func.func @transform_12(%arg0: i32) -> (i32, i32) {
    %c0_i32 = arith.constant 0 : i32
    %c0_i32_0 = arith.constant 0 : i32
    %c0_i32_1 = arith.constant 0 : i32
    return %c0_i32, %c0_i32_0 : i32, i32
  }
  func.func @transform_13(%arg0: i32) -> (i32, i32) {
    %c0_i32 = arith.constant 0 : i32
    %c0_i32_0 = arith.constant 0 : i32
    return %c0_i32, %arg0 : i32, i32
  }
  func.func @transform_14(%arg0: i32) -> (i32, i32) {
    %c0_i32 = arith.constant 0 : i32
    %c0_i32_0 = arith.constant 0 : i32
    return %c0_i32, %arg0 : i32, i32
  }
}

module attributes {stable_mosaic.version = 14 : i64} {
  func.func @_fwd_next_kernel(%arg0: i32, %arg1: memref<1x3200xi32, #tpu.memory_space<vmem>>, %arg2: memref<32x3200xf32, #tpu.memory_space<vmem>>, %arg3: memref<32x3200xf32, #tpu.memory_space<vmem>>, %arg4: memref<4x3200xf32, #tpu.memory_space<vmem>>, %arg5: memref<3x3200xf32, #tpu.memory_space<vmem>>, %arg6: memref<32x4xf32, #tpu.memory_space<vmem>>, %arg7: memref<32x32xf32, #tpu.memory_space<vmem>>, %arg8: memref<32x32xf32, #tpu.memory_space<vmem>>, %arg9: memref<32x1xf32, #tpu.memory_space<vmem>>, %arg10: memref<32x1xf32, #tpu.memory_space<vmem>>, %arg11: memref<32x1xf32, #tpu.memory_space<vmem>>, %arg12: memref<16x3xf32, #tpu.memory_space<vmem>>, %arg13: memref<16x1xf32, #tpu.memory_space<vmem>>, %arg14: memref<32x16xf32, #tpu.memory_space<vmem>>, %arg15: memref<32x1xf32, #tpu.memory_space<vmem>>, %arg16: memref<32x3200xf32, #tpu.memory_space<vmem>>, %arg17: memref<32x3200xf32, #tpu.memory_space<vmem>>, %arg18: memref<32x3200xf32, #tpu.memory_space<vmem>>, %arg19: memref<32x2xf32, #tpu.memory_space<vmem>>, %arg20: memref<2xi32, #tpu.memory_space<smem>>) attributes {dimension_semantics = [#tpu.dimension_semantics<arbitrary>], iteration_bounds = array<i64: 100>, scalar_prefetch = 0 : i64, scratch_operands = 2 : i64, tpu.core_type = #tpu.core_type<tc>, window_params = [{transform_indices = @transform_0, window_bounds = array<i64: 1, 3200>}, {transform_indices = @transform_1, window_bounds = array<i64: 32, 3200>}, {transform_indices = @transform_2, window_bounds = array<i64: 32, 3200>}, {transform_indices = @transform_3, window_bounds = array<i64: 4, 3200>}, {transform_indices = @transform_4, window_bounds = array<i64: 3, 3200>}, {pipeline_mode = #tpu.pipeline_mode<synchronous>, transform_indices = @transform_5, window_bounds = array<i64: 32, 4>}, {pipeline_mode = #tpu.pipeline_mode<synchronous>, transform_indices = @transform_6, window_bounds = array<i64: 32, 32>}, {pipeline_mode = #tpu.pipeline_mode<synchronous>, transform_indices = @transform_7, window_bounds = array<i64: 32, 32>}, {pipeline_mode = #tpu.pipeline_mode<synchronous>, transform_indices = @transform_8, window_bounds = array<i64: 32, 1>}, {pipeline_mode = #tpu.pipeline_mode<synchronous>, transform_indices = @transform_9, window_bounds = array<i64: 32, 1>}, {pipeline_mode = #tpu.pipeline_mode<synchronous>, transform_indices = @transform_10, window_bounds = array<i64: 32, 1>}, {pipeline_mode = #tpu.pipeline_mode<synchronous>, transform_indices = @transform_11, window_bounds = array<i64: 16, 3>}, {pipeline_mode = #tpu.pipeline_mode<synchronous>, transform_indices = @transform_12, window_bounds = array<i64: 16, 1>}, {pipeline_mode = #tpu.pipeline_mode<synchronous>, transform_indices = @transform_13, window_bounds = array<i64: 32, 16>}, {pipeline_mode = #tpu.pipeline_mode<synchronous>, transform_indices = @transform_14, window_bounds = array<i64: 32, 1>}, {transform_indices = @transform_15, window_bounds = array<i64: 32, 3200>}, {transform_indices = @transform_16, window_bounds = array<i64: 32, 3200>}, {transform_indices = @transform_17, window_bounds = array<i64: 32, 3200>}]} {
    %eq3A = arith.constant 0 : i32
    %eq3A_0 = arith.cmpi eq, %arg0, %eq3A : i32
    %convert_element_type3A = arith.extui %eq3A_0 : i1 to i32
    %cond3A = arith.constant 0 : i32
    %cond3A_1 = arith.cmpi ne, %convert_element_type3A, %cond3A : i32
    scf.if %cond3A_1 {
      %broadcast_in_dim3A_495 = arith.constant -3.40282347E+38 : f32
      %broadcast_in_dim3A_496 = vector.broadcast %broadcast_in_dim3A_495 : f32 to vector<32x2xf32>
      %swap3A_497 = arith.constant 0 : index
      %swap3A_498 = arith.constant 0 : index
      %swap3A_499 = vector.load %arg19[%swap3A_497, %swap3A_498] : memref<32x2xf32, #tpu.memory_space<vmem>>, vector<32x2xf32>
      tpu.vector_store %arg19[%swap3A_497, %swap3A_498], %broadcast_in_dim3A_496 {strides = array<i32>} : memref<32x2xf32, #tpu.memory_space<vmem>>, vector<32x2xf32>,
      %swap3A_500 = arith.constant -1 : i32
      %swap3A_501 = arith.constant 0 : index
      %swap3A_502 = memref.load %arg20[%swap3A_501] : memref<2xi32, #tpu.memory_space<smem>>
      memref.store %swap3A_500, %arg20[%swap3A_501] : memref<2xi32, #tpu.memory_space<smem>>
      %swap3A_503 = arith.constant -1 : i32
      %swap3A_504 = arith.constant 1 : index
      %swap3A_505 = memref.load %arg20[%swap3A_504] : memref<2xi32, #tpu.memory_space<smem>>
      memref.store %swap3A_503, %arg20[%swap3A_504] : memref<2xi32, #tpu.memory_space<smem>>
    } else {
    }
    %get3A = arith.constant 0 : index
    %get3A_2 = arith.constant 0 : index
    %get3A_3 = vector.load %arg1[%get3A, %get3A_2] : memref<1x3200xi32, #tpu.memory_space<vmem>>, vector<1x3200xi32>
    %get3A_4 = arith.constant 0 : index
    %get3A_5 = arith.constant 0 : index
    %get3A_6 = vector.load %arg2[%get3A_4, %get3A_5] : memref<32x3200xf32, #tpu.memory_space<vmem>>, vector<32x3200xf32>
    %broadcast_in_dim3A = arith.constant -3.40282347E+38 : f32
    %broadcast_in_dim3A_7 = vector.broadcast %broadcast_in_dim3A : f32 to vector<32x1xf32>
    %slice3A = vector.extract_strided_slice %get3A_6 {offsets = [0, 0], sizes = [32, 3199], strides = [1, 1]} : vector<32x3200xf32> to vector<32x3199xf32>
    %concatenate3A = tpu.concatenate %broadcast_in_dim3A_7, %slice3A in 1 : vector<32x1xf32>, vector<32x3199xf32> -> vector<32x3200xf32>
    %broadcast_in_dim3A_8 = arith.constant -1 : i32
    %broadcast_in_dim3A_9 = vector.broadcast %broadcast_in_dim3A_8 : i32 to vector<1x1xi32>
    %slice3A_10 = vector.extract_strided_slice %get3A_3 {offsets = [0, 0], sizes = [1, 3199], strides = [1, 1]} : vector<1x3200xi32> to vector<1x3199xi32>
    %concatenate3A_11 = tpu.concatenate %broadcast_in_dim3A_9, %slice3A_10 in 1 : vector<1x1xi32>, vector<1x3199xi32> -> vector<1x3200xi32>
    %eq3A_12 = arith.cmpi eq, %concatenate3A_11, %get3A_3 : vector<1x3200xi32>
    %jit3A = arith.constant -3.40282347E+38 : f32
    %broadcast_in_dim3A_13 = vector.shape_cast %eq3A_12 : vector<1x3200xi1> to vector<1x3200xi1>
    %broadcast_in_dim3A_14 = vector.broadcast %broadcast_in_dim3A_13 : vector<1x3200xi1> to vector<32x3200xi1>
    %broadcast_in_dim3A_15 = vector.broadcast %jit3A : f32 to vector<32x3200xf32>
    %select_n3A = arith.select %broadcast_in_dim3A_14, %concatenate3A, %broadcast_in_dim3A_15 : vector<32x3200xi1>, vector<32x3200xf32>
    %max3A = arith.maximumf %get3A_6, %select_n3A : vector<32x3200xf32>
    %broadcast_in_dim3A_16 = arith.constant -3.40282347E+38 : f32
    %broadcast_in_dim3A_17 = vector.broadcast %broadcast_in_dim3A_16 : f32 to vector<32x2xf32>
    %slice3A_18 = vector.extract_strided_slice %max3A {offsets = [0, 0], sizes = [32, 3198], strides = [1, 1]} : vector<32x3200xf32> to vector<32x3198xf32>
    %concatenate3A_19 = tpu.concatenate %broadcast_in_dim3A_17, %slice3A_18 in 1 : vector<32x2xf32>, vector<32x3198xf32> -> vector<32x3200xf32>
    %broadcast_in_dim3A_20 = arith.constant -1 : i32
    %broadcast_in_dim3A_21 = vector.broadcast %broadcast_in_dim3A_20 : i32 to vector<1x2xi32>
    %slice3A_22 = vector.extract_strided_slice %get3A_3 {offsets = [0, 0], sizes = [1, 3198], strides = [1, 1]} : vector<1x3200xi32> to vector<1x3198xi32>
    %concatenate3A_23 = tpu.concatenate %broadcast_in_dim3A_21, %slice3A_22 in 1 : vector<1x2xi32>, vector<1x3198xi32> -> vector<1x3200xi32>
    %eq3A_24 = arith.cmpi eq, %concatenate3A_23, %get3A_3 : vector<1x3200xi32>
    %jit3A_25 = arith.constant -3.40282347E+38 : f32
    %broadcast_in_dim3A_26 = vector.shape_cast %eq3A_24 : vector<1x3200xi1> to vector<1x3200xi1>
    %broadcast_in_dim3A_27 = vector.broadcast %broadcast_in_dim3A_26 : vector<1x3200xi1> to vector<32x3200xi1>
    %broadcast_in_dim3A_28 = vector.broadcast %jit3A_25 : f32 to vector<32x3200xf32>
    %select_n3A_29 = arith.select %broadcast_in_dim3A_27, %concatenate3A_19, %broadcast_in_dim3A_28 : vector<32x3200xi1>, vector<32x3200xf32>
    %max3A_30 = arith.maximumf %max3A, %select_n3A_29 : vector<32x3200xf32>
    %broadcast_in_dim3A_31 = arith.constant -3.40282347E+38 : f32
    %broadcast_in_dim3A_32 = vector.broadcast %broadcast_in_dim3A_31 : f32 to vector<32x4xf32>
    %slice3A_33 = vector.extract_strided_slice %max3A_30 {offsets = [0, 0], sizes = [32, 3196], strides = [1, 1]} : vector<32x3200xf32> to vector<32x3196xf32>
    %concatenate3A_34 = tpu.concatenate %broadcast_in_dim3A_32, %slice3A_33 in 1 : vector<32x4xf32>, vector<32x3196xf32> -> vector<32x3200xf32>
    %broadcast_in_dim3A_35 = arith.constant -1 : i32
    %broadcast_in_dim3A_36 = vector.broadcast %broadcast_in_dim3A_35 : i32 to vector<1x4xi32>
    %slice3A_37 = vector.extract_strided_slice %get3A_3 {offsets = [0, 0], sizes = [1, 3196], strides = [1, 1]} : vector<1x3200xi32> to vector<1x3196xi32>
    %concatenate3A_38 = tpu.concatenate %broadcast_in_dim3A_36, %slice3A_37 in 1 : vector<1x4xi32>, vector<1x3196xi32> -> vector<1x3200xi32>
    %eq3A_39 = arith.cmpi eq, %concatenate3A_38, %get3A_3 : vector<1x3200xi32>
    %jit3A_40 = arith.constant -3.40282347E+38 : f32
    %broadcast_in_dim3A_41 = vector.shape_cast %eq3A_39 : vector<1x3200xi1> to vector<1x3200xi1>
    %broadcast_in_dim3A_42 = vector.broadcast %broadcast_in_dim3A_41 : vector<1x3200xi1> to vector<32x3200xi1>
    %broadcast_in_dim3A_43 = vector.broadcast %jit3A_40 : f32 to vector<32x3200xf32>
    %select_n3A_44 = arith.select %broadcast_in_dim3A_42, %concatenate3A_34, %broadcast_in_dim3A_43 : vector<32x3200xi1>, vector<32x3200xf32>
    %max3A_45 = arith.maximumf %max3A_30, %select_n3A_44 : vector<32x3200xf32>
    %broadcast_in_dim3A_46 = arith.constant -3.40282347E+38 : f32
    %broadcast_in_dim3A_47 = vector.broadcast %broadcast_in_dim3A_46 : f32 to vector<32x8xf32>
    %slice3A_48 = vector.extract_strided_slice %max3A_45 {offsets = [0, 0], sizes = [32, 3192], strides = [1, 1]} : vector<32x3200xf32> to vector<32x3192xf32>
    %concatenate3A_49 = tpu.concatenate %broadcast_in_dim3A_47, %slice3A_48 in 1 : vector<32x8xf32>, vector<32x3192xf32> -> vector<32x3200xf32>
    %broadcast_in_dim3A_50 = arith.constant -1 : i32
    %broadcast_in_dim3A_51 = vector.broadcast %broadcast_in_dim3A_50 : i32 to vector<1x8xi32>
    %slice3A_52 = vector.extract_strided_slice %get3A_3 {offsets = [0, 0], sizes = [1, 3192], strides = [1, 1]} : vector<1x3200xi32> to vector<1x3192xi32>
    %concatenate3A_53 = tpu.concatenate %broadcast_in_dim3A_51, %slice3A_52 in 1 : vector<1x8xi32>, vector<1x3192xi32> -> vector<1x3200xi32>
    %eq3A_54 = arith.cmpi eq, %concatenate3A_53, %get3A_3 : vector<1x3200xi32>
    %jit3A_55 = arith.constant -3.40282347E+38 : f32
    %broadcast_in_dim3A_56 = vector.shape_cast %eq3A_54 : vector<1x3200xi1> to vector<1x3200xi1>
    %broadcast_in_dim3A_57 = vector.broadcast %broadcast_in_dim3A_56 : vector<1x3200xi1> to vector<32x3200xi1>
    %broadcast_in_dim3A_58 = vector.broadcast %jit3A_55 : f32 to vector<32x3200xf32>
    %select_n3A_59 = arith.select %broadcast_in_dim3A_57, %concatenate3A_49, %broadcast_in_dim3A_58 : vector<32x3200xi1>, vector<32x3200xf32>
    %max3A_60 = arith.maximumf %max3A_45, %select_n3A_59 : vector<32x3200xf32>
    %broadcast_in_dim3A_61 = arith.constant -3.40282347E+38 : f32
    %broadcast_in_dim3A_62 = vector.broadcast %broadcast_in_dim3A_61 : f32 to vector<32x16xf32>
    %slice3A_63 = vector.extract_strided_slice %max3A_60 {offsets = [0, 0], sizes = [32, 3184], strides = [1, 1]} : vector<32x3200xf32> to vector<32x3184xf32>
    %concatenate3A_64 = tpu.concatenate %broadcast_in_dim3A_62, %slice3A_63 in 1 : vector<32x16xf32>, vector<32x3184xf32> -> vector<32x3200xf32>
    %broadcast_in_dim3A_65 = arith.constant -1 : i32
    %broadcast_in_dim3A_66 = vector.broadcast %broadcast_in_dim3A_65 : i32 to vector<1x16xi32>
    %slice3A_67 = vector.extract_strided_slice %get3A_3 {offsets = [0, 0], sizes = [1, 3184], strides = [1, 1]} : vector<1x3200xi32> to vector<1x3184xi32>
    %concatenate3A_68 = tpu.concatenate %broadcast_in_dim3A_66, %slice3A_67 in 1 : vector<1x16xi32>, vector<1x3184xi32> -> vector<1x3200xi32>
    %eq3A_69 = arith.cmpi eq, %concatenate3A_68, %get3A_3 : vector<1x3200xi32>
    %jit3A_70 = arith.constant -3.40282347E+38 : f32
    %broadcast_in_dim3A_71 = vector.shape_cast %eq3A_69 : vector<1x3200xi1> to vector<1x3200xi1>
    %broadcast_in_dim3A_72 = vector.broadcast %broadcast_in_dim3A_71 : vector<1x3200xi1> to vector<32x3200xi1>
    %broadcast_in_dim3A_73 = vector.broadcast %jit3A_70 : f32 to vector<32x3200xf32>
    %select_n3A_74 = arith.select %broadcast_in_dim3A_72, %concatenate3A_64, %broadcast_in_dim3A_73 : vector<32x3200xi1>, vector<32x3200xf32>
    %max3A_75 = arith.maximumf %max3A_60, %select_n3A_74 : vector<32x3200xf32>
    %broadcast_in_dim3A_76 = arith.constant -3.40282347E+38 : f32
    %broadcast_in_dim3A_77 = vector.broadcast %broadcast_in_dim3A_76 : f32 to vector<32x32xf32>
    %slice3A_78 = vector.extract_strided_slice %max3A_75 {offsets = [0, 0], sizes = [32, 3168], strides = [1, 1]} : vector<32x3200xf32> to vector<32x3168xf32>
    %concatenate3A_79 = tpu.concatenate %broadcast_in_dim3A_77, %slice3A_78 in 1 : vector<32x32xf32>, vector<32x3168xf32> -> vector<32x3200xf32>
    %broadcast_in_dim3A_80 = arith.constant -1 : i32
    %broadcast_in_dim3A_81 = vector.broadcast %broadcast_in_dim3A_80 : i32 to vector<1x32xi32>
    %slice3A_82 = vector.extract_strided_slice %get3A_3 {offsets = [0, 0], sizes = [1, 3168], strides = [1, 1]} : vector<1x3200xi32> to vector<1x3168xi32>
    %concatenate3A_83 = tpu.concatenate %broadcast_in_dim3A_81, %slice3A_82 in 1 : vector<1x32xi32>, vector<1x3168xi32> -> vector<1x3200xi32>
    %eq3A_84 = arith.cmpi eq, %concatenate3A_83, %get3A_3 : vector<1x3200xi32>
    %jit3A_85 = arith.constant -3.40282347E+38 : f32
    %broadcast_in_dim3A_86 = vector.shape_cast %eq3A_84 : vector<1x3200xi1> to vector<1x3200xi1>
    %broadcast_in_dim3A_87 = vector.broadcast %broadcast_in_dim3A_86 : vector<1x3200xi1> to vector<32x3200xi1>
    %broadcast_in_dim3A_88 = vector.broadcast %jit3A_85 : f32 to vector<32x3200xf32>
    %select_n3A_89 = arith.select %broadcast_in_dim3A_87, %concatenate3A_79, %broadcast_in_dim3A_88 : vector<32x3200xi1>, vector<32x3200xf32>
    %max3A_90 = arith.maximumf %max3A_75, %select_n3A_89 : vector<32x3200xf32>
    %broadcast_in_dim3A_91 = arith.constant -3.40282347E+38 : f32
    %broadcast_in_dim3A_92 = vector.broadcast %broadcast_in_dim3A_91 : f32 to vector<32x64xf32>
    %slice3A_93 = vector.extract_strided_slice %max3A_90 {offsets = [0, 0], sizes = [32, 3136], strides = [1, 1]} : vector<32x3200xf32> to vector<32x3136xf32>
    %concatenate3A_94 = tpu.concatenate %broadcast_in_dim3A_92, %slice3A_93 in 1 : vector<32x64xf32>, vector<32x3136xf32> -> vector<32x3200xf32>
    %broadcast_in_dim3A_95 = arith.constant -1 : i32
    %broadcast_in_dim3A_96 = vector.broadcast %broadcast_in_dim3A_95 : i32 to vector<1x64xi32>
    %slice3A_97 = vector.extract_strided_slice %get3A_3 {offsets = [0, 0], sizes = [1, 3136], strides = [1, 1]} : vector<1x3200xi32> to vector<1x3136xi32>
    %concatenate3A_98 = tpu.concatenate %broadcast_in_dim3A_96, %slice3A_97 in 1 : vector<1x64xi32>, vector<1x3136xi32> -> vector<1x3200xi32>
    %eq3A_99 = arith.cmpi eq, %concatenate3A_98, %get3A_3 : vector<1x3200xi32>
    %jit3A_100 = arith.constant -3.40282347E+38 : f32
    %broadcast_in_dim3A_101 = vector.shape_cast %eq3A_99 : vector<1x3200xi1> to vector<1x3200xi1>
    %broadcast_in_dim3A_102 = vector.broadcast %broadcast_in_dim3A_101 : vector<1x3200xi1> to vector<32x3200xi1>
    %broadcast_in_dim3A_103 = vector.broadcast %jit3A_100 : f32 to vector<32x3200xf32>
    %select_n3A_104 = arith.select %broadcast_in_dim3A_102, %concatenate3A_94, %broadcast_in_dim3A_103 : vector<32x3200xi1>, vector<32x3200xf32>
    %max3A_105 = arith.maximumf %max3A_90, %select_n3A_104 : vector<32x3200xf32>
    %broadcast_in_dim3A_106 = arith.constant -3.40282347E+38 : f32
    %broadcast_in_dim3A_107 = vector.broadcast %broadcast_in_dim3A_106 : f32 to vector<32x128xf32>
    %slice3A_108 = vector.extract_strided_slice %max3A_105 {offsets = [0, 0], sizes = [32, 3072], strides = [1, 1]} : vector<32x3200xf32> to vector<32x3072xf32>
    %concatenate3A_109 = tpu.concatenate %broadcast_in_dim3A_107, %slice3A_108 in 1 : vector<32x128xf32>, vector<32x3072xf32> -> vector<32x3200xf32>
    %broadcast_in_dim3A_110 = arith.constant -1 : i32
    %broadcast_in_dim3A_111 = vector.broadcast %broadcast_in_dim3A_110 : i32 to vector<1x128xi32>
    %slice3A_112 = vector.extract_strided_slice %get3A_3 {offsets = [0, 0], sizes = [1, 3072], strides = [1, 1]} : vector<1x3200xi32> to vector<1x3072xi32>
    %concatenate3A_113 = tpu.concatenate %broadcast_in_dim3A_111, %slice3A_112 in 1 : vector<1x128xi32>, vector<1x3072xi32> -> vector<1x3200xi32>
    %eq3A_114 = arith.cmpi eq, %concatenate3A_113, %get3A_3 : vector<1x3200xi32>
    %jit3A_115 = arith.constant -3.40282347E+38 : f32
    %broadcast_in_dim3A_116 = vector.shape_cast %eq3A_114 : vector<1x3200xi1> to vector<1x3200xi1>
    %broadcast_in_dim3A_117 = vector.broadcast %broadcast_in_dim3A_116 : vector<1x3200xi1> to vector<32x3200xi1>
    %broadcast_in_dim3A_118 = vector.broadcast %jit3A_115 : f32 to vector<32x3200xf32>
    %select_n3A_119 = arith.select %broadcast_in_dim3A_117, %concatenate3A_109, %broadcast_in_dim3A_118 : vector<32x3200xi1>, vector<32x3200xf32>
    %max3A_120 = arith.maximumf %max3A_105, %select_n3A_119 : vector<32x3200xf32>
    %broadcast_in_dim3A_121 = arith.constant -3.40282347E+38 : f32
    %broadcast_in_dim3A_122 = vector.broadcast %broadcast_in_dim3A_121 : f32 to vector<32x256xf32>
    %slice3A_123 = vector.extract_strided_slice %max3A_120 {offsets = [0, 0], sizes = [32, 2944], strides = [1, 1]} : vector<32x3200xf32> to vector<32x2944xf32>
    %concatenate3A_124 = tpu.concatenate %broadcast_in_dim3A_122, %slice3A_123 in 1 : vector<32x256xf32>, vector<32x2944xf32> -> vector<32x3200xf32>
    %broadcast_in_dim3A_125 = arith.constant -1 : i32
    %broadcast_in_dim3A_126 = vector.broadcast %broadcast_in_dim3A_125 : i32 to vector<1x256xi32>
    %slice3A_127 = vector.extract_strided_slice %get3A_3 {offsets = [0, 0], sizes = [1, 2944], strides = [1, 1]} : vector<1x3200xi32> to vector<1x2944xi32>
    %concatenate3A_128 = tpu.concatenate %broadcast_in_dim3A_126, %slice3A_127 in 1 : vector<1x256xi32>, vector<1x2944xi32> -> vector<1x3200xi32>
    %eq3A_129 = arith.cmpi eq, %concatenate3A_128, %get3A_3 : vector<1x3200xi32>
    %jit3A_130 = arith.constant -3.40282347E+38 : f32
    %broadcast_in_dim3A_131 = vector.shape_cast %eq3A_129 : vector<1x3200xi1> to vector<1x3200xi1>
    %broadcast_in_dim3A_132 = vector.broadcast %broadcast_in_dim3A_131 : vector<1x3200xi1> to vector<32x3200xi1>
    %broadcast_in_dim3A_133 = vector.broadcast %jit3A_130 : f32 to vector<32x3200xf32>
    %select_n3A_134 = arith.select %broadcast_in_dim3A_132, %concatenate3A_124, %broadcast_in_dim3A_133 : vector<32x3200xi1>, vector<32x3200xf32>
    %max3A_135 = arith.maximumf %max3A_120, %select_n3A_134 : vector<32x3200xf32>
    %broadcast_in_dim3A_136 = arith.constant -3.40282347E+38 : f32
    %broadcast_in_dim3A_137 = vector.broadcast %broadcast_in_dim3A_136 : f32 to vector<32x512xf32>
    %slice3A_138 = vector.extract_strided_slice %max3A_135 {offsets = [0, 0], sizes = [32, 2688], strides = [1, 1]} : vector<32x3200xf32> to vector<32x2688xf32>
    %concatenate3A_139 = tpu.concatenate %broadcast_in_dim3A_137, %slice3A_138 in 1 : vector<32x512xf32>, vector<32x2688xf32> -> vector<32x3200xf32>
    %broadcast_in_dim3A_140 = arith.constant -1 : i32
    %broadcast_in_dim3A_141 = vector.broadcast %broadcast_in_dim3A_140 : i32 to vector<1x512xi32>
    %slice3A_142 = vector.extract_strided_slice %get3A_3 {offsets = [0, 0], sizes = [1, 2688], strides = [1, 1]} : vector<1x3200xi32> to vector<1x2688xi32>
    %concatenate3A_143 = tpu.concatenate %broadcast_in_dim3A_141, %slice3A_142 in 1 : vector<1x512xi32>, vector<1x2688xi32> -> vector<1x3200xi32>
    %eq3A_144 = arith.cmpi eq, %concatenate3A_143, %get3A_3 : vector<1x3200xi32>
    %jit3A_145 = arith.constant -3.40282347E+38 : f32
    %broadcast_in_dim3A_146 = vector.shape_cast %eq3A_144 : vector<1x3200xi1> to vector<1x3200xi1>
    %broadcast_in_dim3A_147 = vector.broadcast %broadcast_in_dim3A_146 : vector<1x3200xi1> to vector<32x3200xi1>
    %broadcast_in_dim3A_148 = vector.broadcast %jit3A_145 : f32 to vector<32x3200xf32>
    %select_n3A_149 = arith.select %broadcast_in_dim3A_147, %concatenate3A_139, %broadcast_in_dim3A_148 : vector<32x3200xi1>, vector<32x3200xf32>
    %max3A_150 = arith.maximumf %max3A_135, %select_n3A_149 : vector<32x3200xf32>
    %broadcast_in_dim3A_151 = arith.constant -3.40282347E+38 : f32
    %broadcast_in_dim3A_152 = vector.broadcast %broadcast_in_dim3A_151 : f32 to vector<32x1024xf32>
    %slice3A_153 = vector.extract_strided_slice %max3A_150 {offsets = [0, 0], sizes = [32, 2176], strides = [1, 1]} : vector<32x3200xf32> to vector<32x2176xf32>
    %concatenate3A_154 = tpu.concatenate %broadcast_in_dim3A_152, %slice3A_153 in 1 : vector<32x1024xf32>, vector<32x2176xf32> -> vector<32x3200xf32>
    %broadcast_in_dim3A_155 = arith.constant -1 : i32
    %broadcast_in_dim3A_156 = vector.broadcast %broadcast_in_dim3A_155 : i32 to vector<1x1024xi32>
    %slice3A_157 = vector.extract_strided_slice %get3A_3 {offsets = [0, 0], sizes = [1, 2176], strides = [1, 1]} : vector<1x3200xi32> to vector<1x2176xi32>
    %concatenate3A_158 = tpu.concatenate %broadcast_in_dim3A_156, %slice3A_157 in 1 : vector<1x1024xi32>, vector<1x2176xi32> -> vector<1x3200xi32>
    %eq3A_159 = arith.cmpi eq, %concatenate3A_158, %get3A_3 : vector<1x3200xi32>
    %jit3A_160 = arith.constant -3.40282347E+38 : f32
    %broadcast_in_dim3A_161 = vector.shape_cast %eq3A_159 : vector<1x3200xi1> to vector<1x3200xi1>
    %broadcast_in_dim3A_162 = vector.broadcast %broadcast_in_dim3A_161 : vector<1x3200xi1> to vector<32x3200xi1>
    %broadcast_in_dim3A_163 = vector.broadcast %jit3A_160 : f32 to vector<32x3200xf32>
    %select_n3A_164 = arith.select %broadcast_in_dim3A_162, %concatenate3A_154, %broadcast_in_dim3A_163 : vector<32x3200xi1>, vector<32x3200xf32>
    %max3A_165 = arith.maximumf %max3A_150, %select_n3A_164 : vector<32x3200xf32>
    %broadcast_in_dim3A_166 = arith.constant -3.40282347E+38 : f32
    %broadcast_in_dim3A_167 = vector.broadcast %broadcast_in_dim3A_166 : f32 to vector<32x2048xf32>
    %slice3A_168 = vector.extract_strided_slice %max3A_165 {offsets = [0, 0], sizes = [32, 1152], strides = [1, 1]} : vector<32x3200xf32> to vector<32x1152xf32>
    %concatenate3A_169 = tpu.concatenate %broadcast_in_dim3A_167, %slice3A_168 in 1 : vector<32x2048xf32>, vector<32x1152xf32> -> vector<32x3200xf32>
    %broadcast_in_dim3A_170 = arith.constant -1 : i32
    %broadcast_in_dim3A_171 = vector.broadcast %broadcast_in_dim3A_170 : i32 to vector<1x2048xi32>
    %slice3A_172 = vector.extract_strided_slice %get3A_3 {offsets = [0, 0], sizes = [1, 1152], strides = [1, 1]} : vector<1x3200xi32> to vector<1x1152xi32>
    %concatenate3A_173 = tpu.concatenate %broadcast_in_dim3A_171, %slice3A_172 in 1 : vector<1x2048xi32>, vector<1x1152xi32> -> vector<1x3200xi32>
    %eq3A_174 = arith.cmpi eq, %concatenate3A_173, %get3A_3 : vector<1x3200xi32>
    %jit3A_175 = arith.constant -3.40282347E+38 : f32
    %broadcast_in_dim3A_176 = vector.shape_cast %eq3A_174 : vector<1x3200xi1> to vector<1x3200xi1>
    %broadcast_in_dim3A_177 = vector.broadcast %broadcast_in_dim3A_176 : vector<1x3200xi1> to vector<32x3200xi1>
    %broadcast_in_dim3A_178 = vector.broadcast %jit3A_175 : f32 to vector<32x3200xf32>
    %select_n3A_179 = arith.select %broadcast_in_dim3A_177, %concatenate3A_169, %broadcast_in_dim3A_178 : vector<32x3200xi1>, vector<32x3200xf32>
    %max3A_180 = arith.maximumf %max3A_165, %select_n3A_179 : vector<32x3200xf32>
    %get3A_181 = arith.constant 0 : index
    %get3A_182 = memref.load %arg20[%get3A_181] : memref<2xi32, #tpu.memory_space<smem>>
    %eq3A_183 = vector.broadcast %get3A_182 : i32 to vector<1x3200xi32>
    %eq3A_184 = arith.cmpi eq, %get3A_3, %eq3A_183 : vector<1x3200xi32>
    %get3A_185 = arith.constant 0 : index
    %get3A_186 = arith.constant 0 : index
    %get3A_187 = vector.load %arg19[%get3A_185, %get3A_186] : memref<32x2xf32, #tpu.memory_space<vmem>>, vector<32x1xf32>
    %max3A_188 = vector.broadcast %get3A_187 : vector<32x1xf32> to vector<32x3200xf32>
    %max3A_189 = arith.maximumf %max3A_180, %max3A_188 : vector<32x3200xf32>
    %broadcast_in_dim3A_190 = vector.shape_cast %eq3A_184 : vector<1x3200xi1> to vector<1x3200xi1>
    %broadcast_in_dim3A_191 = vector.broadcast %broadcast_in_dim3A_190 : vector<1x3200xi1> to vector<32x3200xi1>
    %select_n3A_192 = arith.select %broadcast_in_dim3A_191, %max3A_189, %max3A_180 : vector<32x3200xi1>, vector<32x3200xf32>
    %slice3A_193 = vector.extract_strided_slice %select_n3A_192 {offsets = [0, 3199], sizes = [32, 1], strides = [1, 1]} : vector<32x3200xf32> to vector<32x1xf32>
    %swap3A = arith.constant 0 : index
    %swap3A_194 = arith.constant 0 : index
    %swap3A_195 = vector.load %arg19[%swap3A, %swap3A_194] : memref<32x2xf32, #tpu.memory_space<vmem>>, vector<32x1xf32>
    tpu.vector_store %arg19[%swap3A, %swap3A_194], %slice3A_193 {strides = array<i32>} : memref<32x2xf32, #tpu.memory_space<vmem>>, vector<32x1xf32>,
    %slice3A_196 = vector.extract_strided_slice %get3A_3 {offsets = [0, 3199], sizes = [1, 1], strides = [1, 1]} : vector<1x3200xi32> to vector<1x1xi32>
    %squeeze3A = vector.extract %slice3A_196[0, 0] : i32 from vector<1x1xi32>
    %swap3A_197 = arith.constant 0 : index
    %swap3A_198 = memref.load %arg20[%swap3A_197] : memref<2xi32, #tpu.memory_space<smem>>
    memref.store %squeeze3A, %arg20[%swap3A_197] : memref<2xi32, #tpu.memory_space<smem>>
    %get3A_199 = arith.constant 0 : index
    %get3A_200 = arith.constant 0 : index
    %get3A_201 = vector.load %arg3[%get3A_199, %get3A_200] : memref<32x3200xf32, #tpu.memory_space<vmem>>, vector<32x3200xf32>
    %max3A_202 = arith.maximumf %select_n3A_192, %get3A_201 : vector<32x3200xf32>
    %swap3A_203 = arith.constant 0 : index
    %swap3A_204 = arith.constant 0 : index
    %swap3A_205 = vector.load %arg16[%swap3A_203, %swap3A_204] : memref<32x3200xf32, #tpu.memory_space<vmem>>, vector<32x3200xf32>
    tpu.vector_store %arg16[%swap3A_203, %swap3A_204], %max3A_202 {strides = array<i32>} : memref<32x3200xf32, #tpu.memory_space<vmem>>, vector<32x3200xf32>,
    %get3A_206 = arith.constant 0 : index
    %get3A_207 = arith.constant 0 : index
    %get3A_208 = vector.load %arg4[%get3A_206, %get3A_207] : memref<4x3200xf32, #tpu.memory_space<vmem>>, vector<4x3200xf32>
    %get3A_209 = arith.constant 0 : index
    %get3A_210 = arith.constant 0 : index
    %get3A_211 = vector.load %arg5[%get3A_209, %get3A_210] : memref<3x3200xf32, #tpu.memory_space<vmem>>, vector<3x3200xf32>
    %get3A_212 = arith.constant 0 : index
    %get3A_213 = arith.constant 0 : index
    %get3A_214 = vector.load %arg6[%get3A_212, %get3A_213] : memref<32x4xf32, #tpu.memory_space<vmem>>, vector<32x4xf32>
    %get3A_215 = arith.constant 0 : index
    %get3A_216 = arith.constant 0 : index
    %get3A_217 = vector.load %arg7[%get3A_215, %get3A_216] : memref<32x32xf32, #tpu.memory_space<vmem>>, vector<32x32xf32>
    %get3A_218 = arith.constant 0 : index
    %get3A_219 = arith.constant 0 : index
    %get3A_220 = vector.load %arg8[%get3A_218, %get3A_219] : memref<32x32xf32, #tpu.memory_space<vmem>>, vector<32x32xf32>
    %get3A_221 = arith.constant 0 : index
    %get3A_222 = arith.constant 0 : index
    %get3A_223 = vector.load %arg9[%get3A_221, %get3A_222] : memref<32x1xf32, #tpu.memory_space<vmem>>, vector<32x1xf32>
    %get3A_224 = arith.constant 0 : index
    %get3A_225 = arith.constant 0 : index
    %get3A_226 = vector.load %arg10[%get3A_224, %get3A_225] : memref<32x1xf32, #tpu.memory_space<vmem>>, vector<32x1xf32>
    %get3A_227 = arith.constant 0 : index
    %get3A_228 = arith.constant 0 : index
    %get3A_229 = vector.load %arg11[%get3A_227, %get3A_228] : memref<32x1xf32, #tpu.memory_space<vmem>>, vector<32x1xf32>
    %get3A_230 = arith.constant 0 : index
    %get3A_231 = arith.constant 0 : index
    %get3A_232 = vector.load %arg12[%get3A_230, %get3A_231] : memref<16x3xf32, #tpu.memory_space<vmem>>, vector<16x3xf32>
    %get3A_233 = arith.constant 0 : index
    %get3A_234 = arith.constant 0 : index
    %get3A_235 = vector.load %arg13[%get3A_233, %get3A_234] : memref<16x1xf32, #tpu.memory_space<vmem>>, vector<16x1xf32>
    %get3A_236 = arith.constant 0 : index
    %get3A_237 = arith.constant 0 : index
    %get3A_238 = vector.load %arg14[%get3A_236, %get3A_237] : memref<32x16xf32, #tpu.memory_space<vmem>>, vector<32x16xf32>
    %get3A_239 = arith.constant 0 : index
    %get3A_240 = arith.constant 0 : index
    %get3A_241 = vector.load %arg15[%get3A_239, %get3A_240] : memref<32x1xf32, #tpu.memory_space<vmem>>, vector<32x1xf32>
    %dot_general3A = arith.constant dense<0.000000e+00> : vector<32x3200xf32>
    %dot_general3A_242 = tpu.matmul %get3A_214, %get3A_208, %dot_general3A {dimension_numbers = #tpu.dot_dimension_numbers<[1], [0], [0], [1], [0, 0, 1, 1], [], []>, transpose_lhs_hint = false} : vector<32x4xf32>, vector<4x3200xf32>, vector<32x3200xf32> -> vector<32x3200xf32>
    %dot_general3A_243 = arith.constant dense<0.000000e+00> : vector<32x3200xf32>
    %dot_general3A_244 = tpu.matmul %get3A_217, %get3A_6, %dot_general3A_243 {dimension_numbers = #tpu.dot_dimension_numbers<[1], [0], [0], [1], [0, 0, 1, 1], [], []>, transpose_lhs_hint = false} : vector<32x32xf32>, vector<32x3200xf32>, vector<32x3200xf32> -> vector<32x3200xf32>
    %add3A = arith.addf %dot_general3A_242, %dot_general3A_244 : vector<32x3200xf32>
    %dot_general3A_245 = arith.constant dense<0.000000e+00> : vector<32x3200xf32>
    %dot_general3A_246 = tpu.matmul %get3A_220, %max3A_202, %dot_general3A_245 {dimension_numbers = #tpu.dot_dimension_numbers<[1], [0], [0], [1], [0, 0, 1, 1], [], []>, transpose_lhs_hint = false} : vector<32x32xf32>, vector<32x3200xf32>, vector<32x3200xf32> -> vector<32x3200xf32>
    %add3A_247 = arith.addf %add3A, %dot_general3A_246 : vector<32x3200xf32>
    %add3A_248 = vector.broadcast %get3A_223 : vector<32x1xf32> to vector<32x3200xf32>
    %add3A_249 = arith.addf %add3A_247, %add3A_248 : vector<32x3200xf32>
    %reduce_sum3A = arith.constant dense<0.000000e+00> : vector<3200xf32>
    %reduce_sum3A_250 = vector.multi_reduction <add>, %add3A_249, %reduce_sum3A [0] : vector<32x3200xf32> to vector<3200xf32>
    %broadcast_in_dim3A_251 = vector.shape_cast %reduce_sum3A_250 : vector<3200xf32> to vector<1x3200xf32>
    %div3A = arith.constant 3.200000e+01 : f32
    %div3A_252 = vector.broadcast %div3A : f32 to vector<1x3200xf32>
    %div3A_253 = arith.divf %broadcast_in_dim3A_251, %div3A_252 : vector<1x3200xf32>
    %sub3A = vector.broadcast %div3A_253 : vector<1x3200xf32> to vector<32x3200xf32>
    %sub3A_254 = arith.subf %add3A_249, %sub3A : vector<32x3200xf32>
    %integer_pow3A = arith.mulf %sub3A_254, %sub3A_254 : vector<32x3200xf32>
    %reduce_sum3A_255 = arith.constant dense<0.000000e+00> : vector<3200xf32>
    %reduce_sum3A_256 = vector.multi_reduction <add>, %integer_pow3A, %reduce_sum3A_255 [0] : vector<32x3200xf32> to vector<3200xf32>
    %broadcast_in_dim3A_257 = vector.shape_cast %reduce_sum3A_256 : vector<3200xf32> to vector<1x3200xf32>
    %div3A_258 = arith.constant 3.200000e+01 : f32
    %div3A_259 = vector.broadcast %div3A_258 : f32 to vector<1x3200xf32>
    %div3A_260 = arith.divf %broadcast_in_dim3A_257, %div3A_259 : vector<1x3200xf32>
    %sub3A_261 = vector.broadcast %div3A_253 : vector<1x3200xf32> to vector<32x3200xf32>
    %sub3A_262 = arith.subf %add3A_249, %sub3A_261 : vector<32x3200xf32>
    %add3A_263 = arith.constant 1.000000e-03 : f32
    %add3A_264 = vector.broadcast %add3A_263 : f32 to vector<1x3200xf32>
    %add3A_265 = arith.addf %div3A_260, %add3A_264 : vector<1x3200xf32>
    %sqrt3A = math.sqrt %add3A_265 : vector<1x3200xf32>
    %div3A_266 = vector.broadcast %sqrt3A : vector<1x3200xf32> to vector<32x3200xf32>
    %div3A_267 = arith.divf %sub3A_262, %div3A_266 : vector<32x3200xf32>
    %mul3A = vector.broadcast %get3A_226 : vector<32x1xf32> to vector<32x3200xf32>
    %mul3A_268 = arith.mulf %div3A_267, %mul3A : vector<32x3200xf32>
    %add3A_269 = vector.broadcast %get3A_229 : vector<32x1xf32> to vector<32x3200xf32>
    %add3A_270 = arith.addf %mul3A_268, %add3A_269 : vector<32x3200xf32>
    %max3A_271 = arith.constant 0.000000e+00 : f32
    %max3A_272 = vector.broadcast %max3A_271 : f32 to vector<32x3200xf32>
    %max3A_273 = arith.maximumf %add3A_270, %max3A_272 : vector<32x3200xf32>
    %div3A_274 = arith.constant 1.000000e+01 : f32
    %div3A_275 = vector.broadcast %div3A_274 : f32 to vector<3x3200xf32>
    %div3A_276 = arith.divf %get3A_211, %div3A_275 : vector<3x3200xf32>
    %dot_general3A_277 = arith.constant dense<0.000000e+00> : vector<16x3200xf32>
    %dot_general3A_278 = tpu.matmul %get3A_232, %div3A_276, %dot_general3A_277 {dimension_numbers = #tpu.dot_dimension_numbers<[1], [0], [0], [1], [0, 0, 1, 1], [], []>, transpose_lhs_hint = false} : vector<16x3xf32>, vector<3x3200xf32>, vector<16x3200xf32> -> vector<16x3200xf32>
    %add3A_279 = vector.broadcast %get3A_235 : vector<16x1xf32> to vector<16x3200xf32>
    %add3A_280 = arith.addf %dot_general3A_278, %add3A_279 : vector<16x3200xf32>
    %max3A_281 = arith.constant 0.000000e+00 : f32
    %max3A_282 = vector.broadcast %max3A_281 : f32 to vector<16x3200xf32>
    %max3A_283 = arith.maximumf %add3A_280, %max3A_282 : vector<16x3200xf32>
    %dot_general3A_284 = arith.constant dense<0.000000e+00> : vector<32x3200xf32>
    %dot_general3A_285 = tpu.matmul %get3A_238, %max3A_283, %dot_general3A_284 {dimension_numbers = #tpu.dot_dimension_numbers<[1], [0], [0], [1], [0, 0, 1, 1], [], []>, transpose_lhs_hint = false} : vector<32x16xf32>, vector<16x3200xf32>, vector<32x3200xf32> -> vector<32x3200xf32>
    %add3A_286 = vector.broadcast %get3A_241 : vector<32x1xf32> to vector<32x3200xf32>
    %add3A_287 = arith.addf %dot_general3A_285, %add3A_286 : vector<32x3200xf32>
    %add3A_288 = arith.addf %max3A_273, %add3A_287 : vector<32x3200xf32>
    %swap3A_289 = arith.constant 0 : index
    %swap3A_290 = arith.constant 0 : index
    %swap3A_291 = vector.load %arg17[%swap3A_289, %swap3A_290] : memref<32x3200xf32, #tpu.memory_space<vmem>>, vector<32x3200xf32>
    tpu.vector_store %arg17[%swap3A_289, %swap3A_290], %add3A_288 {strides = array<i32>} : memref<32x3200xf32, #tpu.memory_space<vmem>>, vector<32x3200xf32>,
    %broadcast_in_dim3A_292 = arith.constant -3.40282347E+38 : f32
    %broadcast_in_dim3A_293 = vector.broadcast %broadcast_in_dim3A_292 : f32 to vector<32x1xf32>
    %slice3A_294 = vector.extract_strided_slice %add3A_288 {offsets = [0, 0], sizes = [32, 3199], strides = [1, 1]} : vector<32x3200xf32> to vector<32x3199xf32>
    %concatenate3A_295 = tpu.concatenate %broadcast_in_dim3A_293, %slice3A_294 in 1 : vector<32x1xf32>, vector<32x3199xf32> -> vector<32x3200xf32>
    %broadcast_in_dim3A_296 = arith.constant -1 : i32
    %broadcast_in_dim3A_297 = vector.broadcast %broadcast_in_dim3A_296 : i32 to vector<1x1xi32>
    %slice3A_298 = vector.extract_strided_slice %get3A_3 {offsets = [0, 0], sizes = [1, 3199], strides = [1, 1]} : vector<1x3200xi32> to vector<1x3199xi32>
    %concatenate3A_299 = tpu.concatenate %broadcast_in_dim3A_297, %slice3A_298 in 1 : vector<1x1xi32>, vector<1x3199xi32> -> vector<1x3200xi32>
    %eq3A_300 = arith.cmpi eq, %concatenate3A_299, %get3A_3 : vector<1x3200xi32>
    %jit3A_301 = arith.constant -3.40282347E+38 : f32
    %broadcast_in_dim3A_302 = vector.shape_cast %eq3A_300 : vector<1x3200xi1> to vector<1x3200xi1>
    %broadcast_in_dim3A_303 = vector.broadcast %broadcast_in_dim3A_302 : vector<1x3200xi1> to vector<32x3200xi1>
    %broadcast_in_dim3A_304 = vector.broadcast %jit3A_301 : f32 to vector<32x3200xf32>
    %select_n3A_305 = arith.select %broadcast_in_dim3A_303, %concatenate3A_295, %broadcast_in_dim3A_304 : vector<32x3200xi1>, vector<32x3200xf32>
    %max3A_306 = arith.maximumf %add3A_288, %select_n3A_305 : vector<32x3200xf32>
    %broadcast_in_dim3A_307 = arith.constant -3.40282347E+38 : f32
    %broadcast_in_dim3A_308 = vector.broadcast %broadcast_in_dim3A_307 : f32 to vector<32x2xf32>
    %slice3A_309 = vector.extract_strided_slice %max3A_306 {offsets = [0, 0], sizes = [32, 3198], strides = [1, 1]} : vector<32x3200xf32> to vector<32x3198xf32>
    %concatenate3A_310 = tpu.concatenate %broadcast_in_dim3A_308, %slice3A_309 in 1 : vector<32x2xf32>, vector<32x3198xf32> -> vector<32x3200xf32>
    %broadcast_in_dim3A_311 = arith.constant -1 : i32
    %broadcast_in_dim3A_312 = vector.broadcast %broadcast_in_dim3A_311 : i32 to vector<1x2xi32>
    %slice3A_313 = vector.extract_strided_slice %get3A_3 {offsets = [0, 0], sizes = [1, 3198], strides = [1, 1]} : vector<1x3200xi32> to vector<1x3198xi32>
    %concatenate3A_314 = tpu.concatenate %broadcast_in_dim3A_312, %slice3A_313 in 1 : vector<1x2xi32>, vector<1x3198xi32> -> vector<1x3200xi32>
    %eq3A_315 = arith.cmpi eq, %concatenate3A_314, %get3A_3 : vector<1x3200xi32>
    %jit3A_316 = arith.constant -3.40282347E+38 : f32
    %broadcast_in_dim3A_317 = vector.shape_cast %eq3A_315 : vector<1x3200xi1> to vector<1x3200xi1>
    %broadcast_in_dim3A_318 = vector.broadcast %broadcast_in_dim3A_317 : vector<1x3200xi1> to vector<32x3200xi1>
    %broadcast_in_dim3A_319 = vector.broadcast %jit3A_316 : f32 to vector<32x3200xf32>
    %select_n3A_320 = arith.select %broadcast_in_dim3A_318, %concatenate3A_310, %broadcast_in_dim3A_319 : vector<32x3200xi1>, vector<32x3200xf32>
    %max3A_321 = arith.maximumf %max3A_306, %select_n3A_320 : vector<32x3200xf32>
    %broadcast_in_dim3A_322 = arith.constant -3.40282347E+38 : f32
    %broadcast_in_dim3A_323 = vector.broadcast %broadcast_in_dim3A_322 : f32 to vector<32x4xf32>
    %slice3A_324 = vector.extract_strided_slice %max3A_321 {offsets = [0, 0], sizes = [32, 3196], strides = [1, 1]} : vector<32x3200xf32> to vector<32x3196xf32>
    %concatenate3A_325 = tpu.concatenate %broadcast_in_dim3A_323, %slice3A_324 in 1 : vector<32x4xf32>, vector<32x3196xf32> -> vector<32x3200xf32>
    %broadcast_in_dim3A_326 = arith.constant -1 : i32
    %broadcast_in_dim3A_327 = vector.broadcast %broadcast_in_dim3A_326 : i32 to vector<1x4xi32>
    %slice3A_328 = vector.extract_strided_slice %get3A_3 {offsets = [0, 0], sizes = [1, 3196], strides = [1, 1]} : vector<1x3200xi32> to vector<1x3196xi32>
    %concatenate3A_329 = tpu.concatenate %broadcast_in_dim3A_327, %slice3A_328 in 1 : vector<1x4xi32>, vector<1x3196xi32> -> vector<1x3200xi32>
    %eq3A_330 = arith.cmpi eq, %concatenate3A_329, %get3A_3 : vector<1x3200xi32>
    %jit3A_331 = arith.constant -3.40282347E+38 : f32
    %broadcast_in_dim3A_332 = vector.shape_cast %eq3A_330 : vector<1x3200xi1> to vector<1x3200xi1>
    %broadcast_in_dim3A_333 = vector.broadcast %broadcast_in_dim3A_332 : vector<1x3200xi1> to vector<32x3200xi1>
    %broadcast_in_dim3A_334 = vector.broadcast %jit3A_331 : f32 to vector<32x3200xf32>
    %select_n3A_335 = arith.select %broadcast_in_dim3A_333, %concatenate3A_325, %broadcast_in_dim3A_334 : vector<32x3200xi1>, vector<32x3200xf32>
    %max3A_336 = arith.maximumf %max3A_321, %select_n3A_335 : vector<32x3200xf32>
    %broadcast_in_dim3A_337 = arith.constant -3.40282347E+38 : f32
    %broadcast_in_dim3A_338 = vector.broadcast %broadcast_in_dim3A_337 : f32 to vector<32x8xf32>
    %slice3A_339 = vector.extract_strided_slice %max3A_336 {offsets = [0, 0], sizes = [32, 3192], strides = [1, 1]} : vector<32x3200xf32> to vector<32x3192xf32>
    %concatenate3A_340 = tpu.concatenate %broadcast_in_dim3A_338, %slice3A_339 in 1 : vector<32x8xf32>, vector<32x3192xf32> -> vector<32x3200xf32>
    %broadcast_in_dim3A_341 = arith.constant -1 : i32
    %broadcast_in_dim3A_342 = vector.broadcast %broadcast_in_dim3A_341 : i32 to vector<1x8xi32>
    %slice3A_343 = vector.extract_strided_slice %get3A_3 {offsets = [0, 0], sizes = [1, 3192], strides = [1, 1]} : vector<1x3200xi32> to vector<1x3192xi32>
    %concatenate3A_344 = tpu.concatenate %broadcast_in_dim3A_342, %slice3A_343 in 1 : vector<1x8xi32>, vector<1x3192xi32> -> vector<1x3200xi32>
    %eq3A_345 = arith.cmpi eq, %concatenate3A_344, %get3A_3 : vector<1x3200xi32>
    %jit3A_346 = arith.constant -3.40282347E+38 : f32
    %broadcast_in_dim3A_347 = vector.shape_cast %eq3A_345 : vector<1x3200xi1> to vector<1x3200xi1>
    %broadcast_in_dim3A_348 = vector.broadcast %broadcast_in_dim3A_347 : vector<1x3200xi1> to vector<32x3200xi1>
    %broadcast_in_dim3A_349 = vector.broadcast %jit3A_346 : f32 to vector<32x3200xf32>
    %select_n3A_350 = arith.select %broadcast_in_dim3A_348, %concatenate3A_340, %broadcast_in_dim3A_349 : vector<32x3200xi1>, vector<32x3200xf32>
    %max3A_351 = arith.maximumf %max3A_336, %select_n3A_350 : vector<32x3200xf32>
    %broadcast_in_dim3A_352 = arith.constant -3.40282347E+38 : f32
    %broadcast_in_dim3A_353 = vector.broadcast %broadcast_in_dim3A_352 : f32 to vector<32x16xf32>
    %slice3A_354 = vector.extract_strided_slice %max3A_351 {offsets = [0, 0], sizes = [32, 3184], strides = [1, 1]} : vector<32x3200xf32> to vector<32x3184xf32>
    %concatenate3A_355 = tpu.concatenate %broadcast_in_dim3A_353, %slice3A_354 in 1 : vector<32x16xf32>, vector<32x3184xf32> -> vector<32x3200xf32>
    %broadcast_in_dim3A_356 = arith.constant -1 : i32
    %broadcast_in_dim3A_357 = vector.broadcast %broadcast_in_dim3A_356 : i32 to vector<1x16xi32>
    %slice3A_358 = vector.extract_strided_slice %get3A_3 {offsets = [0, 0], sizes = [1, 3184], strides = [1, 1]} : vector<1x3200xi32> to vector<1x3184xi32>
    %concatenate3A_359 = tpu.concatenate %broadcast_in_dim3A_357, %slice3A_358 in 1 : vector<1x16xi32>, vector<1x3184xi32> -> vector<1x3200xi32>
    %eq3A_360 = arith.cmpi eq, %concatenate3A_359, %get3A_3 : vector<1x3200xi32>
    %jit3A_361 = arith.constant -3.40282347E+38 : f32
    %broadcast_in_dim3A_362 = vector.shape_cast %eq3A_360 : vector<1x3200xi1> to vector<1x3200xi1>
    %broadcast_in_dim3A_363 = vector.broadcast %broadcast_in_dim3A_362 : vector<1x3200xi1> to vector<32x3200xi1>
    %broadcast_in_dim3A_364 = vector.broadcast %jit3A_361 : f32 to vector<32x3200xf32>
    %select_n3A_365 = arith.select %broadcast_in_dim3A_363, %concatenate3A_355, %broadcast_in_dim3A_364 : vector<32x3200xi1>, vector<32x3200xf32>
    %max3A_366 = arith.maximumf %max3A_351, %select_n3A_365 : vector<32x3200xf32>
    %broadcast_in_dim3A_367 = arith.constant -3.40282347E+38 : f32
    %broadcast_in_dim3A_368 = vector.broadcast %broadcast_in_dim3A_367 : f32 to vector<32x32xf32>
    %slice3A_369 = vector.extract_strided_slice %max3A_366 {offsets = [0, 0], sizes = [32, 3168], strides = [1, 1]} : vector<32x3200xf32> to vector<32x3168xf32>
    %concatenate3A_370 = tpu.concatenate %broadcast_in_dim3A_368, %slice3A_369 in 1 : vector<32x32xf32>, vector<32x3168xf32> -> vector<32x3200xf32>
    %broadcast_in_dim3A_371 = arith.constant -1 : i32
    %broadcast_in_dim3A_372 = vector.broadcast %broadcast_in_dim3A_371 : i32 to vector<1x32xi32>
    %slice3A_373 = vector.extract_strided_slice %get3A_3 {offsets = [0, 0], sizes = [1, 3168], strides = [1, 1]} : vector<1x3200xi32> to vector<1x3168xi32>
    %concatenate3A_374 = tpu.concatenate %broadcast_in_dim3A_372, %slice3A_373 in 1 : vector<1x32xi32>, vector<1x3168xi32> -> vector<1x3200xi32>
    %eq3A_375 = arith.cmpi eq, %concatenate3A_374, %get3A_3 : vector<1x3200xi32>
    %jit3A_376 = arith.constant -3.40282347E+38 : f32
    %broadcast_in_dim3A_377 = vector.shape_cast %eq3A_375 : vector<1x3200xi1> to vector<1x3200xi1>
    %broadcast_in_dim3A_378 = vector.broadcast %broadcast_in_dim3A_377 : vector<1x3200xi1> to vector<32x3200xi1>
    %broadcast_in_dim3A_379 = vector.broadcast %jit3A_376 : f32 to vector<32x3200xf32>
    %select_n3A_380 = arith.select %broadcast_in_dim3A_378, %concatenate3A_370, %broadcast_in_dim3A_379 : vector<32x3200xi1>, vector<32x3200xf32>
    %max3A_381 = arith.maximumf %max3A_366, %select_n3A_380 : vector<32x3200xf32>
    %broadcast_in_dim3A_382 = arith.constant -3.40282347E+38 : f32
    %broadcast_in_dim3A_383 = vector.broadcast %broadcast_in_dim3A_382 : f32 to vector<32x64xf32>
    %slice3A_384 = vector.extract_strided_slice %max3A_381 {offsets = [0, 0], sizes = [32, 3136], strides = [1, 1]} : vector<32x3200xf32> to vector<32x3136xf32>
    %concatenate3A_385 = tpu.concatenate %broadcast_in_dim3A_383, %slice3A_384 in 1 : vector<32x64xf32>, vector<32x3136xf32> -> vector<32x3200xf32>
    %broadcast_in_dim3A_386 = arith.constant -1 : i32
    %broadcast_in_dim3A_387 = vector.broadcast %broadcast_in_dim3A_386 : i32 to vector<1x64xi32>
    %slice3A_388 = vector.extract_strided_slice %get3A_3 {offsets = [0, 0], sizes = [1, 3136], strides = [1, 1]} : vector<1x3200xi32> to vector<1x3136xi32>
    %concatenate3A_389 = tpu.concatenate %broadcast_in_dim3A_387, %slice3A_388 in 1 : vector<1x64xi32>, vector<1x3136xi32> -> vector<1x3200xi32>
    %eq3A_390 = arith.cmpi eq, %concatenate3A_389, %get3A_3 : vector<1x3200xi32>
    %jit3A_391 = arith.constant -3.40282347E+38 : f32
    %broadcast_in_dim3A_392 = vector.shape_cast %eq3A_390 : vector<1x3200xi1> to vector<1x3200xi1>
    %broadcast_in_dim3A_393 = vector.broadcast %broadcast_in_dim3A_392 : vector<1x3200xi1> to vector<32x3200xi1>
    %broadcast_in_dim3A_394 = vector.broadcast %jit3A_391 : f32 to vector<32x3200xf32>
    %select_n3A_395 = arith.select %broadcast_in_dim3A_393, %concatenate3A_385, %broadcast_in_dim3A_394 : vector<32x3200xi1>, vector<32x3200xf32>
    %max3A_396 = arith.maximumf %max3A_381, %select_n3A_395 : vector<32x3200xf32>
    %broadcast_in_dim3A_397 = arith.constant -3.40282347E+38 : f32
    %broadcast_in_dim3A_398 = vector.broadcast %broadcast_in_dim3A_397 : f32 to vector<32x128xf32>
    %slice3A_399 = vector.extract_strided_slice %max3A_396 {offsets = [0, 0], sizes = [32, 3072], strides = [1, 1]} : vector<32x3200xf32> to vector<32x3072xf32>
    %concatenate3A_400 = tpu.concatenate %broadcast_in_dim3A_398, %slice3A_399 in 1 : vector<32x128xf32>, vector<32x3072xf32> -> vector<32x3200xf32>
    %broadcast_in_dim3A_401 = arith.constant -1 : i32
    %broadcast_in_dim3A_402 = vector.broadcast %broadcast_in_dim3A_401 : i32 to vector<1x128xi32>
    %slice3A_403 = vector.extract_strided_slice %get3A_3 {offsets = [0, 0], sizes = [1, 3072], strides = [1, 1]} : vector<1x3200xi32> to vector<1x3072xi32>
    %concatenate3A_404 = tpu.concatenate %broadcast_in_dim3A_402, %slice3A_403 in 1 : vector<1x128xi32>, vector<1x3072xi32> -> vector<1x3200xi32>
    %eq3A_405 = arith.cmpi eq, %concatenate3A_404, %get3A_3 : vector<1x3200xi32>
    %jit3A_406 = arith.constant -3.40282347E+38 : f32
    %broadcast_in_dim3A_407 = vector.shape_cast %eq3A_405 : vector<1x3200xi1> to vector<1x3200xi1>
    %broadcast_in_dim3A_408 = vector.broadcast %broadcast_in_dim3A_407 : vector<1x3200xi1> to vector<32x3200xi1>
    %broadcast_in_dim3A_409 = vector.broadcast %jit3A_406 : f32 to vector<32x3200xf32>
    %select_n3A_410 = arith.select %broadcast_in_dim3A_408, %concatenate3A_400, %broadcast_in_dim3A_409 : vector<32x3200xi1>, vector<32x3200xf32>
    %max3A_411 = arith.maximumf %max3A_396, %select_n3A_410 : vector<32x3200xf32>
    %broadcast_in_dim3A_412 = arith.constant -3.40282347E+38 : f32
    %broadcast_in_dim3A_413 = vector.broadcast %broadcast_in_dim3A_412 : f32 to vector<32x256xf32>
    %slice3A_414 = vector.extract_strided_slice %max3A_411 {offsets = [0, 0], sizes = [32, 2944], strides = [1, 1]} : vector<32x3200xf32> to vector<32x2944xf32>
    %concatenate3A_415 = tpu.concatenate %broadcast_in_dim3A_413, %slice3A_414 in 1 : vector<32x256xf32>, vector<32x2944xf32> -> vector<32x3200xf32>
    %broadcast_in_dim3A_416 = arith.constant -1 : i32
    %broadcast_in_dim3A_417 = vector.broadcast %broadcast_in_dim3A_416 : i32 to vector<1x256xi32>
    %slice3A_418 = vector.extract_strided_slice %get3A_3 {offsets = [0, 0], sizes = [1, 2944], strides = [1, 1]} : vector<1x3200xi32> to vector<1x2944xi32>
    %concatenate3A_419 = tpu.concatenate %broadcast_in_dim3A_417, %slice3A_418 in 1 : vector<1x256xi32>, vector<1x2944xi32> -> vector<1x3200xi32>
    %eq3A_420 = arith.cmpi eq, %concatenate3A_419, %get3A_3 : vector<1x3200xi32>
    %jit3A_421 = arith.constant -3.40282347E+38 : f32
    %broadcast_in_dim3A_422 = vector.shape_cast %eq3A_420 : vector<1x3200xi1> to vector<1x3200xi1>
    %broadcast_in_dim3A_423 = vector.broadcast %broadcast_in_dim3A_422 : vector<1x3200xi1> to vector<32x3200xi1>
    %broadcast_in_dim3A_424 = vector.broadcast %jit3A_421 : f32 to vector<32x3200xf32>
    %select_n3A_425 = arith.select %broadcast_in_dim3A_423, %concatenate3A_415, %broadcast_in_dim3A_424 : vector<32x3200xi1>, vector<32x3200xf32>
    %max3A_426 = arith.maximumf %max3A_411, %select_n3A_425 : vector<32x3200xf32>
    %broadcast_in_dim3A_427 = arith.constant -3.40282347E+38 : f32
    %broadcast_in_dim3A_428 = vector.broadcast %broadcast_in_dim3A_427 : f32 to vector<32x512xf32>
    %slice3A_429 = vector.extract_strided_slice %max3A_426 {offsets = [0, 0], sizes = [32, 2688], strides = [1, 1]} : vector<32x3200xf32> to vector<32x2688xf32>
    %concatenate3A_430 = tpu.concatenate %broadcast_in_dim3A_428, %slice3A_429 in 1 : vector<32x512xf32>, vector<32x2688xf32> -> vector<32x3200xf32>
    %broadcast_in_dim3A_431 = arith.constant -1 : i32
    %broadcast_in_dim3A_432 = vector.broadcast %broadcast_in_dim3A_431 : i32 to vector<1x512xi32>
    %slice3A_433 = vector.extract_strided_slice %get3A_3 {offsets = [0, 0], sizes = [1, 2688], strides = [1, 1]} : vector<1x3200xi32> to vector<1x2688xi32>
    %concatenate3A_434 = tpu.concatenate %broadcast_in_dim3A_432, %slice3A_433 in 1 : vector<1x512xi32>, vector<1x2688xi32> -> vector<1x3200xi32>
    %eq3A_435 = arith.cmpi eq, %concatenate3A_434, %get3A_3 : vector<1x3200xi32>
    %jit3A_436 = arith.constant -3.40282347E+38 : f32
    %broadcast_in_dim3A_437 = vector.shape_cast %eq3A_435 : vector<1x3200xi1> to vector<1x3200xi1>
    %broadcast_in_dim3A_438 = vector.broadcast %broadcast_in_dim3A_437 : vector<1x3200xi1> to vector<32x3200xi1>
    %broadcast_in_dim3A_439 = vector.broadcast %jit3A_436 : f32 to vector<32x3200xf32>
    %select_n3A_440 = arith.select %broadcast_in_dim3A_438, %concatenate3A_430, %broadcast_in_dim3A_439 : vector<32x3200xi1>, vector<32x3200xf32>
    %max3A_441 = arith.maximumf %max3A_426, %select_n3A_440 : vector<32x3200xf32>
    %broadcast_in_dim3A_442 = arith.constant -3.40282347E+38 : f32
    %broadcast_in_dim3A_443 = vector.broadcast %broadcast_in_dim3A_442 : f32 to vector<32x1024xf32>
    %slice3A_444 = vector.extract_strided_slice %max3A_441 {offsets = [0, 0], sizes = [32, 2176], strides = [1, 1]} : vector<32x3200xf32> to vector<32x2176xf32>
    %concatenate3A_445 = tpu.concatenate %broadcast_in_dim3A_443, %slice3A_444 in 1 : vector<32x1024xf32>, vector<32x2176xf32> -> vector<32x3200xf32>
    %broadcast_in_dim3A_446 = arith.constant -1 : i32
    %broadcast_in_dim3A_447 = vector.broadcast %broadcast_in_dim3A_446 : i32 to vector<1x1024xi32>
    %slice3A_448 = vector.extract_strided_slice %get3A_3 {offsets = [0, 0], sizes = [1, 2176], strides = [1, 1]} : vector<1x3200xi32> to vector<1x2176xi32>
    %concatenate3A_449 = tpu.concatenate %broadcast_in_dim3A_447, %slice3A_448 in 1 : vector<1x1024xi32>, vector<1x2176xi32> -> vector<1x3200xi32>
    %eq3A_450 = arith.cmpi eq, %concatenate3A_449, %get3A_3 : vector<1x3200xi32>
    %jit3A_451 = arith.constant -3.40282347E+38 : f32
    %broadcast_in_dim3A_452 = vector.shape_cast %eq3A_450 : vector<1x3200xi1> to vector<1x3200xi1>
    %broadcast_in_dim3A_453 = vector.broadcast %broadcast_in_dim3A_452 : vector<1x3200xi1> to vector<32x3200xi1>
    %broadcast_in_dim3A_454 = vector.broadcast %jit3A_451 : f32 to vector<32x3200xf32>
    %select_n3A_455 = arith.select %broadcast_in_dim3A_453, %concatenate3A_445, %broadcast_in_dim3A_454 : vector<32x3200xi1>, vector<32x3200xf32>
    %max3A_456 = arith.maximumf %max3A_441, %select_n3A_455 : vector<32x3200xf32>
    %broadcast_in_dim3A_457 = arith.constant -3.40282347E+38 : f32
    %broadcast_in_dim3A_458 = vector.broadcast %broadcast_in_dim3A_457 : f32 to vector<32x2048xf32>
    %slice3A_459 = vector.extract_strided_slice %max3A_456 {offsets = [0, 0], sizes = [32, 1152], strides = [1, 1]} : vector<32x3200xf32> to vector<32x1152xf32>
    %concatenate3A_460 = tpu.concatenate %broadcast_in_dim3A_458, %slice3A_459 in 1 : vector<32x2048xf32>, vector<32x1152xf32> -> vector<32x3200xf32>
    %broadcast_in_dim3A_461 = arith.constant -1 : i32
    %broadcast_in_dim3A_462 = vector.broadcast %broadcast_in_dim3A_461 : i32 to vector<1x2048xi32>
    %slice3A_463 = vector.extract_strided_slice %get3A_3 {offsets = [0, 0], sizes = [1, 1152], strides = [1, 1]} : vector<1x3200xi32> to vector<1x1152xi32>
    %concatenate3A_464 = tpu.concatenate %broadcast_in_dim3A_462, %slice3A_463 in 1 : vector<1x2048xi32>, vector<1x1152xi32> -> vector<1x3200xi32>
    %eq3A_465 = arith.cmpi eq, %concatenate3A_464, %get3A_3 : vector<1x3200xi32>
    %jit3A_466 = arith.constant -3.40282347E+38 : f32
    %broadcast_in_dim3A_467 = vector.shape_cast %eq3A_465 : vector<1x3200xi1> to vector<1x3200xi1>
    %broadcast_in_dim3A_468 = vector.broadcast %broadcast_in_dim3A_467 : vector<1x3200xi1> to vector<32x3200xi1>
    %broadcast_in_dim3A_469 = vector.broadcast %jit3A_466 : f32 to vector<32x3200xf32>
    %select_n3A_470 = arith.select %broadcast_in_dim3A_468, %concatenate3A_460, %broadcast_in_dim3A_469 : vector<32x3200xi1>, vector<32x3200xf32>
    %max3A_471 = arith.maximumf %max3A_456, %select_n3A_470 : vector<32x3200xf32>
    %get3A_472 = arith.constant 1 : index
    %get3A_473 = memref.load %arg20[%get3A_472] : memref<2xi32, #tpu.memory_space<smem>>
    %eq3A_474 = vector.broadcast %get3A_473 : i32 to vector<1x3200xi32>
    %eq3A_475 = arith.cmpi eq, %get3A_3, %eq3A_474 : vector<1x3200xi32>
    %get3A_476 = arith.constant 0 : index
    %get3A_477 = arith.constant 1 : index
    %get3A_478 = vector.load %arg19[%get3A_476, %get3A_477] : memref<32x2xf32, #tpu.memory_space<vmem>>, vector<32x1xf32>
    %max3A_479 = vector.broadcast %get3A_478 : vector<32x1xf32> to vector<32x3200xf32>
    %max3A_480 = arith.maximumf %max3A_471, %max3A_479 : vector<32x3200xf32>
    %broadcast_in_dim3A_481 = vector.shape_cast %eq3A_475 : vector<1x3200xi1> to vector<1x3200xi1>
    %broadcast_in_dim3A_482 = vector.broadcast %broadcast_in_dim3A_481 : vector<1x3200xi1> to vector<32x3200xi1>
    %select_n3A_483 = arith.select %broadcast_in_dim3A_482, %max3A_480, %max3A_471 : vector<32x3200xi1>, vector<32x3200xf32>
    %swap3A_484 = arith.constant 0 : index
    %swap3A_485 = arith.constant 0 : index
    %swap3A_486 = vector.load %arg18[%swap3A_484, %swap3A_485] : memref<32x3200xf32, #tpu.memory_space<vmem>>, vector<32x3200xf32>
    tpu.vector_store %arg18[%swap3A_484, %swap3A_485], %select_n3A_483 {strides = array<i32>} : memref<32x3200xf32, #tpu.memory_space<vmem>>, vector<32x3200xf32>,
    %slice3A_487 = vector.extract_strided_slice %select_n3A_483 {offsets = [0, 3199], sizes = [32, 1], strides = [1, 1]} : vector<32x3200xf32> to vector<32x1xf32>
    %swap3A_488 = arith.constant 0 : index
    %swap3A_489 = arith.constant 1 : index
    %swap3A_490 = vector.load %arg19[%swap3A_488, %swap3A_489] : memref<32x2xf32, #tpu.memory_space<vmem>>, vector<32x1xf32>
    tpu.vector_store %arg19[%swap3A_488, %swap3A_489], %slice3A_487 {strides = array<i32>} : memref<32x2xf32, #tpu.memory_space<vmem>>, vector<32x1xf32>,
    %slice3A_491 = vector.extract_strided_slice %get3A_3 {offsets = [0, 3199], sizes = [1, 1], strides = [1, 1]} : vector<1x3200xi32> to vector<1x1xi32>
    %squeeze3A_492 = vector.extract %slice3A_491[0, 0] : i32 from vector<1x1xi32>
    %swap3A_493 = arith.constant 1 : index
    %swap3A_494 = memref.load %arg20[%swap3A_493] : memref<2xi32, #tpu.memory_space<smem>>
    memref.store %squeeze3A_492, %arg20[%swap3A_493] : memref<2xi32, #tpu.memory_space<smem>>
    return
  }
  func.func @transform_0(%arg0: i32) -> (i32, i32) {
    %c0_i32 = arith.constant 0 : i32
    %c0_i32_0 = arith.constant 0 : i32
    return %c0_i32, %arg0 : i32, i32
  }
  func.func @transform_1(%arg0: i32) -> (i32, i32) {
    %c0_i32 = arith.constant 0 : i32
    %c0_i32_0 = arith.constant 0 : i32
    return %c0_i32, %arg0 : i32, i32
  }
  func.func @transform_2(%arg0: i32) -> (i32, i32) {
    %c0_i32 = arith.constant 0 : i32
    %c0_i32_0 = arith.constant 0 : i32
    return %c0_i32, %arg0 : i32, i32
  }
  func.func @transform_3(%arg0: i32) -> (i32, i32) {
    %c0_i32 = arith.constant 0 : i32
    %c0_i32_0 = arith.constant 0 : i32
    return %c0_i32, %arg0 : i32, i32
  }
  func.func @transform_4(%arg0: i32) -> (i32, i32) {
    %c0_i32 = arith.constant 0 : i32
    %c0_i32_0 = arith.constant 0 : i32
    return %c0_i32, %arg0 : i32, i32
  }
  func.func @transform_5(%arg0: i32) -> (i32, i32) {
    %c0_i32 = arith.constant 0 : i32
    %c0_i32_0 = arith.constant 0 : i32
    %c0_i32_1 = arith.constant 0 : i32
    return %c0_i32, %c0_i32_0 : i32, i32
  }
  func.func @transform_6(%arg0: i32) -> (i32, i32) {
    %c0_i32 = arith.constant 0 : i32
    %c0_i32_0 = arith.constant 0 : i32
    %c0_i32_1 = arith.constant 0 : i32
    return %c0_i32, %c0_i32_0 : i32, i32
  }
  func.func @transform_7(%arg0: i32) -> (i32, i32) {
    %c0_i32 = arith.constant 0 : i32
    %c0_i32_0 = arith.constant 0 : i32
    %c0_i32_1 = arith.constant 0 : i32
    return %c0_i32, %c0_i32_0 : i32, i32
  }
  func.func @transform_8(%arg0: i32) -> (i32, i32) {
    %c0_i32 = arith.constant 0 : i32
    %c0_i32_0 = arith.constant 0 : i32
    %c0_i32_1 = arith.constant 0 : i32
    return %c0_i32, %c0_i32_0 : i32, i32
  }
  func.func @transform_9(%arg0: i32) -> (i32, i32) {
    %c0_i32 = arith.constant 0 : i32
    %c0_i32_0 = arith.constant 0 : i32
    %c0_i32_1 = arith.constant 0 : i32
    return %c0_i32, %c0_i32_0 : i32, i32
  }
  func.func @transform_10(%arg0: i32) -> (i32, i32) {
    %c0_i32 = arith.constant 0 : i32
    %c0_i32_0 = arith.constant 0 : i32
    %c0_i32_1 = arith.constant 0 : i32
    return %c0_i32, %c0_i32_0 : i32, i32
  }
  func.func @transform_11(%arg0: i32) -> (i32, i32) {
    %c0_i32 = arith.constant 0 : i32
    %c0_i32_0 = arith.constant 0 : i32
    %c0_i32_1 = arith.constant 0 : i32
    return %c0_i32, %c0_i32_0 : i32, i32
  }
  func.func @transform_12(%arg0: i32) -> (i32, i32) {
    %c0_i32 = arith.constant 0 : i32
    %c0_i32_0 = arith.constant 0 : i32
    %c0_i32_1 = arith.constant 0 : i32
    return %c0_i32, %c0_i32_0 : i32, i32
  }
  func.func @transform_13(%arg0: i32) -> (i32, i32) {
    %c0_i32 = arith.constant 0 : i32
    %c0_i32_0 = arith.constant 0 : i32
    %c0_i32_1 = arith.constant 0 : i32
    return %c0_i32, %c0_i32_0 : i32, i32
  }
  func.func @transform_14(%arg0: i32) -> (i32, i32) {
    %c0_i32 = arith.constant 0 : i32
    %c0_i32_0 = arith.constant 0 : i32
    %c0_i32_1 = arith.constant 0 : i32
    return %c0_i32, %c0_i32_0 : i32, i32
  }
  func.func @transform_15(%arg0: i32) -> (i32, i32) {
    %c0_i32 = arith.constant 0 : i32
    %c0_i32_0 = arith.constant 0 : i32
    return %c0_i32, %arg0 : i32, i32
  }
  func.func @transform_16(%arg0: i32) -> (i32, i32) {
    %c0_i32 = arith.constant 0 : i32
    %c0_i32_0 = arith.constant 0 : i32
    return %c0_i32, %arg0 : i32, i32
  }
  func.func @transform_17(%arg0: i32) -> (i32, i32) {
    %c0_i32 = arith.constant 0 : i32
    %c0_i32_0 = arith.constant 0 : i32
    return %c0_i32, %arg0 : i32, i32
  }
}

module attributes {stable_mosaic.version = 14 : i64} {
  func.func @_fwd_final_kernel(%arg0: i32, %arg1: memref<1x3200xi32, #tpu.memory_space<vmem>>, %arg2: memref<32x3200xf32, #tpu.memory_space<vmem>>, %arg3: memref<32x3200xf32, #tpu.memory_space<vmem>>, %arg4: memref<32x3200xf32, #tpu.memory_space<vmem>>, %arg5: memref<32x2xf32, #tpu.memory_space<vmem>>, %arg6: memref<2xi32, #tpu.memory_space<smem>>) attributes {dimension_semantics = [#tpu.dimension_semantics<arbitrary>], iteration_bounds = array<i64: 100>, scalar_prefetch = 0 : i64, scratch_operands = 2 : i64, tpu.core_type = #tpu.core_type<tc>, window_params = [{transform_indices = @transform_0, window_bounds = array<i64: 1, 3200>}, {transform_indices = @transform_1, window_bounds = array<i64: 32, 3200>}, {transform_indices = @transform_2, window_bounds = array<i64: 32, 3200>}, {transform_indices = @transform_3, window_bounds = array<i64: 32, 3200>}]} {
    %eq3A = arith.constant 0 : i32
    %eq3A_0 = arith.cmpi eq, %arg0, %eq3A : i32
    %convert_element_type3A = arith.extui %eq3A_0 : i1 to i32
    %cond3A = arith.constant 0 : i32
    %cond3A_1 = arith.cmpi ne, %convert_element_type3A, %cond3A : i32
    scf.if %cond3A_1 {
      %broadcast_in_dim3A_206 = arith.constant -3.40282347E+38 : f32
      %broadcast_in_dim3A_207 = vector.broadcast %broadcast_in_dim3A_206 : f32 to vector<32x2xf32>
      %swap3A_208 = arith.constant 0 : index
      %swap3A_209 = arith.constant 0 : index
      %swap3A_210 = vector.load %arg5[%swap3A_208, %swap3A_209] : memref<32x2xf32, #tpu.memory_space<vmem>>, vector<32x2xf32>
      tpu.vector_store %arg5[%swap3A_208, %swap3A_209], %broadcast_in_dim3A_207 {strides = array<i32>} : memref<32x2xf32, #tpu.memory_space<vmem>>, vector<32x2xf32>,
      %swap3A_211 = arith.constant -1 : i32
      %swap3A_212 = arith.constant 0 : index
      %swap3A_213 = memref.load %arg6[%swap3A_212] : memref<2xi32, #tpu.memory_space<smem>>
      memref.store %swap3A_211, %arg6[%swap3A_212] : memref<2xi32, #tpu.memory_space<smem>>
      %swap3A_214 = arith.constant -1 : i32
      %swap3A_215 = arith.constant 1 : index
      %swap3A_216 = memref.load %arg6[%swap3A_215] : memref<2xi32, #tpu.memory_space<smem>>
      memref.store %swap3A_214, %arg6[%swap3A_215] : memref<2xi32, #tpu.memory_space<smem>>
    } else {
    }
    %get3A = arith.constant 0 : index
    %get3A_2 = arith.constant 0 : index
    %get3A_3 = vector.load %arg1[%get3A, %get3A_2] : memref<1x3200xi32, #tpu.memory_space<vmem>>, vector<1x3200xi32>
    %get3A_4 = arith.constant 0 : index
    %get3A_5 = arith.constant 0 : index
    %get3A_6 = vector.load %arg2[%get3A_4, %get3A_5] : memref<32x3200xf32, #tpu.memory_space<vmem>>, vector<32x3200xf32>
    %broadcast_in_dim3A = arith.constant -3.40282347E+38 : f32
    %broadcast_in_dim3A_7 = vector.broadcast %broadcast_in_dim3A : f32 to vector<32x1xf32>
    %slice3A = vector.extract_strided_slice %get3A_6 {offsets = [0, 0], sizes = [32, 3199], strides = [1, 1]} : vector<32x3200xf32> to vector<32x3199xf32>
    %concatenate3A = tpu.concatenate %broadcast_in_dim3A_7, %slice3A in 1 : vector<32x1xf32>, vector<32x3199xf32> -> vector<32x3200xf32>
    %broadcast_in_dim3A_8 = arith.constant -1 : i32
    %broadcast_in_dim3A_9 = vector.broadcast %broadcast_in_dim3A_8 : i32 to vector<1x1xi32>
    %slice3A_10 = vector.extract_strided_slice %get3A_3 {offsets = [0, 0], sizes = [1, 3199], strides = [1, 1]} : vector<1x3200xi32> to vector<1x3199xi32>
    %concatenate3A_11 = tpu.concatenate %broadcast_in_dim3A_9, %slice3A_10 in 1 : vector<1x1xi32>, vector<1x3199xi32> -> vector<1x3200xi32>
    %eq3A_12 = arith.cmpi eq, %concatenate3A_11, %get3A_3 : vector<1x3200xi32>
    %jit3A = arith.constant -3.40282347E+38 : f32
    %broadcast_in_dim3A_13 = vector.shape_cast %eq3A_12 : vector<1x3200xi1> to vector<1x3200xi1>
    %broadcast_in_dim3A_14 = vector.broadcast %broadcast_in_dim3A_13 : vector<1x3200xi1> to vector<32x3200xi1>
    %broadcast_in_dim3A_15 = vector.broadcast %jit3A : f32 to vector<32x3200xf32>
    %select_n3A = arith.select %broadcast_in_dim3A_14, %concatenate3A, %broadcast_in_dim3A_15 : vector<32x3200xi1>, vector<32x3200xf32>
    %max3A = arith.maximumf %get3A_6, %select_n3A : vector<32x3200xf32>
    %broadcast_in_dim3A_16 = arith.constant -3.40282347E+38 : f32
    %broadcast_in_dim3A_17 = vector.broadcast %broadcast_in_dim3A_16 : f32 to vector<32x2xf32>
    %slice3A_18 = vector.extract_strided_slice %max3A {offsets = [0, 0], sizes = [32, 3198], strides = [1, 1]} : vector<32x3200xf32> to vector<32x3198xf32>
    %concatenate3A_19 = tpu.concatenate %broadcast_in_dim3A_17, %slice3A_18 in 1 : vector<32x2xf32>, vector<32x3198xf32> -> vector<32x3200xf32>
    %broadcast_in_dim3A_20 = arith.constant -1 : i32
    %broadcast_in_dim3A_21 = vector.broadcast %broadcast_in_dim3A_20 : i32 to vector<1x2xi32>
    %slice3A_22 = vector.extract_strided_slice %get3A_3 {offsets = [0, 0], sizes = [1, 3198], strides = [1, 1]} : vector<1x3200xi32> to vector<1x3198xi32>
    %concatenate3A_23 = tpu.concatenate %broadcast_in_dim3A_21, %slice3A_22 in 1 : vector<1x2xi32>, vector<1x3198xi32> -> vector<1x3200xi32>
    %eq3A_24 = arith.cmpi eq, %concatenate3A_23, %get3A_3 : vector<1x3200xi32>
    %jit3A_25 = arith.constant -3.40282347E+38 : f32
    %broadcast_in_dim3A_26 = vector.shape_cast %eq3A_24 : vector<1x3200xi1> to vector<1x3200xi1>
    %broadcast_in_dim3A_27 = vector.broadcast %broadcast_in_dim3A_26 : vector<1x3200xi1> to vector<32x3200xi1>
    %broadcast_in_dim3A_28 = vector.broadcast %jit3A_25 : f32 to vector<32x3200xf32>
    %select_n3A_29 = arith.select %broadcast_in_dim3A_27, %concatenate3A_19, %broadcast_in_dim3A_28 : vector<32x3200xi1>, vector<32x3200xf32>
    %max3A_30 = arith.maximumf %max3A, %select_n3A_29 : vector<32x3200xf32>
    %broadcast_in_dim3A_31 = arith.constant -3.40282347E+38 : f32
    %broadcast_in_dim3A_32 = vector.broadcast %broadcast_in_dim3A_31 : f32 to vector<32x4xf32>
    %slice3A_33 = vector.extract_strided_slice %max3A_30 {offsets = [0, 0], sizes = [32, 3196], strides = [1, 1]} : vector<32x3200xf32> to vector<32x3196xf32>
    %concatenate3A_34 = tpu.concatenate %broadcast_in_dim3A_32, %slice3A_33 in 1 : vector<32x4xf32>, vector<32x3196xf32> -> vector<32x3200xf32>
    %broadcast_in_dim3A_35 = arith.constant -1 : i32
    %broadcast_in_dim3A_36 = vector.broadcast %broadcast_in_dim3A_35 : i32 to vector<1x4xi32>
    %slice3A_37 = vector.extract_strided_slice %get3A_3 {offsets = [0, 0], sizes = [1, 3196], strides = [1, 1]} : vector<1x3200xi32> to vector<1x3196xi32>
    %concatenate3A_38 = tpu.concatenate %broadcast_in_dim3A_36, %slice3A_37 in 1 : vector<1x4xi32>, vector<1x3196xi32> -> vector<1x3200xi32>
    %eq3A_39 = arith.cmpi eq, %concatenate3A_38, %get3A_3 : vector<1x3200xi32>
    %jit3A_40 = arith.constant -3.40282347E+38 : f32
    %broadcast_in_dim3A_41 = vector.shape_cast %eq3A_39 : vector<1x3200xi1> to vector<1x3200xi1>
    %broadcast_in_dim3A_42 = vector.broadcast %broadcast_in_dim3A_41 : vector<1x3200xi1> to vector<32x3200xi1>
    %broadcast_in_dim3A_43 = vector.broadcast %jit3A_40 : f32 to vector<32x3200xf32>
    %select_n3A_44 = arith.select %broadcast_in_dim3A_42, %concatenate3A_34, %broadcast_in_dim3A_43 : vector<32x3200xi1>, vector<32x3200xf32>
    %max3A_45 = arith.maximumf %max3A_30, %select_n3A_44 : vector<32x3200xf32>
    %broadcast_in_dim3A_46 = arith.constant -3.40282347E+38 : f32
    %broadcast_in_dim3A_47 = vector.broadcast %broadcast_in_dim3A_46 : f32 to vector<32x8xf32>
    %slice3A_48 = vector.extract_strided_slice %max3A_45 {offsets = [0, 0], sizes = [32, 3192], strides = [1, 1]} : vector<32x3200xf32> to vector<32x3192xf32>
    %concatenate3A_49 = tpu.concatenate %broadcast_in_dim3A_47, %slice3A_48 in 1 : vector<32x8xf32>, vector<32x3192xf32> -> vector<32x3200xf32>
    %broadcast_in_dim3A_50 = arith.constant -1 : i32
    %broadcast_in_dim3A_51 = vector.broadcast %broadcast_in_dim3A_50 : i32 to vector<1x8xi32>
    %slice3A_52 = vector.extract_strided_slice %get3A_3 {offsets = [0, 0], sizes = [1, 3192], strides = [1, 1]} : vector<1x3200xi32> to vector<1x3192xi32>
    %concatenate3A_53 = tpu.concatenate %broadcast_in_dim3A_51, %slice3A_52 in 1 : vector<1x8xi32>, vector<1x3192xi32> -> vector<1x3200xi32>
    %eq3A_54 = arith.cmpi eq, %concatenate3A_53, %get3A_3 : vector<1x3200xi32>
    %jit3A_55 = arith.constant -3.40282347E+38 : f32
    %broadcast_in_dim3A_56 = vector.shape_cast %eq3A_54 : vector<1x3200xi1> to vector<1x3200xi1>
    %broadcast_in_dim3A_57 = vector.broadcast %broadcast_in_dim3A_56 : vector<1x3200xi1> to vector<32x3200xi1>
    %broadcast_in_dim3A_58 = vector.broadcast %jit3A_55 : f32 to vector<32x3200xf32>
    %select_n3A_59 = arith.select %broadcast_in_dim3A_57, %concatenate3A_49, %broadcast_in_dim3A_58 : vector<32x3200xi1>, vector<32x3200xf32>
    %max3A_60 = arith.maximumf %max3A_45, %select_n3A_59 : vector<32x3200xf32>
    %broadcast_in_dim3A_61 = arith.constant -3.40282347E+38 : f32
    %broadcast_in_dim3A_62 = vector.broadcast %broadcast_in_dim3A_61 : f32 to vector<32x16xf32>
    %slice3A_63 = vector.extract_strided_slice %max3A_60 {offsets = [0, 0], sizes = [32, 3184], strides = [1, 1]} : vector<32x3200xf32> to vector<32x3184xf32>
    %concatenate3A_64 = tpu.concatenate %broadcast_in_dim3A_62, %slice3A_63 in 1 : vector<32x16xf32>, vector<32x3184xf32> -> vector<32x3200xf32>
    %broadcast_in_dim3A_65 = arith.constant -1 : i32
    %broadcast_in_dim3A_66 = vector.broadcast %broadcast_in_dim3A_65 : i32 to vector<1x16xi32>
    %slice3A_67 = vector.extract_strided_slice %get3A_3 {offsets = [0, 0], sizes = [1, 3184], strides = [1, 1]} : vector<1x3200xi32> to vector<1x3184xi32>
    %concatenate3A_68 = tpu.concatenate %broadcast_in_dim3A_66, %slice3A_67 in 1 : vector<1x16xi32>, vector<1x3184xi32> -> vector<1x3200xi32>
    %eq3A_69 = arith.cmpi eq, %concatenate3A_68, %get3A_3 : vector<1x3200xi32>
    %jit3A_70 = arith.constant -3.40282347E+38 : f32
    %broadcast_in_dim3A_71 = vector.shape_cast %eq3A_69 : vector<1x3200xi1> to vector<1x3200xi1>
    %broadcast_in_dim3A_72 = vector.broadcast %broadcast_in_dim3A_71 : vector<1x3200xi1> to vector<32x3200xi1>
    %broadcast_in_dim3A_73 = vector.broadcast %jit3A_70 : f32 to vector<32x3200xf32>
    %select_n3A_74 = arith.select %broadcast_in_dim3A_72, %concatenate3A_64, %broadcast_in_dim3A_73 : vector<32x3200xi1>, vector<32x3200xf32>
    %max3A_75 = arith.maximumf %max3A_60, %select_n3A_74 : vector<32x3200xf32>
    %broadcast_in_dim3A_76 = arith.constant -3.40282347E+38 : f32
    %broadcast_in_dim3A_77 = vector.broadcast %broadcast_in_dim3A_76 : f32 to vector<32x32xf32>
    %slice3A_78 = vector.extract_strided_slice %max3A_75 {offsets = [0, 0], sizes = [32, 3168], strides = [1, 1]} : vector<32x3200xf32> to vector<32x3168xf32>
    %concatenate3A_79 = tpu.concatenate %broadcast_in_dim3A_77, %slice3A_78 in 1 : vector<32x32xf32>, vector<32x3168xf32> -> vector<32x3200xf32>
    %broadcast_in_dim3A_80 = arith.constant -1 : i32
    %broadcast_in_dim3A_81 = vector.broadcast %broadcast_in_dim3A_80 : i32 to vector<1x32xi32>
    %slice3A_82 = vector.extract_strided_slice %get3A_3 {offsets = [0, 0], sizes = [1, 3168], strides = [1, 1]} : vector<1x3200xi32> to vector<1x3168xi32>
    %concatenate3A_83 = tpu.concatenate %broadcast_in_dim3A_81, %slice3A_82 in 1 : vector<1x32xi32>, vector<1x3168xi32> -> vector<1x3200xi32>
    %eq3A_84 = arith.cmpi eq, %concatenate3A_83, %get3A_3 : vector<1x3200xi32>
    %jit3A_85 = arith.constant -3.40282347E+38 : f32
    %broadcast_in_dim3A_86 = vector.shape_cast %eq3A_84 : vector<1x3200xi1> to vector<1x3200xi1>
    %broadcast_in_dim3A_87 = vector.broadcast %broadcast_in_dim3A_86 : vector<1x3200xi1> to vector<32x3200xi1>
    %broadcast_in_dim3A_88 = vector.broadcast %jit3A_85 : f32 to vector<32x3200xf32>
    %select_n3A_89 = arith.select %broadcast_in_dim3A_87, %concatenate3A_79, %broadcast_in_dim3A_88 : vector<32x3200xi1>, vector<32x3200xf32>
    %max3A_90 = arith.maximumf %max3A_75, %select_n3A_89 : vector<32x3200xf32>
    %broadcast_in_dim3A_91 = arith.constant -3.40282347E+38 : f32
    %broadcast_in_dim3A_92 = vector.broadcast %broadcast_in_dim3A_91 : f32 to vector<32x64xf32>
    %slice3A_93 = vector.extract_strided_slice %max3A_90 {offsets = [0, 0], sizes = [32, 3136], strides = [1, 1]} : vector<32x3200xf32> to vector<32x3136xf32>
    %concatenate3A_94 = tpu.concatenate %broadcast_in_dim3A_92, %slice3A_93 in 1 : vector<32x64xf32>, vector<32x3136xf32> -> vector<32x3200xf32>
    %broadcast_in_dim3A_95 = arith.constant -1 : i32
    %broadcast_in_dim3A_96 = vector.broadcast %broadcast_in_dim3A_95 : i32 to vector<1x64xi32>
    %slice3A_97 = vector.extract_strided_slice %get3A_3 {offsets = [0, 0], sizes = [1, 3136], strides = [1, 1]} : vector<1x3200xi32> to vector<1x3136xi32>
    %concatenate3A_98 = tpu.concatenate %broadcast_in_dim3A_96, %slice3A_97 in 1 : vector<1x64xi32>, vector<1x3136xi32> -> vector<1x3200xi32>
    %eq3A_99 = arith.cmpi eq, %concatenate3A_98, %get3A_3 : vector<1x3200xi32>
    %jit3A_100 = arith.constant -3.40282347E+38 : f32
    %broadcast_in_dim3A_101 = vector.shape_cast %eq3A_99 : vector<1x3200xi1> to vector<1x3200xi1>
    %broadcast_in_dim3A_102 = vector.broadcast %broadcast_in_dim3A_101 : vector<1x3200xi1> to vector<32x3200xi1>
    %broadcast_in_dim3A_103 = vector.broadcast %jit3A_100 : f32 to vector<32x3200xf32>
    %select_n3A_104 = arith.select %broadcast_in_dim3A_102, %concatenate3A_94, %broadcast_in_dim3A_103 : vector<32x3200xi1>, vector<32x3200xf32>
    %max3A_105 = arith.maximumf %max3A_90, %select_n3A_104 : vector<32x3200xf32>
    %broadcast_in_dim3A_106 = arith.constant -3.40282347E+38 : f32
    %broadcast_in_dim3A_107 = vector.broadcast %broadcast_in_dim3A_106 : f32 to vector<32x128xf32>
    %slice3A_108 = vector.extract_strided_slice %max3A_105 {offsets = [0, 0], sizes = [32, 3072], strides = [1, 1]} : vector<32x3200xf32> to vector<32x3072xf32>
    %concatenate3A_109 = tpu.concatenate %broadcast_in_dim3A_107, %slice3A_108 in 1 : vector<32x128xf32>, vector<32x3072xf32> -> vector<32x3200xf32>
    %broadcast_in_dim3A_110 = arith.constant -1 : i32
    %broadcast_in_dim3A_111 = vector.broadcast %broadcast_in_dim3A_110 : i32 to vector<1x128xi32>
    %slice3A_112 = vector.extract_strided_slice %get3A_3 {offsets = [0, 0], sizes = [1, 3072], strides = [1, 1]} : vector<1x3200xi32> to vector<1x3072xi32>
    %concatenate3A_113 = tpu.concatenate %broadcast_in_dim3A_111, %slice3A_112 in 1 : vector<1x128xi32>, vector<1x3072xi32> -> vector<1x3200xi32>
    %eq3A_114 = arith.cmpi eq, %concatenate3A_113, %get3A_3 : vector<1x3200xi32>
    %jit3A_115 = arith.constant -3.40282347E+38 : f32
    %broadcast_in_dim3A_116 = vector.shape_cast %eq3A_114 : vector<1x3200xi1> to vector<1x3200xi1>
    %broadcast_in_dim3A_117 = vector.broadcast %broadcast_in_dim3A_116 : vector<1x3200xi1> to vector<32x3200xi1>
    %broadcast_in_dim3A_118 = vector.broadcast %jit3A_115 : f32 to vector<32x3200xf32>
    %select_n3A_119 = arith.select %broadcast_in_dim3A_117, %concatenate3A_109, %broadcast_in_dim3A_118 : vector<32x3200xi1>, vector<32x3200xf32>
    %max3A_120 = arith.maximumf %max3A_105, %select_n3A_119 : vector<32x3200xf32>
    %broadcast_in_dim3A_121 = arith.constant -3.40282347E+38 : f32
    %broadcast_in_dim3A_122 = vector.broadcast %broadcast_in_dim3A_121 : f32 to vector<32x256xf32>
    %slice3A_123 = vector.extract_strided_slice %max3A_120 {offsets = [0, 0], sizes = [32, 2944], strides = [1, 1]} : vector<32x3200xf32> to vector<32x2944xf32>
    %concatenate3A_124 = tpu.concatenate %broadcast_in_dim3A_122, %slice3A_123 in 1 : vector<32x256xf32>, vector<32x2944xf32> -> vector<32x3200xf32>
    %broadcast_in_dim3A_125 = arith.constant -1 : i32
    %broadcast_in_dim3A_126 = vector.broadcast %broadcast_in_dim3A_125 : i32 to vector<1x256xi32>
    %slice3A_127 = vector.extract_strided_slice %get3A_3 {offsets = [0, 0], sizes = [1, 2944], strides = [1, 1]} : vector<1x3200xi32> to vector<1x2944xi32>
    %concatenate3A_128 = tpu.concatenate %broadcast_in_dim3A_126, %slice3A_127 in 1 : vector<1x256xi32>, vector<1x2944xi32> -> vector<1x3200xi32>
    %eq3A_129 = arith.cmpi eq, %concatenate3A_128, %get3A_3 : vector<1x3200xi32>
    %jit3A_130 = arith.constant -3.40282347E+38 : f32
    %broadcast_in_dim3A_131 = vector.shape_cast %eq3A_129 : vector<1x3200xi1> to vector<1x3200xi1>
    %broadcast_in_dim3A_132 = vector.broadcast %broadcast_in_dim3A_131 : vector<1x3200xi1> to vector<32x3200xi1>
    %broadcast_in_dim3A_133 = vector.broadcast %jit3A_130 : f32 to vector<32x3200xf32>
    %select_n3A_134 = arith.select %broadcast_in_dim3A_132, %concatenate3A_124, %broadcast_in_dim3A_133 : vector<32x3200xi1>, vector<32x3200xf32>
    %max3A_135 = arith.maximumf %max3A_120, %select_n3A_134 : vector<32x3200xf32>
    %broadcast_in_dim3A_136 = arith.constant -3.40282347E+38 : f32
    %broadcast_in_dim3A_137 = vector.broadcast %broadcast_in_dim3A_136 : f32 to vector<32x512xf32>
    %slice3A_138 = vector.extract_strided_slice %max3A_135 {offsets = [0, 0], sizes = [32, 2688], strides = [1, 1]} : vector<32x3200xf32> to vector<32x2688xf32>
    %concatenate3A_139 = tpu.concatenate %broadcast_in_dim3A_137, %slice3A_138 in 1 : vector<32x512xf32>, vector<32x2688xf32> -> vector<32x3200xf32>
    %broadcast_in_dim3A_140 = arith.constant -1 : i32
    %broadcast_in_dim3A_141 = vector.broadcast %broadcast_in_dim3A_140 : i32 to vector<1x512xi32>
    %slice3A_142 = vector.extract_strided_slice %get3A_3 {offsets = [0, 0], sizes = [1, 2688], strides = [1, 1]} : vector<1x3200xi32> to vector<1x2688xi32>
    %concatenate3A_143 = tpu.concatenate %broadcast_in_dim3A_141, %slice3A_142 in 1 : vector<1x512xi32>, vector<1x2688xi32> -> vector<1x3200xi32>
    %eq3A_144 = arith.cmpi eq, %concatenate3A_143, %get3A_3 : vector<1x3200xi32>
    %jit3A_145 = arith.constant -3.40282347E+38 : f32
    %broadcast_in_dim3A_146 = vector.shape_cast %eq3A_144 : vector<1x3200xi1> to vector<1x3200xi1>
    %broadcast_in_dim3A_147 = vector.broadcast %broadcast_in_dim3A_146 : vector<1x3200xi1> to vector<32x3200xi1>
    %broadcast_in_dim3A_148 = vector.broadcast %jit3A_145 : f32 to vector<32x3200xf32>
    %select_n3A_149 = arith.select %broadcast_in_dim3A_147, %concatenate3A_139, %broadcast_in_dim3A_148 : vector<32x3200xi1>, vector<32x3200xf32>
    %max3A_150 = arith.maximumf %max3A_135, %select_n3A_149 : vector<32x3200xf32>
    %broadcast_in_dim3A_151 = arith.constant -3.40282347E+38 : f32
    %broadcast_in_dim3A_152 = vector.broadcast %broadcast_in_dim3A_151 : f32 to vector<32x1024xf32>
    %slice3A_153 = vector.extract_strided_slice %max3A_150 {offsets = [0, 0], sizes = [32, 2176], strides = [1, 1]} : vector<32x3200xf32> to vector<32x2176xf32>
    %concatenate3A_154 = tpu.concatenate %broadcast_in_dim3A_152, %slice3A_153 in 1 : vector<32x1024xf32>, vector<32x2176xf32> -> vector<32x3200xf32>
    %broadcast_in_dim3A_155 = arith.constant -1 : i32
    %broadcast_in_dim3A_156 = vector.broadcast %broadcast_in_dim3A_155 : i32 to vector<1x1024xi32>
    %slice3A_157 = vector.extract_strided_slice %get3A_3 {offsets = [0, 0], sizes = [1, 2176], strides = [1, 1]} : vector<1x3200xi32> to vector<1x2176xi32>
    %concatenate3A_158 = tpu.concatenate %broadcast_in_dim3A_156, %slice3A_157 in 1 : vector<1x1024xi32>, vector<1x2176xi32> -> vector<1x3200xi32>
    %eq3A_159 = arith.cmpi eq, %concatenate3A_158, %get3A_3 : vector<1x3200xi32>
    %jit3A_160 = arith.constant -3.40282347E+38 : f32
    %broadcast_in_dim3A_161 = vector.shape_cast %eq3A_159 : vector<1x3200xi1> to vector<1x3200xi1>
    %broadcast_in_dim3A_162 = vector.broadcast %broadcast_in_dim3A_161 : vector<1x3200xi1> to vector<32x3200xi1>
    %broadcast_in_dim3A_163 = vector.broadcast %jit3A_160 : f32 to vector<32x3200xf32>
    %select_n3A_164 = arith.select %broadcast_in_dim3A_162, %concatenate3A_154, %broadcast_in_dim3A_163 : vector<32x3200xi1>, vector<32x3200xf32>
    %max3A_165 = arith.maximumf %max3A_150, %select_n3A_164 : vector<32x3200xf32>
    %broadcast_in_dim3A_166 = arith.constant -3.40282347E+38 : f32
    %broadcast_in_dim3A_167 = vector.broadcast %broadcast_in_dim3A_166 : f32 to vector<32x2048xf32>
    %slice3A_168 = vector.extract_strided_slice %max3A_165 {offsets = [0, 0], sizes = [32, 1152], strides = [1, 1]} : vector<32x3200xf32> to vector<32x1152xf32>
    %concatenate3A_169 = tpu.concatenate %broadcast_in_dim3A_167, %slice3A_168 in 1 : vector<32x2048xf32>, vector<32x1152xf32> -> vector<32x3200xf32>
    %broadcast_in_dim3A_170 = arith.constant -1 : i32
    %broadcast_in_dim3A_171 = vector.broadcast %broadcast_in_dim3A_170 : i32 to vector<1x2048xi32>
    %slice3A_172 = vector.extract_strided_slice %get3A_3 {offsets = [0, 0], sizes = [1, 1152], strides = [1, 1]} : vector<1x3200xi32> to vector<1x1152xi32>
    %concatenate3A_173 = tpu.concatenate %broadcast_in_dim3A_171, %slice3A_172 in 1 : vector<1x2048xi32>, vector<1x1152xi32> -> vector<1x3200xi32>
    %eq3A_174 = arith.cmpi eq, %concatenate3A_173, %get3A_3 : vector<1x3200xi32>
    %jit3A_175 = arith.constant -3.40282347E+38 : f32
    %broadcast_in_dim3A_176 = vector.shape_cast %eq3A_174 : vector<1x3200xi1> to vector<1x3200xi1>
    %broadcast_in_dim3A_177 = vector.broadcast %broadcast_in_dim3A_176 : vector<1x3200xi1> to vector<32x3200xi1>
    %broadcast_in_dim3A_178 = vector.broadcast %jit3A_175 : f32 to vector<32x3200xf32>
    %select_n3A_179 = arith.select %broadcast_in_dim3A_177, %concatenate3A_169, %broadcast_in_dim3A_178 : vector<32x3200xi1>, vector<32x3200xf32>
    %max3A_180 = arith.maximumf %max3A_165, %select_n3A_179 : vector<32x3200xf32>
    %get3A_181 = arith.constant 0 : index
    %get3A_182 = memref.load %arg6[%get3A_181] : memref<2xi32, #tpu.memory_space<smem>>
    %eq3A_183 = vector.broadcast %get3A_182 : i32 to vector<1x3200xi32>
    %eq3A_184 = arith.cmpi eq, %get3A_3, %eq3A_183 : vector<1x3200xi32>
    %get3A_185 = arith.constant 0 : index
    %get3A_186 = arith.constant 0 : index
    %get3A_187 = vector.load %arg5[%get3A_185, %get3A_186] : memref<32x2xf32, #tpu.memory_space<vmem>>, vector<32x1xf32>
    %max3A_188 = vector.broadcast %get3A_187 : vector<32x1xf32> to vector<32x3200xf32>
    %max3A_189 = arith.maximumf %max3A_180, %max3A_188 : vector<32x3200xf32>
    %broadcast_in_dim3A_190 = vector.shape_cast %eq3A_184 : vector<1x3200xi1> to vector<1x3200xi1>
    %broadcast_in_dim3A_191 = vector.broadcast %broadcast_in_dim3A_190 : vector<1x3200xi1> to vector<32x3200xi1>
    %select_n3A_192 = arith.select %broadcast_in_dim3A_191, %max3A_189, %max3A_180 : vector<32x3200xi1>, vector<32x3200xf32>
    %slice3A_193 = vector.extract_strided_slice %select_n3A_192 {offsets = [0, 3199], sizes = [32, 1], strides = [1, 1]} : vector<32x3200xf32> to vector<32x1xf32>
    %swap3A = arith.constant 0 : index
    %swap3A_194 = arith.constant 0 : index
    %swap3A_195 = vector.load %arg5[%swap3A, %swap3A_194] : memref<32x2xf32, #tpu.memory_space<vmem>>, vector<32x1xf32>
    tpu.vector_store %arg5[%swap3A, %swap3A_194], %slice3A_193 {strides = array<i32>} : memref<32x2xf32, #tpu.memory_space<vmem>>, vector<32x1xf32>,
    %slice3A_196 = vector.extract_strided_slice %get3A_3 {offsets = [0, 3199], sizes = [1, 1], strides = [1, 1]} : vector<1x3200xi32> to vector<1x1xi32>
    %squeeze3A = vector.extract %slice3A_196[0, 0] : i32 from vector<1x1xi32>
    %swap3A_197 = arith.constant 0 : index
    %swap3A_198 = memref.load %arg6[%swap3A_197] : memref<2xi32, #tpu.memory_space<smem>>
    memref.store %squeeze3A, %arg6[%swap3A_197] : memref<2xi32, #tpu.memory_space<smem>>
    %get3A_199 = arith.constant 0 : index
    %get3A_200 = arith.constant 0 : index
    %get3A_201 = vector.load %arg3[%get3A_199, %get3A_200] : memref<32x3200xf32, #tpu.memory_space<vmem>>, vector<32x3200xf32>
    %max3A_202 = arith.maximumf %select_n3A_192, %get3A_201 : vector<32x3200xf32>
    %swap3A_203 = arith.constant 0 : index
    %swap3A_204 = arith.constant 0 : index
    %swap3A_205 = vector.load %arg4[%swap3A_203, %swap3A_204] : memref<32x3200xf32, #tpu.memory_space<vmem>>, vector<32x3200xf32>
    tpu.vector_store %arg4[%swap3A_203, %swap3A_204], %max3A_202 {strides = array<i32>} : memref<32x3200xf32, #tpu.memory_space<vmem>>, vector<32x3200xf32>,
    return
  }
  func.func @transform_0(%arg0: i32) -> (i32, i32) {
    %c0_i32 = arith.constant 0 : i32
    %c0_i32_0 = arith.constant 0 : i32
    return %c0_i32, %arg0 : i32, i32
  }
  func.func @transform_1(%arg0: i32) -> (i32, i32) {
    %c0_i32 = arith.constant 0 : i32
    %c0_i32_0 = arith.constant 0 : i32
    return %c0_i32, %arg0 : i32, i32
  }
  func.func @transform_2(%arg0: i32) -> (i32, i32) {
    %c0_i32 = arith.constant 0 : i32
    %c0_i32_0 = arith.constant 0 : i32
    return %c0_i32, %arg0 : i32, i32
  }
  func.func @transform_3(%arg0: i32) -> (i32, i32) {
    %c0_i32 = arith.constant 0 : i32
    %c0_i32_0 = arith.constant 0 : i32
    return %c0_i32, %arg0 : i32, i32
  }
}

</mosaic_0001>

<sc_bundles>
// kernel: gather_offload_async_start.1
scs
__scs_entry_jumppad:
0x0: {  	(pc) =	sbr.rel $0x88, $3  }
0x1: {  	(tag) =	ssettag $0x0;
	lr =	simm.s32 $0x1  }
0x2: {  	[smem:$0x3F79] =	sst lr;
	_ =	strace $0xD0000000  }
0x3: {  	_ = 	snop  }
0x4: {  	_ = 	snop  }
0x5: {  	_ = 	snop  }
0x6: {  	_ = 	snop  }
0x7: {  	_ = 	snop  }
__scs_overlays_trampoline_lowered:
0x8: {  	[smem:$0x3F88] =	sst s0  }
0x9: {  	[smem:$0x3F89] =	sst s1  }
0xa: {  	[smem:$0x3F8A] =	sst s2  }
0xb: {  	[smem:$0x3F8B] =	sst s3  }
0xc: {  	[smem:$0x3F8C] =	sst s4  }
0xd: {  	[smem:$0x3F8D] =	sst s5  }
0xe: {  	[smem:$0x3F8E] =	sst s6  }
0xf: {  	[smem:$0x3F8F] =	sst s7  }
0x10: {  	[smem:$0x3F90] =	sst s8  }
0x11: {  	[smem:$0x3F91] =	sst s9;
	s0 =	simm.s32 @!p0 $0x0  }
0x12: {  	s1 =	sld [smem:$0x3F77];
	s0 =	simm.s32 @p0 $0x1  }
0x13: {  	[smem:$0x3F92] =	sst s0;
	s0 =	simm.s32 @!p1 $0x0  }
0x14: {  	s2 =	sld [smem:$0x3F76];
	s0 =	simm.s32 @p1 $0x1  }
0x15: {  	[smem:$0x3F93] =	sst s0;
	s0 =	simm.s32 @!p2 $0x0  }
0x16: {  	s3 =	sld [smem:$0x3FDB];
	s0 =	simm.s32 @p2 $0x1  }
0x17: {  	s4 =	simm.s32 $0x1BF5;
	[smem:$0x3F95] =	sst s0  }
0x18: {  	s0 =	sld [smem:$0x3F78];
	_ =	swait.ge [sflag:s4], $0x0  }
0x19: {  	s7 =	sld [smem:$0x3F79]  }
0x1a: {  	s8 =	sadd.s32 $0xFFFFE003, lr  }
0x1b: {  	s9 =	sadd.s32 $0xFFFFFEF7, lr;
	s5 =	simm.s32 $0xFFFFFFFF;
	p2 =	slt.u32 s8, $0xFFFFF086  }
0x1c: {  	p1 =	slt.u32 s9, $0xF7A;
	s5 =	simm.s32 @!p2 $0x0  }
0x1d: {  	s5 =	simm.s32 @p1 $0x1;
	p0 =	seq.s32 s7, s2  }
0x1e: {  	s7 =	smul.u32 @!p0 $0xF7A, s2;
	p2 =	seq.s32 @!p0 s5, $0x0  }
0x1f: {  	s9 =	smul.u32 $0xF7A, s1;
	s8 =	simm.s32 @!p0 $0x1BF5;
	p2 =	por !p2, p0  }
0x20: {  	[sflag:s8] =	ssyncset.s32 @!p0 $0xFFFFF086;
	s6 =	sadd.s32 @!p0 s3, s7;
	s7 =	simm.s32 @!p0 $0x108  }
0x21: {  	s3 =	sadd.s32 s3, s9;
	s6 =	sadd.s32 @!p0 $0x88, s6;
	s7 =	simm.s32 @p2 $0x1082  }
0x22: {  	[simem:s7], [sflag:s8] =	dma.local @!p0 [hbm:s6], $0xF7A  }
0x23: {  	s9 =	sor.u32 $0xD0000000, s2;
	s6 =	simm.s32 $0x108;
	_ =	swait.ge @!p0 [sflag:s8], $0x0  }
0x24: {  	s3 =	sadd.s32 $0x88, s3;
	s6 =	simm.s32 @!p1 $0x1082;
	[sflag:s4] =	ssyncset.s32 $0xFFFFF086  }
0x25: {  	[simem:s6], [sflag:s4] =	dma.local [hbm:s3], $0xF7A  }
0x26: {  	[smem:$0x3F79] =	sst s1;
	(tag) =	ssettag s2;
	_ =	strace s9  }
0x27: {  	s1 =	sld [smem:$0x3F89]  }
0x28: {  	s2 =	sld [smem:$0x3F8A]  }
0x29: {  	s4 =	sld [smem:$0x3F8C]  }
0x2a: {  	p0 =	seq.s32 s5, $0x0;
	s5 =	sld [smem:$0x3F8D]  }
0x2b: {  	s6 =	sld [smem:$0x3F8E]  }
0x2c: {  	s7 =	sld [smem:$0x3F8F]  }
0x2d: {  	s3 =	simm.s32 $0x108;
	s8 =	sld [smem:$0x3F90]  }
0x2e: {  	s3 =	simm.s32 @!p0 $0x1082;
	s9 =	sld [smem:$0x3F91]  }
0x2f: {  	lr =	sadd.s32 s0, s3;
	s0 =	sld [smem:$0x3F88]  }
0x30: {  	s3 =	sld [smem:$0x3F8B]  }
0x31: {  	[smem:$0x3F94] =	sst s10  }
0x32: {  	s10 =	sld [smem:$0x3F92];
	_ =	sdelay $0x3  }
0x33: {  	p0 =	seq.s32 s10, $0x1;
	s10 =	sld [smem:$0x3F94];
	_ =	sdelay $0x3  }
0x34: {  	[smem:$0x3F94] =	sst s10  }
0x35: {  	s10 =	sld [smem:$0x3F93];
	_ =	sdelay $0x3  }
0x36: {  	p1 =	seq.s32 s10, $0x1;
	s10 =	sld [smem:$0x3F94];
	_ =	sdelay $0x3  }
0x37: {  	[smem:$0x3F94] =	sst s10  }
0x38: {  	s10 =	sld [smem:$0x3F95]  }
0x39: {  	_ = 	snop;
	(pc) =	sbr.ind lr, $3  }
0x3a: {  	_ = 	snop  }
0x3b: {  	_ = 	snop  }
0x3c: {  	p2 =	seq.s32 s10, $0x1;
	s10 =	sld [smem:$0x3F94]  }
0x3d: {  	_ =	shalt  }
0x3e: {  	_ =	shalt  }
0x3f: {  	_ =	shalt  }
0x40: {  	_ =	shalt  }
0x41: {  	_ =	shalt  }
0x42: {  	_ =	shalt  }
0x43: {  	_ =	shalt  }
0x44: {  	_ =	shalt  }
0x45: {  	_ =	shalt  }
0x46: {  	_ =	shalt  }
0x47: {  	_ =	shalt  }
0x48: {  	_ =	shalt  }
0x49: {  	_ =	shalt  }
0x4a: {  	_ =	shalt  }
0x4b: {  	_ =	shalt  }
0x4c: {  	_ =	shalt  }
0x4d: {  	_ =	shalt  }
0x4e: {  	_ =	shalt  }
0x4f: {  	_ =	shalt  }
0x50: {  	_ =	shalt  }
0x51: {  	_ =	shalt  }
0x52: {  	_ =	shalt  }
0x53: {  	_ =	shalt  }
0x54: {  	_ =	shalt  }
0x55: {  	_ =	shalt  }
0x56: {  	_ =	shalt  }
0x57: {  	_ =	shalt  }
0x58: {  	_ =	shalt  }
0x59: {  	_ =	shalt  }
0x5a: {  	_ =	shalt  }
0x5b: {  	_ =	shalt  }
0x5c: {  	_ =	shalt  }
0x5d: {  	_ =	shalt  }
0x5e: {  	_ =	shalt  }
0x5f: {  	_ =	shalt  }
0x60: {  	_ =	shalt  }
0x61: {  	_ =	shalt  }
0x62: {  	_ =	shalt  }
0x63: {  	_ =	shalt  }
0x64: {  	_ =	shalt  }
0x65: {  	_ =	shalt  }
0x66: {  	_ =	shalt  }
0x67: {  	_ =	shalt  }
0x68: {  	_ =	shalt  }
0x69: {  	_ =	shalt  }
0x6a: {  	_ =	shalt  }
0x6b: {  	_ =	shalt  }
0x6c: {  	_ =	shalt  }
0x6d: {  	_ =	shalt  }
0x6e: {  	_ =	shalt  }
0x6f: {  	_ =	shalt  }
0x70: {  	_ =	shalt  }
0x71: {  	_ =	shalt  }
0x72: {  	_ =	shalt  }
0x73: {  	_ =	shalt  }
0x74: {  	_ =	shalt  }
0x75: {  	_ =	shalt  }
0x76: {  	_ =	shalt  }
0x77: {  	_ =	shalt  }
0x78: {  	_ =	shalt  }
0x79: {  	_ =	shalt  }
0x7a: {  	_ =	shalt  }
0x7b: {  	_ =	shalt  }
0x7c: {  	_ =	shalt  }
0x7d: {  	_ =	shalt  }
0x7e: {  	_ =	shalt  }
0x7f: {  	_ =	shalt  }
0x80: {  	_ =	shalt  }
0x81: {  	_ =	shalt  }
0x82: {  	_ =	shalt  }
0x83: {  	_ =	shalt  }
0x84: {  	_ =	shalt  }
0x85: {  	_ =	shalt  }
0x86: {  	_ =	shalt  }
0x87: {  	_ =	shalt  }
.Lfunc_end0:
.L_simem_size_0:
called_computation.1_lowered:
.L_overlay_start_0:
0x88: {  	s0 =	sld [smem:$0x3FD9]  }
0x89: {  	s1 =	sld [smem:$0x3FFE];
	_ =	sdelay $0x3  }
0x8a: {  	s0 =	sadd.s32 s1, s0  }
0x8b: {  	[smem:$0x3FA0] =	sst s0  }
0x8c: {  	_ = 	snop  }
0x8d: {  	s0 =	sld [smem:$0x3FD0];
	_ =	sdelay $0x2  }
0x8e: {  	s13 =	simm.s32 $0xC;
	s2 =	simm.s32 $0x10  }
0x8f: {  	[smem:s2], [sflag:s13] =	dma.local [hbm:s0], $0x1  }
0x90: {  	_ =	swait.eq [sflag:s13], $0x1  }
0x91: {  	[sflag:s13] =	ssyncset.done $0x0  }
0x92: {  	[sflag:s13] =	ssyncadd.s32 $0xFFFFFFFF  }
0x93: {  	s14 =	sld [smem:$0x11];
	(tm) =	ssettm $0x1  }
0x94: {  	s15 =	sld [smem:$0x3FFB];
	_ =	sdelay $0x3  }
0x95: {  	_ =	strace s15  }
0x96: {  	s1 =	sld [smem:$0x3FFC];
	_ =	sdelay $0x3  }
0x97: {  	_ =	strace s1  }
0x98: {  	s1 =	sld [smem:$0x3FFD];
	_ =	sdelay $0x3  }
0x99: {  	_ =	strace s1  }
0x9a: {  	_ =	strace $0x8FFFFFFF  }
0x9b: {  	s16 =	sld [smem:$0x3FDB];
	_ =	sdelay $0x1  }
0x9c: {  	s17 =	simm.s32 $_scs_section_size  }
0x9d: {  	s3 =	simm.s32 $_size__tile_overlayer_lowered;
	s4 =	simm.s32 $_tile_overlayer_lowered  }
0x9e: {  	s20 =	simm.s32 $0x1BFF;
	s19 =	sshll.u32 s4, $0x1;
	s1 =	sadd.s32 s17, s16  }
0x9f: {  	s5 =	simm.s32 $0x0;
	s18 =	sshll.u32 s3, $0x1;
	s3 =	sadd.s32 s19, s1  }
0xa0: {  	[timem:s5], [sflag:s20] =	dma.local [hbm:s3], s18  }
0xa1: {  	_ =	swait.ge [sflag:s20], s18  }
0xa2: {  	s2 =	ssub.s32 $0x0, s18;
	[sflag:s20] =	ssyncset.done $0x0  }
0xa3: {  	[sflag:s20] =	ssyncadd.s32 s2;
	_ =	sdelay $0x1  }
0xa4: {  	s21 =	simm.s32 $0x1B8B  }
0xa5: {  	_ =	swait.ge [sflag:s21], $0x1  }
0xa6: {  	[sflag:s21] =	ssyncset.done $0x0  }
0xa7: {  	s23 =	simm.s32 $0x1B8E;
	s22 =	sld [smem:$0x3FFE];
	[sflag:s21] =	ssyncadd.s32 $0xFFFFFFFF  }
0xa8: {  	s24 =	simm.s32 $execute0_lowered;
	[smem:$0x3FD2] =	sst s23  }
0xa9: {  	s3 =	sshll.u32 s24, $0x1;
	_ =	strace $0x8000004C;
	[dreg:$0x1] =	wrdreg $0xFFFFFFFF  }
0xaa: {  	s25 =	simm.s32 $_size_execute0_lowered;
	s1 =	sadd.s32 s1, s3;
	[dreg:$0x0] =	wrdreg $0x0  }
0xab: {  	s3 =	sshll.u32 s25, $0x1;
	[dreg:$0x2] =	wrdreg s1  }
0xac: {  	[dreg:$0x3] =	wrdreg s3  }
0xad: {  	[dreg:$0x4] =	wrdreg $0xC0  }
0xae: {  	_ =	task [dreg:s5], $0x5FFFF  }
0xaf: {  	[dreg:$0x1] =	wrdreg $0xFFFFFFFF  }
0xb0: {  	[dreg:$0x0] =	wrdreg $0x60  }
0xb1: {  	[dreg:$0x2] =	wrdreg s22  }
0xb2: {  	[dreg:$0x3] =	wrdreg s14  }
0xb3: {  	[dreg:$0x4] =	wrdreg $0x9  }
0xb4: {  	_ =	task.clear_ibuf [dreg:s5], $0x5FFFF;
	_ =	strace $0x9000004C  }
0xb5: {  	s26 =	simm.s32 $0x9;
	_ =	strace $0x8000004E  }
0xb6: {  	_ =	swait.ge [sflag:s26], $0x1  }
0xb7: {  	[sflag:s26] =	ssyncadd.s32 $0xFFFFFFFF  }
0xb8: {  	_ =	strace $0x9000004E  }
0xb9: {  	_ =	sfence  }
0xba: {  	s28 =	sld [smem:$0x0];
	_ =	sdelay $0x1  }
0xbb: {  	s29 =	srdreg.scid  }
0xbc: {  	s30 =	sshll.u32 s29, $0xD;
	s31 =	sshrl.u32 s29, $0x2  }
0xbd: {  	s2 =	sand.u32 $0x4000, s30;
	s1 =	sand.u32 $0x1, s29;
	s0 =	sadd.s32 s31, s28  }
0xbe: {  	s1 =	sor.u32 s2, s1;
	s0 =	sshll.u32 s0, $0x11  }
0xbf: {  	s0 =	sor.u32 s0, s1  }
0xc0: {  	s0 =	sadd.s32 $0x8F2B, s0  }
0xc1: {  	[sflag:s0] =	ssyncadd.remote.s32 $0x1  }
0xc2: {  	_ =	sfence.sel $0xFFFF  }
0xc3: {  	[dreg:$0x0] =	wrdreg $0xFFFFFFFF;
	(pc) =	sbr.abs _section_cstart, $3  }
0xc4: {  	[dreg:$0x1] =	wrdreg $0xFFFFFFFF  }
0xc5: {  	_ =	task.clear_ibuf [dreg:s5], $0x2FFFF;
	_ =	strace $0x9FFFFFFF  }
0xc6: {  	(tm) =	ssettm $0x7FFFFFFF  }
0xc7: {  	_ =	shalt  }
tec
execute0_lowered:
.L_overlay_start_1:
0x0: {  	(tag) =	ssettag $0x1  }
0x1: {  	s0 =	stileid.u32  }
0x2: {  	s1 =	smin.u32 s0, $0x9  }
0x3: {  	s1 =	sadd.s32 s0, s1  }
0x4: {  	s2 =	simm.s32 $0x320;
	p0 =	slt.u32 s0, $0x9;
	s1 =	smul.u32 $0x190, s1  }
0x5: {  	s2 =	simm.s32 @!p0 $0x190  }
0x6: {  	s2 =	sadd.s32 s2, s1  }
0x7: {  	s3 =	smin.u32 s2, $0x2710  }
0x8: {  	s7 =	ssub.s32 s3, s1  }
0x9: {  	p0 =	sgt.s32 s7, $0x0  }
0xa: {  	s7 =	simm.s32 @!p0 $0x0  }
0xb: {  	s31 =	sand.u32 $0xFFF0, s7  }
0xc: {  	s2 =	sshrl.u32 s31, $0x4  }
0xd: {  	s9 =	rddreg [dreg:$0x0];
	s2 =	smul.u32 $0xA3E, s2  }
0xe: {  	s4 =	rddreg [dreg:$0x1];
	s6 =	simm.s32 $0x1  }
0xf: {  	s11 =	simm.s32 $0x3;
	s13 =	simm.s32 $0x0;
	s8 =	sshrl.u32 s2, $0x10  }
0x10: {  	s12 =	simm.s32 $0x0;
	s5 =	sadd.s32 $0xEB7600, s9;
	s10 =	smul.u32 $0x190, s8  }
.Ltmp0:
0x11: {  	s9 =	sadd.s32 $0x7400, s9;
	s2 =	rddreg [dreg:$0x2];
	(pc) =	sbr.rel .LBB2_1-.Ltmp0, $4  }
0x12: {  	_ =	strace $0x8000004D;
	p0 =	sne.s32 s7, s10;
	s10 =	simm.s32 $0x1  }
0x13: {  	[sflag:s6] =	ssyncpa.u1 $0x0;
	s7 =	simm.s32 $0x2;
	s10 =	simm.s32 @!p0 $0x0  }
0x14: {  	[sflag:s7] =	ssyncpa.u1 $0x0;
	p0 =	por $0x0, $0x0;
	s8 =	sadd.s32 s8, s10  }
0x15: {  	vm0 =	vmmov $0xff;
	vm1 =	vcmask $0x3F20;
	[sflag:s11] =	ssyncpa.u1 $0x0;
	s11 =	smov.u32 s1;
	s10 =	sadd.s32 $0x1, s8  }
.LBB2_6:
0x16: {  	[hbm:s17] =	stream.linear.scatter [tilespmem:s14], [sflag:$0x3], $0x400, $0x38;
	[tilespmem:$0x19320] =	vst v63  }
.LBB2_7:
0x17: {  	s13 =	sadd.s32 $0x190, s11  }
0x18: {  	s15 =	smov.u32 s1;
	p2 =	slt.s32 s13, s3  }
0x19: {  	s15 =	smov.u32 @p2 s13;
	p2 =	sne.s32 s12, s10  }
.Ltmp1:
0x1a: {  	p1 =	slt.u32 s12, $0x2;
	(pc) =	sbr.rel @!p2 .LBB2_8-.Ltmp1, $4  }
0x1b: {  	s14 =	simm.s32 @!p1 $0x3  }
0x1c: {  	s16 =	sadd.s32 $0x1, s12;
	_ =	swait.ge @!p1 [sflag:s14], $0xC800  }
0x1d: {  	p0 =	por !p0, !p0;
	s13 =	smov.u32 s11;
	[sflag:s14] =	ssyncset.done @!p1 $0x0  }
0x1e: {  	s12 =	smov.u32 s16;
	s11 =	smov.u32 s15;
	[sflag:s14] =	ssyncadd.s32 @!p1 $0xFFFF3800  }
.LBB2_1:
0x1f: {  	p1 =	sge.u32 s12, s8  }
0x20: {  	s14 =	sxor.u32 @!p1 $0xFFFFFFFF, s12  }
0x21: {  	s14 =	sand.u32 @!p1 $0x1, s14  }
0x22: {  	s14 =	smul.u32 @!p1 $0x640, s14  }
0x23: {  	s31 =	sadd.s32 $0xFFFFFFFF, s12;
	s15 =	sshrl.u32 @!p1 s11, $0x3  }
0x24: {  	s16 =	sand.u32 @!p1 $0x7, s11;
	s15 =	sadd.s32 @!p1 s4, s15;
	s14 =	sshrl.u32 @!p1 s14, $0x2  }
0x25: {  	[tilespmem:s14], [sflag:$0x2] =	stream.linear.gather @!p1 [hbm4b:s15+s16], $0x190, $0x38;
	[tilespmem:$0x19320] =	vst v63  }
0x26: {  	p1 =	sge.u32 s31, s8  }
.Ltmp2:
0x27: {  	_ = 	snop;
	(pc) =	sbr.rel @p1 .LBB2_7-.Ltmp2, $1  }
0x28: {  	_ =	sdelay $0x3  }
0x29: {  	s14 =	simm.s32 $0x1  }
0x2a: {  	s14 =	simm.s32 @!p0 $0x0  }
0x2b: {  	s15 =	smul.u32 $0x640, s14  }
0x2c: {  	_ =	swait.ge [sflag:s7], $0x190  }
0x2d: {  	[sflag:s7] =	ssyncset.done $0x0;
	s16 =	sshrl.u32 s15, $0x2  }
0x2e: {  	[sflag:s7] =	ssyncadd.s32 $0xFFFFFE70;
	s15 =	sadd.s32 $0x0, s16  }
0x2f: {  	v0 =	vld.msk [tilespmem:s15+$0x0 ss:$0x1], $0xffff;
	_ =	sdelay $0x4  }
0x30: {  	vm2 =	vgt.s32 v0, $0x0  }
0x31: {  	v0 =	vnsel vm2, $0x0, v0  }
0x32: {  	v0 =	vmin.u32 v0, $0x4E1FF  }
0x33: {  	v0 =	vshll.u32 v0, $0x4  }
0x34: {  	s14 =	smul.u32 $0x32000, s14;
	_ =	sdelay $0x1  }
0x35: {  	s14 =	sshrl.u32 s14, $0x2  }
0x36: {  	s14 =	sor.u32 $0x320, s14  }
0x37: {  	[tilespmem:s14], [sflag:$0x1] =	stream.indirect_vreg.gather [hbm:s5], $0x80, v0, vm0, $0x38;
	[tilespmem:$0x19320] =	vst v63  }
0x38: {  	s17 =	sadd.s32 $0x10, s16;
	s15 =	sadd.s32 $0x400, s14  }
0x39: {  	[tilespmem:s15], [sflag:$0x1] =	stream.indirect_vreg.gather [hbm:s5], $0x80, v0, vm1, $0x38;
	[tilespmem:$0x19320] =	vst v63  }
0x3a: {  	s18 =	simm.s32 $0x80;
	v0 =	vld.msk [tilespmem:s17+$0x0 ss:$0x1], $0xffff;
	s17 =	smov.u32 s14  }
.LBB2_3:
0x3b: {  	p1 =	sne.s32 s18, $0x600;
	_ =	sdelay $0x4  }
0x3c: {  	vm2 =	vgt.s32 v0, $0x0  }
0x3d: {  	v0 =	vnsel vm2, $0x0, v0  }
0x3e: {  	v0 =	vmin.u32 v0, $0x4E1FF  }
0x3f: {  	v0 =	vshll.u32 v0, $0x4;
	_ =	sdelay $0x3  }
.Ltmp3:
0x40: {  	s19 =	sshra.s32 s18, $0x2;
	s17 =	sadd.s32 $0x800, s17;
	(pc) =	sbr.rel @p1 .LBB2_3-.Ltmp3, $4  }
0x41: {  	[tilespmem:s17], [sflag:$0x1] =	stream.indirect_vreg.gather [hbm:s5], $0x80, v0, vm0, $0x38;
	[tilespmem:$0x19320] =	vst v63  }
0x42: {  	s19 =	sadd.s32 s19, s16;
	s20 =	sadd.s32 $0x400, s17  }
0x43: {  	[tilespmem:s20], [sflag:$0x1] =	stream.indirect_vreg.gather [hbm:s5], $0x80, v0, vm1, $0x38;
	[tilespmem:$0x19320] =	vst v63  }
0x44: {  	s18 =	sadd.s32 $0x40, s18;
	v0 =	vld.msk [tilespmem:s19+$0x0 ss:$0x1], $0xffff  }
0x45: {  	_ =	sdelay $0x3  }
0x46: {  	vm2 =	vgt.s32 v0, $0x0  }
0x47: {  	v0 =	vnsel vm2, $0x0, v0  }
0x48: {  	v0 =	vmin.u32 v0, $0x4E1FF  }
0x49: {  	v0 =	vshll.u32 v0, $0x4;
	_ =	sdelay $0x3  }
0x4a: {  	s16 =	sadd.s32 $0x800, s17  }
0x4b: {  	[tilespmem:s16], [sflag:$0x1] =	stream.indirect_vreg.gather [hbm:s5], $0x80, v0, vm0, $0x38;
	[tilespmem:$0x19320] =	vst v63  }
0x4c: {  	s16 =	sadd.s32 $0x400, s16  }
0x4d: {  	[tilespmem:s16], [sflag:$0x1] =	stream.indirect_vreg.gather [hbm:s5], $0x80, v0, vm1, $0x38;
	[tilespmem:$0x19320] =	vst v63  }
0x4e: {  	s13 =	sshll.u32 s13, $0x4;
	_ =	swait.ge [sflag:s6], $0xC800  }
0x4f: {  	s13 =	sadd.s32 s13, s9;
	[sflag:s6] =	ssyncset.done $0x0  }
0x50: {  	s17 =	sadd.s32 $0x0, s13;
	s16 =	simm.s32 $0x80;
	[sflag:s6] =	ssyncadd.s32 $0xFFFF3800  }
.LBB2_5:
0x51: {  	[hbm:s17] =	stream.linear.scatter [tilespmem:s14], [sflag:$0x3], $0x400, $0x38;
	[tilespmem:$0x19320] =	vst v63  }
0x52: {  	s17 =	smov.u32 s16;
	s14 =	smov.u32 s15;
	p1 =	sne.s32 s16, $0x1880  }
.Ltmp4:
0x53: {  	s16 =	sadd.s32 $0x80, s16;
	(pc) =	sbr.rel @p1 .LBB2_5-.Ltmp4, $2  }
0x54: {  	_ =	sdelay $0x2  }
0x55: {  	s15 =	sadd.s32 $0x400, s15;
	s17 =	sadd.s32 s17, s13  }
.Ltmp5:
0x56: {  	_ = 	snop;
	(pc) =	sbr.rel .LBB2_6-.Ltmp5, $1  }
0x57: {  	_ =	sdelay $0x3  }
.LBB2_8:
0x58: {  	_ =	sfence.sel $0x180000  }
0x59: {  	s1 =	simm.s32 $0x2;
	[bflag:$0x0] =	sbarrier.arrive $0xFFFF  }
0x5a: {  	s30 =	simm.s32 $0x3;
	[sflag:s1] =	ssyncpa.u1 $0x1  }
0x5b: {  	s31 =	simm.s32 $0x1;
	[sflag:s30] =	ssyncpa.u1 $0x1  }
0x5c: {  	[sflag:s31] =	ssyncpa.u1 $0x1  }
0x5d: {  	p0 =	sne.s32 s0, $0x0;
	_ =	strace $0x9000004D  }
0x5e: {  	s0 =	sadd.s32 @!p0 $0x100000, s2;
	[bflag:$0x2] =	sbarrier.arrive $0xFFFF  }
0x5f: {  	[sflag:s0] =	ssyncadd.tile.s32 @!p0 $0x1;
	_ =	shalt  }
.Lfunc_end2:
_tile_overlayer_lowered:
.L_overlay_start_2:
0x60: {  	(tag) =	ssettag $0x2  }
0x61: {  	s0 =	rddreg [dreg:$0x0];
	s2 =	stileid.u32  }
0x62: {  	s1 =	rddreg [dreg:$0x1];
	p0 =	sne.s32 s2, $0x0  }
0x63: {  	s3 =	rddreg [dreg:$0x2];
	[bflag:$0x3] =	sbarrier.arrive $0xFFFF;
	s2 =	simm.s32 @!p0 $0x1C01  }
0x64: {  	[timem:s3], [sflag:s2] =	dma.local @!p0 [hbm:s0], s1  }
0x65: {  	s0 =	simm.s32 @!p0 $0x1  }
0x66: {  	_ =	swait.ge @!p0 [sflag:s0], s1  }
0x67: {  	s1 =	ssub.s32 @!p0 $0x0, s1;
	[sflag:s0] =	ssyncset.done @!p0 $0x0  }
0x68: {  	[sflag:s0] =	ssyncadd.s32 @!p0 s1  }
0x69: {  	[bflag:$0x3] =	sbarrier.arrive $0xFFFF  }
0x6a: {  	_ =	shalt  }

// kernel: gather_offload_async_start.2
scs
__scs_entry_jumppad:
0x0: {  	(pc) =	sbr.rel $0x88, $3  }
0x1: {  	(tag) =	ssettag $0x0;
	lr =	simm.s32 $0x1  }
0x2: {  	[smem:$0x3F79] =	sst lr;
	_ =	strace $0xD0000000  }
0x3: {  	_ = 	snop  }
0x4: {  	_ = 	snop  }
0x5: {  	_ = 	snop  }
0x6: {  	_ = 	snop  }
0x7: {  	_ = 	snop  }
__scs_overlays_trampoline_lowered:
0x8: {  	[smem:$0x3F88] =	sst s0  }
0x9: {  	[smem:$0x3F89] =	sst s1  }
0xa: {  	[smem:$0x3F8A] =	sst s2  }
0xb: {  	[smem:$0x3F8B] =	sst s3  }
0xc: {  	[smem:$0x3F8C] =	sst s4  }
0xd: {  	[smem:$0x3F8D] =	sst s5  }
0xe: {  	[smem:$0x3F8E] =	sst s6  }
0xf: {  	[smem:$0x3F8F] =	sst s7  }
0x10: {  	[smem:$0x3F90] =	sst s8  }
0x11: {  	[smem:$0x3F91] =	sst s9;
	s0 =	simm.s32 @!p0 $0x0  }
0x12: {  	s1 =	sld [smem:$0x3F77];
	s0 =	simm.s32 @p0 $0x1  }
0x13: {  	[smem:$0x3F92] =	sst s0;
	s0 =	simm.s32 @!p1 $0x0  }
0x14: {  	s2 =	sld [smem:$0x3F76];
	s0 =	simm.s32 @p1 $0x1  }
0x15: {  	[smem:$0x3F93] =	sst s0;
	s0 =	simm.s32 @!p2 $0x0  }
0x16: {  	s3 =	sld [smem:$0x3FDB];
	s0 =	simm.s32 @p2 $0x1  }
0x17: {  	s4 =	simm.s32 $0x1BF5;
	[smem:$0x3F95] =	sst s0  }
0x18: {  	s0 =	sld [smem:$0x3F78];
	_ =	swait.ge [sflag:s4], $0x0  }
0x19: {  	s7 =	sld [smem:$0x3F79]  }
0x1a: {  	s8 =	sadd.s32 $0xFFFFE003, lr  }
0x1b: {  	s9 =	sadd.s32 $0xFFFFFEF7, lr;
	s5 =	simm.s32 $0xFFFFFFFF;
	p2 =	slt.u32 s8, $0xFFFFF086  }
0x1c: {  	p1 =	slt.u32 s9, $0xF7A;
	s5 =	simm.s32 @!p2 $0x0  }
0x1d: {  	s5 =	simm.s32 @p1 $0x1;
	p0 =	seq.s32 s7, s2  }
0x1e: {  	s7 =	smul.u32 @!p0 $0xF7A, s2;
	p2 =	seq.s32 @!p0 s5, $0x0  }
0x1f: {  	s9 =	smul.u32 $0xF7A, s1;
	s8 =	simm.s32 @!p0 $0x1BF5;
	p2 =	por !p2, p0  }
0x20: {  	[sflag:s8] =	ssyncset.s32 @!p0 $0xFFFFF086;
	s6 =	sadd.s32 @!p0 s3, s7;
	s7 =	simm.s32 @!p0 $0x108  }
0x21: {  	s3 =	sadd.s32 s3, s9;
	s6 =	sadd.s32 @!p0 $0x88, s6;
	s7 =	simm.s32 @p2 $0x1082  }
0x22: {  	[simem:s7], [sflag:s8] =	dma.local @!p0 [hbm:s6], $0xF7A  }
0x23: {  	s9 =	sor.u32 $0xD0000000, s2;
	s6 =	simm.s32 $0x108;
	_ =	swait.ge @!p0 [sflag:s8], $0x0  }
0x24: {  	s3 =	sadd.s32 $0x88, s3;
	s6 =	simm.s32 @!p1 $0x1082;
	[sflag:s4] =	ssyncset.s32 $0xFFFFF086  }
0x25: {  	[simem:s6], [sflag:s4] =	dma.local [hbm:s3], $0xF7A  }
0x26: {  	[smem:$0x3F79] =	sst s1;
	(tag) =	ssettag s2;
	_ =	strace s9  }
0x27: {  	s1 =	sld [smem:$0x3F89]  }
0x28: {  	s2 =	sld [smem:$0x3F8A]  }
0x29: {  	s4 =	sld [smem:$0x3F8C]  }
0x2a: {  	p0 =	seq.s32 s5, $0x0;
	s5 =	sld [smem:$0x3F8D]  }
0x2b: {  	s6 =	sld [smem:$0x3F8E]  }
0x2c: {  	s7 =	sld [smem:$0x3F8F]  }
0x2d: {  	s3 =	simm.s32 $0x108;
	s8 =	sld [smem:$0x3F90]  }
0x2e: {  	s3 =	simm.s32 @!p0 $0x1082;
	s9 =	sld [smem:$0x3F91]  }
0x2f: {  	lr =	sadd.s32 s0, s3;
	s0 =	sld [smem:$0x3F88]  }
0x30: {  	s3 =	sld [smem:$0x3F8B]  }
0x31: {  	[smem:$0x3F94] =	sst s10  }
0x32: {  	s10 =	sld [smem:$0x3F92];
	_ =	sdelay $0x3  }
0x33: {  	p0 =	seq.s32 s10, $0x1;
	s10 =	sld [smem:$0x3F94];
	_ =	sdelay $0x3  }
0x34: {  	[smem:$0x3F94] =	sst s10  }
0x35: {  	s10 =	sld [smem:$0x3F93];
	_ =	sdelay $0x3  }
0x36: {  	p1 =	seq.s32 s10, $0x1;
	s10 =	sld [smem:$0x3F94];
	_ =	sdelay $0x3  }
0x37: {  	[smem:$0x3F94] =	sst s10  }
0x38: {  	s10 =	sld [smem:$0x3F95]  }
0x39: {  	_ = 	snop;
	(pc) =	sbr.ind lr, $3  }
0x3a: {  	_ = 	snop  }
0x3b: {  	_ = 	snop  }
0x3c: {  	p2 =	seq.s32 s10, $0x1;
	s10 =	sld [smem:$0x3F94]  }
0x3d: {  	_ =	shalt  }
0x3e: {  	_ =	shalt  }
0x3f: {  	_ =	shalt  }
0x40: {  	_ =	shalt  }
0x41: {  	_ =	shalt  }
0x42: {  	_ =	shalt  }
0x43: {  	_ =	shalt  }
0x44: {  	_ =	shalt  }
0x45: {  	_ =	shalt  }
0x46: {  	_ =	shalt  }
0x47: {  	_ =	shalt  }
0x48: {  	_ =	shalt  }
0x49: {  	_ =	shalt  }
0x4a: {  	_ =	shalt  }
0x4b: {  	_ =	shalt  }
0x4c: {  	_ =	shalt  }
0x4d: {  	_ =	shalt  }
0x4e: {  	_ =	shalt  }
0x4f: {  	_ =	shalt  }
0x50: {  	_ =	shalt  }
0x51: {  	_ =	shalt  }
0x52: {  	_ =	shalt  }
0x53: {  	_ =	shalt  }
0x54: {  	_ =	shalt  }
0x55: {  	_ =	shalt  }
0x56: {  	_ =	shalt  }
0x57: {  	_ =	shalt  }
0x58: {  	_ =	shalt  }
0x59: {  	_ =	shalt  }
0x5a: {  	_ =	shalt  }
0x5b: {  	_ =	shalt  }
0x5c: {  	_ =	shalt  }
0x5d: {  	_ =	shalt  }
0x5e: {  	_ =	shalt  }
0x5f: {  	_ =	shalt  }
0x60: {  	_ =	shalt  }
0x61: {  	_ =	shalt  }
0x62: {  	_ =	shalt  }
0x63: {  	_ =	shalt  }
0x64: {  	_ =	shalt  }
0x65: {  	_ =	shalt  }
0x66: {  	_ =	shalt  }
0x67: {  	_ =	shalt  }
0x68: {  	_ =	shalt  }
0x69: {  	_ =	shalt  }
0x6a: {  	_ =	shalt  }
0x6b: {  	_ =	shalt  }
0x6c: {  	_ =	shalt  }
0x6d: {  	_ =	shalt  }
0x6e: {  	_ =	shalt  }
0x6f: {  	_ =	shalt  }
0x70: {  	_ =	shalt  }
0x71: {  	_ =	shalt  }
0x72: {  	_ =	shalt  }
0x73: {  	_ =	shalt  }
0x74: {  	_ =	shalt  }
0x75: {  	_ =	shalt  }
0x76: {  	_ =	shalt  }
0x77: {  	_ =	shalt  }
0x78: {  	_ =	shalt  }
0x79: {  	_ =	shalt  }
0x7a: {  	_ =	shalt  }
0x7b: {  	_ =	shalt  }
0x7c: {  	_ =	shalt  }
0x7d: {  	_ =	shalt  }
0x7e: {  	_ =	shalt  }
0x7f: {  	_ =	shalt  }
0x80: {  	_ =	shalt  }
0x81: {  	_ =	shalt  }
0x82: {  	_ =	shalt  }
0x83: {  	_ =	shalt  }
0x84: {  	_ =	shalt  }
0x85: {  	_ =	shalt  }
0x86: {  	_ =	shalt  }
0x87: {  	_ =	shalt  }
.Lfunc_end0:
.L_simem_size_0:
called_computation.2_lowered:
.L_overlay_start_0:
0x88: {  	s0 =	sld [smem:$0x3FD9]  }
0x89: {  	s1 =	sld [smem:$0x3FFE];
	_ =	sdelay $0x3  }
0x8a: {  	s0 =	sadd.s32 s1, s0  }
0x8b: {  	[smem:$0x3FA0] =	sst s0  }
0x8c: {  	_ = 	snop  }
0x8d: {  	s0 =	sld [smem:$0x3FD0];
	_ =	sdelay $0x2  }
0x8e: {  	s13 =	simm.s32 $0xC;
	s2 =	simm.s32 $0x10  }
0x8f: {  	[smem:s2], [sflag:s13] =	dma.local [hbm:s0], $0x1  }
0x90: {  	_ =	swait.eq [sflag:s13], $0x1  }
0x91: {  	[sflag:s13] =	ssyncset.done $0x0  }
0x92: {  	[sflag:s13] =	ssyncadd.s32 $0xFFFFFFFF  }
0x93: {  	s14 =	sld [smem:$0x11];
	(tm) =	ssettm $0x1  }
0x94: {  	s15 =	sld [smem:$0x3FFB];
	_ =	sdelay $0x3  }
0x95: {  	_ =	strace s15  }
0x96: {  	s1 =	sld [smem:$0x3FFC];
	_ =	sdelay $0x3  }
0x97: {  	_ =	strace s1  }
0x98: {  	s1 =	sld [smem:$0x3FFD];
	_ =	sdelay $0x3  }
0x99: {  	_ =	strace s1  }
0x9a: {  	_ =	strace $0x8FFFFFFF  }
0x9b: {  	s16 =	sld [smem:$0x3FDB];
	_ =	sdelay $0x1  }
0x9c: {  	s17 =	simm.s32 $_scs_section_size  }
0x9d: {  	s3 =	simm.s32 $_size__tile_overlayer_lowered;
	s4 =	simm.s32 $_tile_overlayer_lowered  }
0x9e: {  	s20 =	simm.s32 $0x1BFF;
	s19 =	sshll.u32 s4, $0x1;
	s1 =	sadd.s32 s17, s16  }
0x9f: {  	s5 =	simm.s32 $0x0;
	s18 =	sshll.u32 s3, $0x1;
	s3 =	sadd.s32 s19, s1  }
0xa0: {  	[timem:s5], [sflag:s20] =	dma.local [hbm:s3], s18  }
0xa1: {  	_ =	swait.ge [sflag:s20], s18  }
0xa2: {  	s2 =	ssub.s32 $0x0, s18;
	[sflag:s20] =	ssyncset.done $0x0  }
0xa3: {  	[sflag:s20] =	ssyncadd.s32 s2;
	_ =	sdelay $0x1  }
0xa4: {  	s21 =	simm.s32 $0x1B8B  }
0xa5: {  	_ =	swait.ge [sflag:s21], $0x1  }
0xa6: {  	[sflag:s21] =	ssyncset.done $0x0  }
0xa7: {  	s23 =	simm.s32 $0x1B8E;
	s22 =	sld [smem:$0x3FFE];
	[sflag:s21] =	ssyncadd.s32 $0xFFFFFFFF  }
0xa8: {  	s24 =	simm.s32 $execute0_lowered;
	[smem:$0x3FD2] =	sst s23  }
0xa9: {  	s3 =	sshll.u32 s24, $0x1;
	_ =	strace $0x80000049;
	[dreg:$0x1] =	wrdreg $0xFFFFFFFF  }
0xaa: {  	s25 =	simm.s32 $_size_execute0_lowered;
	s1 =	sadd.s32 s1, s3;
	[dreg:$0x0] =	wrdreg $0x0  }
0xab: {  	s3 =	sshll.u32 s25, $0x1;
	[dreg:$0x2] =	wrdreg s1  }
0xac: {  	[dreg:$0x3] =	wrdreg s3  }
0xad: {  	[dreg:$0x4] =	wrdreg $0xC0  }
0xae: {  	_ =	task [dreg:s5], $0x5FFFF  }
0xaf: {  	[dreg:$0x1] =	wrdreg $0xFFFFFFFF  }
0xb0: {  	[dreg:$0x0] =	wrdreg $0x60  }
0xb1: {  	[dreg:$0x2] =	wrdreg s22  }
0xb2: {  	[dreg:$0x3] =	wrdreg s14  }
0xb3: {  	[dreg:$0x4] =	wrdreg $0xA  }
0xb4: {  	_ =	task.clear_ibuf [dreg:s5], $0x5FFFF;
	_ =	strace $0x90000049  }
0xb5: {  	s26 =	simm.s32 $0xA;
	_ =	strace $0x8000004B  }
0xb6: {  	_ =	swait.ge [sflag:s26], $0x1  }
0xb7: {  	[sflag:s26] =	ssyncadd.s32 $0xFFFFFFFF  }
0xb8: {  	_ =	strace $0x9000004B  }
0xb9: {  	_ =	sfence  }
0xba: {  	s28 =	sld [smem:$0x0];
	_ =	sdelay $0x1  }
0xbb: {  	s29 =	srdreg.scid  }
0xbc: {  	s30 =	sshll.u32 s29, $0xD;
	s31 =	sshrl.u32 s29, $0x2  }
0xbd: {  	s2 =	sand.u32 $0x4000, s30;
	s1 =	sand.u32 $0x1, s29;
	s0 =	sadd.s32 s31, s28  }
0xbe: {  	s1 =	sor.u32 s2, s1;
	s0 =	sshll.u32 s0, $0x11  }
0xbf: {  	s0 =	sor.u32 s0, s1  }
0xc0: {  	s0 =	sadd.s32 $0x8F2B, s0  }
0xc1: {  	[sflag:s0] =	ssyncadd.remote.s32 $0x1  }
0xc2: {  	_ =	sfence.sel $0xFFFF  }
0xc3: {  	[dreg:$0x0] =	wrdreg $0xFFFFFFFF;
	(pc) =	sbr.abs _section_cstart, $3  }
0xc4: {  	[dreg:$0x1] =	wrdreg $0xFFFFFFFF  }
0xc5: {  	_ =	task.clear_ibuf [dreg:s5], $0x2FFFF;
	_ =	strace $0x9FFFFFFF  }
0xc6: {  	(tm) =	ssettm $0x7FFFFFFF  }
0xc7: {  	_ =	shalt  }
tec
execute0_lowered:
.L_overlay_start_1:
0x0: {  	(tag) =	ssettag $0x1  }
0x1: {  	s0 =	stileid.u32  }
0x2: {  	s1 =	smin.u32 s0, $0x9  }
0x3: {  	s1 =	sadd.s32 s0, s1  }
0x4: {  	s2 =	simm.s32 $0x320;
	p0 =	slt.u32 s0, $0x9;
	s1 =	smul.u32 $0x190, s1  }
0x5: {  	s2 =	simm.s32 @!p0 $0x190  }
0x6: {  	s2 =	sadd.s32 s2, s1  }
0x7: {  	s3 =	smin.u32 s2, $0x2710  }
0x8: {  	s7 =	ssub.s32 s3, s1  }
0x9: {  	p0 =	sgt.s32 s7, $0x0  }
0xa: {  	s7 =	simm.s32 @!p0 $0x0  }
0xb: {  	s31 =	sand.u32 $0xFFF0, s7  }
0xc: {  	s2 =	sshrl.u32 s31, $0x4  }
0xd: {  	s9 =	rddreg [dreg:$0x0];
	s2 =	smul.u32 $0xA3E, s2  }
0xe: {  	s4 =	rddreg [dreg:$0x1];
	s6 =	simm.s32 $0x1  }
0xf: {  	s11 =	simm.s32 $0x3;
	s13 =	simm.s32 $0x0;
	s8 =	sshrl.u32 s2, $0x10  }
0x10: {  	s12 =	simm.s32 $0x0;
	s5 =	sadd.s32 $0x9D5600, s9;
	s10 =	smul.u32 $0x190, s8  }
.Ltmp0:
0x11: {  	s9 =	sadd.s32 $0x171000, s9;
	s2 =	rddreg [dreg:$0x2];
	(pc) =	sbr.rel .LBB2_1-.Ltmp0, $4  }
0x12: {  	_ =	strace $0x8000004A;
	p0 =	sne.s32 s7, s10;
	s10 =	simm.s32 $0x1  }
0x13: {  	[sflag:s6] =	ssyncpa.u1 $0x0;
	s7 =	simm.s32 $0x2;
	s10 =	simm.s32 @!p0 $0x0  }
0x14: {  	[sflag:s7] =	ssyncpa.u1 $0x0;
	p0 =	por $0x0, $0x0;
	s8 =	sadd.s32 s8, s10  }
0x15: {  	vm0 =	vmmov $0xff;
	vm1 =	vcmask $0x3F20;
	[sflag:s11] =	ssyncpa.u1 $0x0;
	s11 =	smov.u32 s1;
	s10 =	sadd.s32 $0x1, s8  }
.LBB2_6:
0x16: {  	[hbm:s17] =	stream.linear.scatter [tilespmem:s14], [sflag:$0x3], $0x400, $0x38;
	[tilespmem:$0x19320] =	vst v63  }
.LBB2_7:
0x17: {  	s13 =	sadd.s32 $0x190, s11  }
0x18: {  	s15 =	smov.u32 s1;
	p2 =	slt.s32 s13, s3  }
0x19: {  	s15 =	smov.u32 @p2 s13;
	p2 =	sne.s32 s12, s10  }
.Ltmp1:
0x1a: {  	p1 =	slt.u32 s12, $0x2;
	(pc) =	sbr.rel @!p2 .LBB2_8-.Ltmp1, $4  }
0x1b: {  	s14 =	simm.s32 @!p1 $0x3  }
0x1c: {  	s16 =	sadd.s32 $0x1, s12;
	_ =	swait.ge @!p1 [sflag:s14], $0xC800  }
0x1d: {  	p0 =	por !p0, !p0;
	s13 =	smov.u32 s11;
	[sflag:s14] =	ssyncset.done @!p1 $0x0  }
0x1e: {  	s12 =	smov.u32 s16;
	s11 =	smov.u32 s15;
	[sflag:s14] =	ssyncadd.s32 @!p1 $0xFFFF3800  }
.LBB2_1:
0x1f: {  	p1 =	sge.u32 s12, s8  }
0x20: {  	s14 =	sxor.u32 @!p1 $0xFFFFFFFF, s12  }
0x21: {  	s14 =	sand.u32 @!p1 $0x1, s14  }
0x22: {  	s14 =	smul.u32 @!p1 $0x640, s14  }
0x23: {  	s31 =	sadd.s32 $0xFFFFFFFF, s12;
	s15 =	sshrl.u32 @!p1 s11, $0x3  }
0x24: {  	s16 =	sand.u32 @!p1 $0x7, s11;
	s15 =	sadd.s32 @!p1 s4, s15;
	s14 =	sshrl.u32 @!p1 s14, $0x2  }
0x25: {  	[tilespmem:s14], [sflag:$0x2] =	stream.linear.gather @!p1 [hbm4b:s15+s16], $0x190, $0x38;
	[tilespmem:$0x19320] =	vst v63  }
0x26: {  	p1 =	sge.u32 s31, s8  }
.Ltmp2:
0x27: {  	_ = 	snop;
	(pc) =	sbr.rel @p1 .LBB2_7-.Ltmp2, $1  }
0x28: {  	_ =	sdelay $0x3  }
0x29: {  	s14 =	simm.s32 $0x1  }
0x2a: {  	s14 =	simm.s32 @!p0 $0x0  }
0x2b: {  	s15 =	smul.u32 $0x640, s14  }
0x2c: {  	_ =	swait.ge [sflag:s7], $0x190  }
0x2d: {  	[sflag:s7] =	ssyncset.done $0x0;
	s16 =	sshrl.u32 s15, $0x2  }
0x2e: {  	[sflag:s7] =	ssyncadd.s32 $0xFFFFFE70;
	s15 =	sadd.s32 $0x0, s16  }
0x2f: {  	v0 =	vld.msk [tilespmem:s15+$0x0 ss:$0x1], $0xffff;
	_ =	sdelay $0x4  }
0x30: {  	vm2 =	vgt.s32 v0, $0x0  }
0x31: {  	v0 =	vnsel vm2, $0x0, v0  }
0x32: {  	v0 =	vmin.u32 v0, $0x4E1FF  }
0x33: {  	v0 =	vshll.u32 v0, $0x4  }
0x34: {  	s14 =	smul.u32 $0x32000, s14;
	_ =	sdelay $0x1  }
0x35: {  	s14 =	sshrl.u32 s14, $0x2  }
0x36: {  	s14 =	sor.u32 $0x320, s14  }
0x37: {  	[tilespmem:s14], [sflag:$0x1] =	stream.indirect_vreg.gather [hbm:s5], $0x80, v0, vm0, $0x38;
	[tilespmem:$0x19320] =	vst v63  }
0x38: {  	s17 =	sadd.s32 $0x10, s16;
	s15 =	sadd.s32 $0x400, s14  }
0x39: {  	[tilespmem:s15], [sflag:$0x1] =	stream.indirect_vreg.gather [hbm:s5], $0x80, v0, vm1, $0x38;
	[tilespmem:$0x19320] =	vst v63  }
0x3a: {  	s18 =	simm.s32 $0x80;
	v0 =	vld.msk [tilespmem:s17+$0x0 ss:$0x1], $0xffff;
	s17 =	smov.u32 s14  }
.LBB2_3:
0x3b: {  	p1 =	sne.s32 s18, $0x600;
	_ =	sdelay $0x4  }
0x3c: {  	vm2 =	vgt.s32 v0, $0x0  }
0x3d: {  	v0 =	vnsel vm2, $0x0, v0  }
0x3e: {  	v0 =	vmin.u32 v0, $0x4E1FF  }
0x3f: {  	v0 =	vshll.u32 v0, $0x4;
	_ =	sdelay $0x3  }
.Ltmp3:
0x40: {  	s19 =	sshra.s32 s18, $0x2;
	s17 =	sadd.s32 $0x800, s17;
	(pc) =	sbr.rel @p1 .LBB2_3-.Ltmp3, $4  }
0x41: {  	[tilespmem:s17], [sflag:$0x1] =	stream.indirect_vreg.gather [hbm:s5], $0x80, v0, vm0, $0x38;
	[tilespmem:$0x19320] =	vst v63  }
0x42: {  	s19 =	sadd.s32 s19, s16;
	s20 =	sadd.s32 $0x400, s17  }
0x43: {  	[tilespmem:s20], [sflag:$0x1] =	stream.indirect_vreg.gather [hbm:s5], $0x80, v0, vm1, $0x38;
	[tilespmem:$0x19320] =	vst v63  }
0x44: {  	s18 =	sadd.s32 $0x40, s18;
	v0 =	vld.msk [tilespmem:s19+$0x0 ss:$0x1], $0xffff  }
0x45: {  	_ =	sdelay $0x3  }
0x46: {  	vm2 =	vgt.s32 v0, $0x0  }
0x47: {  	v0 =	vnsel vm2, $0x0, v0  }
0x48: {  	v0 =	vmin.u32 v0, $0x4E1FF  }
0x49: {  	v0 =	vshll.u32 v0, $0x4;
	_ =	sdelay $0x3  }
0x4a: {  	s16 =	sadd.s32 $0x800, s17  }
0x4b: {  	[tilespmem:s16], [sflag:$0x1] =	stream.indirect_vreg.gather [hbm:s5], $0x80, v0, vm0, $0x38;
	[tilespmem:$0x19320] =	vst v63  }
0x4c: {  	s16 =	sadd.s32 $0x400, s16  }
0x4d: {  	[tilespmem:s16], [sflag:$0x1] =	stream.indirect_vreg.gather [hbm:s5], $0x80, v0, vm1, $0x38;
	[tilespmem:$0x19320] =	vst v63  }
0x4e: {  	s13 =	sshll.u32 s13, $0x4;
	_ =	swait.ge [sflag:s6], $0xC800  }
0x4f: {  	s13 =	sadd.s32 s13, s9;
	[sflag:s6] =	ssyncset.done $0x0  }
0x50: {  	s17 =	sadd.s32 $0x0, s13;
	s16 =	simm.s32 $0x80;
	[sflag:s6] =	ssyncadd.s32 $0xFFFF3800  }
.LBB2_5:
0x51: {  	[hbm:s17] =	stream.linear.scatter [tilespmem:s14], [sflag:$0x3], $0x400, $0x38;
	[tilespmem:$0x19320] =	vst v63  }
0x52: {  	s17 =	smov.u32 s16;
	s14 =	smov.u32 s15;
	p1 =	sne.s32 s16, $0x1880  }
.Ltmp4:
0x53: {  	s16 =	sadd.s32 $0x80, s16;
	(pc) =	sbr.rel @p1 .LBB2_5-.Ltmp4, $2  }
0x54: {  	_ =	sdelay $0x2  }
0x55: {  	s15 =	sadd.s32 $0x400, s15;
	s17 =	sadd.s32 s17, s13  }
.Ltmp5:
0x56: {  	_ = 	snop;
	(pc) =	sbr.rel .LBB2_6-.Ltmp5, $1  }
0x57: {  	_ =	sdelay $0x3  }
.LBB2_8:
0x58: {  	_ =	sfence.sel $0x180000  }
0x59: {  	s1 =	simm.s32 $0x2;
	[bflag:$0x0] =	sbarrier.arrive $0xFFFF  }
0x5a: {  	s30 =	simm.s32 $0x3;
	[sflag:s1] =	ssyncpa.u1 $0x1  }
0x5b: {  	s31 =	simm.s32 $0x1;
	[sflag:s30] =	ssyncpa.u1 $0x1  }
0x5c: {  	[sflag:s31] =	ssyncpa.u1 $0x1  }
0x5d: {  	p0 =	sne.s32 s0, $0x0;
	_ =	strace $0x9000004A  }
0x5e: {  	s0 =	sadd.s32 @!p0 $0x100000, s2;
	[bflag:$0x2] =	sbarrier.arrive $0xFFFF  }
0x5f: {  	[sflag:s0] =	ssyncadd.tile.s32 @!p0 $0x1;
	_ =	shalt  }
.Lfunc_end2:
_tile_overlayer_lowered:
.L_overlay_start_2:
0x60: {  	(tag) =	ssettag $0x2  }
0x61: {  	s0 =	rddreg [dreg:$0x0];
	s2 =	stileid.u32  }
0x62: {  	s1 =	rddreg [dreg:$0x1];
	p0 =	sne.s32 s2, $0x0  }
0x63: {  	s3 =	rddreg [dreg:$0x2];
	[bflag:$0x3] =	sbarrier.arrive $0xFFFF;
	s2 =	simm.s32 @!p0 $0x1C01  }
0x64: {  	[timem:s3], [sflag:s2] =	dma.local @!p0 [hbm:s0], s1  }
0x65: {  	s0 =	simm.s32 @!p0 $0x1  }
0x66: {  	_ =	swait.ge @!p0 [sflag:s0], s1  }
0x67: {  	s1 =	ssub.s32 @!p0 $0x0, s1;
	[sflag:s0] =	ssyncset.done @!p0 $0x0  }
0x68: {  	[sflag:s0] =	ssyncadd.s32 @!p0 s1  }
0x69: {  	[bflag:$0x3] =	sbarrier.arrive $0xFFFF  }
0x6a: {  	_ =	shalt  }

// kernel: gather_offload_async_start.3
scs
__scs_entry_jumppad:
0x0: {  	(pc) =	sbr.rel $0x88, $3  }
0x1: {  	(tag) =	ssettag $0x0;
	lr =	simm.s32 $0x1  }
0x2: {  	[smem:$0x3F79] =	sst lr;
	_ =	strace $0xD0000000  }
0x3: {  	_ = 	snop  }
0x4: {  	_ = 	snop  }
0x5: {  	_ = 	snop  }
0x6: {  	_ = 	snop  }
0x7: {  	_ = 	snop  }
__scs_overlays_trampoline_lowered:
0x8: {  	[smem:$0x3F88] =	sst s0  }
0x9: {  	[smem:$0x3F89] =	sst s1  }
0xa: {  	[smem:$0x3F8A] =	sst s2  }
0xb: {  	[smem:$0x3F8B] =	sst s3  }
0xc: {  	[smem:$0x3F8C] =	sst s4  }
0xd: {  	[smem:$0x3F8D] =	sst s5  }
0xe: {  	[smem:$0x3F8E] =	sst s6  }
0xf: {  	[smem:$0x3F8F] =	sst s7  }
0x10: {  	[smem:$0x3F90] =	sst s8  }
0x11: {  	[smem:$0x3F91] =	sst s9;
	s0 =	simm.s32 @!p0 $0x0  }
0x12: {  	s1 =	sld [smem:$0x3F77];
	s0 =	simm.s32 @p0 $0x1  }
0x13: {  	[smem:$0x3F92] =	sst s0;
	s0 =	simm.s32 @!p1 $0x0  }
0x14: {  	s2 =	sld [smem:$0x3F76];
	s0 =	simm.s32 @p1 $0x1  }
0x15: {  	[smem:$0x3F93] =	sst s0;
	s0 =	simm.s32 @!p2 $0x0  }
0x16: {  	s3 =	sld [smem:$0x3FDB];
	s0 =	simm.s32 @p2 $0x1  }
0x17: {  	s4 =	simm.s32 $0x1BF5;
	[smem:$0x3F95] =	sst s0  }
0x18: {  	s0 =	sld [smem:$0x3F78];
	_ =	swait.ge [sflag:s4], $0x0  }
0x19: {  	s7 =	sld [smem:$0x3F79]  }
0x1a: {  	s8 =	sadd.s32 $0xFFFFE003, lr  }
0x1b: {  	s9 =	sadd.s32 $0xFFFFFEF7, lr;
	s5 =	simm.s32 $0xFFFFFFFF;
	p2 =	slt.u32 s8, $0xFFFFF086  }
0x1c: {  	p1 =	slt.u32 s9, $0xF7A;
	s5 =	simm.s32 @!p2 $0x0  }
0x1d: {  	s5 =	simm.s32 @p1 $0x1;
	p0 =	seq.s32 s7, s2  }
0x1e: {  	s7 =	smul.u32 @!p0 $0xF7A, s2;
	p2 =	seq.s32 @!p0 s5, $0x0  }
0x1f: {  	s9 =	smul.u32 $0xF7A, s1;
	s8 =	simm.s32 @!p0 $0x1BF5;
	p2 =	por !p2, p0  }
0x20: {  	[sflag:s8] =	ssyncset.s32 @!p0 $0xFFFFF086;
	s6 =	sadd.s32 @!p0 s3, s7;
	s7 =	simm.s32 @!p0 $0x108  }
0x21: {  	s3 =	sadd.s32 s3, s9;
	s6 =	sadd.s32 @!p0 $0x88, s6;
	s7 =	simm.s32 @p2 $0x1082  }
0x22: {  	[simem:s7], [sflag:s8] =	dma.local @!p0 [hbm:s6], $0xF7A  }
0x23: {  	s9 =	sor.u32 $0xD0000000, s2;
	s6 =	simm.s32 $0x108;
	_ =	swait.ge @!p0 [sflag:s8], $0x0  }
0x24: {  	s3 =	sadd.s32 $0x88, s3;
	s6 =	simm.s32 @!p1 $0x1082;
	[sflag:s4] =	ssyncset.s32 $0xFFFFF086  }
0x25: {  	[simem:s6], [sflag:s4] =	dma.local [hbm:s3], $0xF7A  }
0x26: {  	[smem:$0x3F79] =	sst s1;
	(tag) =	ssettag s2;
	_ =	strace s9  }
0x27: {  	s1 =	sld [smem:$0x3F89]  }
0x28: {  	s2 =	sld [smem:$0x3F8A]  }
0x29: {  	s4 =	sld [smem:$0x3F8C]  }
0x2a: {  	p0 =	seq.s32 s5, $0x0;
	s5 =	sld [smem:$0x3F8D]  }
0x2b: {  	s6 =	sld [smem:$0x3F8E]  }
0x2c: {  	s7 =	sld [smem:$0x3F8F]  }
0x2d: {  	s3 =	simm.s32 $0x108;
	s8 =	sld [smem:$0x3F90]  }
0x2e: {  	s3 =	simm.s32 @!p0 $0x1082;
	s9 =	sld [smem:$0x3F91]  }
0x2f: {  	lr =	sadd.s32 s0, s3;
	s0 =	sld [smem:$0x3F88]  }
0x30: {  	s3 =	sld [smem:$0x3F8B]  }
0x31: {  	[smem:$0x3F94] =	sst s10  }
0x32: {  	s10 =	sld [smem:$0x3F92];
	_ =	sdelay $0x3  }
0x33: {  	p0 =	seq.s32 s10, $0x1;
	s10 =	sld [smem:$0x3F94];
	_ =	sdelay $0x3  }
0x34: {  	[smem:$0x3F94] =	sst s10  }
0x35: {  	s10 =	sld [smem:$0x3F93];
	_ =	sdelay $0x3  }
0x36: {  	p1 =	seq.s32 s10, $0x1;
	s10 =	sld [smem:$0x3F94];
	_ =	sdelay $0x3  }
0x37: {  	[smem:$0x3F94] =	sst s10  }
0x38: {  	s10 =	sld [smem:$0x3F95]  }
0x39: {  	_ = 	snop;
	(pc) =	sbr.ind lr, $3  }
0x3a: {  	_ = 	snop  }
0x3b: {  	_ = 	snop  }
0x3c: {  	p2 =	seq.s32 s10, $0x1;
	s10 =	sld [smem:$0x3F94]  }
0x3d: {  	_ =	shalt  }
0x3e: {  	_ =	shalt  }
0x3f: {  	_ =	shalt  }
0x40: {  	_ =	shalt  }
0x41: {  	_ =	shalt  }
0x42: {  	_ =	shalt  }
0x43: {  	_ =	shalt  }
0x44: {  	_ =	shalt  }
0x45: {  	_ =	shalt  }
0x46: {  	_ =	shalt  }
0x47: {  	_ =	shalt  }
0x48: {  	_ =	shalt  }
0x49: {  	_ =	shalt  }
0x4a: {  	_ =	shalt  }
0x4b: {  	_ =	shalt  }
0x4c: {  	_ =	shalt  }
0x4d: {  	_ =	shalt  }
0x4e: {  	_ =	shalt  }
0x4f: {  	_ =	shalt  }
0x50: {  	_ =	shalt  }
0x51: {  	_ =	shalt  }
0x52: {  	_ =	shalt  }
0x53: {  	_ =	shalt  }
0x54: {  	_ =	shalt  }
0x55: {  	_ =	shalt  }
0x56: {  	_ =	shalt  }
0x57: {  	_ =	shalt  }
0x58: {  	_ =	shalt  }
0x59: {  	_ =	shalt  }
0x5a: {  	_ =	shalt  }
0x5b: {  	_ =	shalt  }
0x5c: {  	_ =	shalt  }
0x5d: {  	_ =	shalt  }
0x5e: {  	_ =	shalt  }
0x5f: {  	_ =	shalt  }
0x60: {  	_ =	shalt  }
0x61: {  	_ =	shalt  }
0x62: {  	_ =	shalt  }
0x63: {  	_ =	shalt  }
0x64: {  	_ =	shalt  }
0x65: {  	_ =	shalt  }
0x66: {  	_ =	shalt  }
0x67: {  	_ =	shalt  }
0x68: {  	_ =	shalt  }
0x69: {  	_ =	shalt  }
0x6a: {  	_ =	shalt  }
0x6b: {  	_ =	shalt  }
0x6c: {  	_ =	shalt  }
0x6d: {  	_ =	shalt  }
0x6e: {  	_ =	shalt  }
0x6f: {  	_ =	shalt  }
0x70: {  	_ =	shalt  }
0x71: {  	_ =	shalt  }
0x72: {  	_ =	shalt  }
0x73: {  	_ =	shalt  }
0x74: {  	_ =	shalt  }
0x75: {  	_ =	shalt  }
0x76: {  	_ =	shalt  }
0x77: {  	_ =	shalt  }
0x78: {  	_ =	shalt  }
0x79: {  	_ =	shalt  }
0x7a: {  	_ =	shalt  }
0x7b: {  	_ =	shalt  }
0x7c: {  	_ =	shalt  }
0x7d: {  	_ =	shalt  }
0x7e: {  	_ =	shalt  }
0x7f: {  	_ =	shalt  }
0x80: {  	_ =	shalt  }
0x81: {  	_ =	shalt  }
0x82: {  	_ =	shalt  }
0x83: {  	_ =	shalt  }
0x84: {  	_ =	shalt  }
0x85: {  	_ =	shalt  }
0x86: {  	_ =	shalt  }
0x87: {  	_ =	shalt  }
.Lfunc_end0:
.L_simem_size_0:
called_computation.3_lowered:
.L_overlay_start_0:
0x88: {  	s0 =	sld [smem:$0x3FD9]  }
0x89: {  	s1 =	sld [smem:$0x3FFE];
	_ =	sdelay $0x3  }
0x8a: {  	s0 =	sadd.s32 s1, s0  }
0x8b: {  	[smem:$0x3FA0] =	sst s0  }
0x8c: {  	_ = 	snop  }
0x8d: {  	s0 =	sld [smem:$0x3FD0];
	_ =	sdelay $0x2  }
0x8e: {  	s13 =	simm.s32 $0xC;
	s2 =	simm.s32 $0x10  }
0x8f: {  	[smem:s2], [sflag:s13] =	dma.local [hbm:s0], $0x1  }
0x90: {  	_ =	swait.eq [sflag:s13], $0x1  }
0x91: {  	[sflag:s13] =	ssyncset.done $0x0  }
0x92: {  	[sflag:s13] =	ssyncadd.s32 $0xFFFFFFFF  }
0x93: {  	s14 =	sld [smem:$0x11];
	(tm) =	ssettm $0x1  }
0x94: {  	s15 =	sld [smem:$0x3FFB];
	_ =	sdelay $0x3  }
0x95: {  	_ =	strace s15  }
0x96: {  	s1 =	sld [smem:$0x3FFC];
	_ =	sdelay $0x3  }
0x97: {  	_ =	strace s1  }
0x98: {  	s1 =	sld [smem:$0x3FFD];
	_ =	sdelay $0x3  }
0x99: {  	_ =	strace s1  }
0x9a: {  	_ =	strace $0x8FFFFFFF  }
0x9b: {  	s16 =	sld [smem:$0x3FDB];
	_ =	sdelay $0x1  }
0x9c: {  	s17 =	simm.s32 $_scs_section_size  }
0x9d: {  	s3 =	simm.s32 $_size__tile_overlayer_lowered;
	s4 =	simm.s32 $_tile_overlayer_lowered  }
0x9e: {  	s20 =	simm.s32 $0x1BFF;
	s19 =	sshll.u32 s4, $0x1;
	s1 =	sadd.s32 s17, s16  }
0x9f: {  	s5 =	simm.s32 $0x0;
	s18 =	sshll.u32 s3, $0x1;
	s3 =	sadd.s32 s19, s1  }
0xa0: {  	[timem:s5], [sflag:s20] =	dma.local [hbm:s3], s18  }
0xa1: {  	_ =	swait.ge [sflag:s20], s18  }
0xa2: {  	s2 =	ssub.s32 $0x0, s18;
	[sflag:s20] =	ssyncset.done $0x0  }
0xa3: {  	[sflag:s20] =	ssyncadd.s32 s2;
	_ =	sdelay $0x1  }
0xa4: {  	s21 =	simm.s32 $0x1B8B  }
0xa5: {  	_ =	swait.ge [sflag:s21], $0x1  }
0xa6: {  	[sflag:s21] =	ssyncset.done $0x0  }
0xa7: {  	s23 =	simm.s32 $0x1B8E;
	s22 =	sld [smem:$0x3FFE];
	[sflag:s21] =	ssyncadd.s32 $0xFFFFFFFF  }
0xa8: {  	s24 =	simm.s32 $execute0_lowered;
	[smem:$0x3FD2] =	sst s23  }
0xa9: {  	s3 =	sshll.u32 s24, $0x1;
	_ =	strace $0x80000046;
	[dreg:$0x1] =	wrdreg $0xFFFFFFFF  }
0xaa: {  	s25 =	simm.s32 $_size_execute0_lowered;
	s1 =	sadd.s32 s1, s3;
	[dreg:$0x0] =	wrdreg $0x0  }
0xab: {  	s3 =	sshll.u32 s25, $0x1;
	[dreg:$0x2] =	wrdreg s1  }
0xac: {  	[dreg:$0x3] =	wrdreg s3  }
0xad: {  	[dreg:$0x4] =	wrdreg $0xC0  }
0xae: {  	_ =	task [dreg:s5], $0x5FFFF  }
0xaf: {  	[dreg:$0x1] =	wrdreg $0xFFFFFFFF  }
0xb0: {  	[dreg:$0x0] =	wrdreg $0x60  }
0xb1: {  	[dreg:$0x2] =	wrdreg s22  }
0xb2: {  	[dreg:$0x3] =	wrdreg s14  }
0xb3: {  	[dreg:$0x4] =	wrdreg $0xB  }
0xb4: {  	_ =	task.clear_ibuf [dreg:s5], $0x5FFFF;
	_ =	strace $0x90000046  }
0xb5: {  	s26 =	simm.s32 $0xB;
	_ =	strace $0x80000048  }
0xb6: {  	_ =	swait.ge [sflag:s26], $0x1  }
0xb7: {  	[sflag:s26] =	ssyncadd.s32 $0xFFFFFFFF  }
0xb8: {  	_ =	strace $0x90000048  }
0xb9: {  	_ =	sfence  }
0xba: {  	s28 =	sld [smem:$0x0];
	_ =	sdelay $0x1  }
0xbb: {  	s29 =	srdreg.scid  }
0xbc: {  	s30 =	sshll.u32 s29, $0xD;
	s31 =	sshrl.u32 s29, $0x2  }
0xbd: {  	s2 =	sand.u32 $0x4000, s30;
	s1 =	sand.u32 $0x1, s29;
	s0 =	sadd.s32 s31, s28  }
0xbe: {  	s1 =	sor.u32 s2, s1;
	s0 =	sshll.u32 s0, $0x11  }
0xbf: {  	s0 =	sor.u32 s0, s1  }
0xc0: {  	s0 =	sadd.s32 $0x8F2B, s0  }
0xc1: {  	[sflag:s0] =	ssyncadd.remote.s32 $0x1  }
0xc2: {  	_ =	sfence.sel $0xFFFF  }
0xc3: {  	[dreg:$0x0] =	wrdreg $0xFFFFFFFF;
	(pc) =	sbr.abs _section_cstart, $3  }
0xc4: {  	[dreg:$0x1] =	wrdreg $0xFFFFFFFF  }
0xc5: {  	_ =	task.clear_ibuf [dreg:s5], $0x2FFFF;
	_ =	strace $0x9FFFFFFF  }
0xc6: {  	(tm) =	ssettm $0x7FFFFFFF  }
0xc7: {  	_ =	shalt  }
tec
execute0_lowered:
.L_overlay_start_1:
0x0: {  	(tag) =	ssettag $0x1  }
0x1: {  	s0 =	stileid.u32  }
0x2: {  	s1 =	smin.u32 s0, $0x9  }
0x3: {  	s1 =	sadd.s32 s0, s1  }
0x4: {  	s2 =	simm.s32 $0x320;
	p0 =	slt.u32 s0, $0x9;
	s1 =	smul.u32 $0x190, s1  }
0x5: {  	s2 =	simm.s32 @!p0 $0x190  }
0x6: {  	s2 =	sadd.s32 s2, s1  }
0x7: {  	s3 =	smin.u32 s2, $0x2710  }
0x8: {  	s7 =	ssub.s32 s3, s1  }
0x9: {  	p0 =	sgt.s32 s7, $0x0  }
0xa: {  	s7 =	simm.s32 @!p0 $0x0  }
0xb: {  	s31 =	sand.u32 $0xFFF0, s7  }
0xc: {  	s2 =	sshrl.u32 s31, $0x4  }
0xd: {  	s9 =	rddreg [dreg:$0x0];
	s2 =	smul.u32 $0xA3E, s2  }
0xe: {  	s4 =	rddreg [dreg:$0x1];
	s6 =	simm.s32 $0x1  }
0xf: {  	s11 =	simm.s32 $0x3;
	s13 =	simm.s32 $0x0;
	s8 =	sshrl.u32 s2, $0x10  }
0x10: {  	s12 =	simm.s32 $0x0;
	s5 =	sadd.s32 $0x4F3600, s9;
	s10 =	smul.u32 $0x190, s8  }
.Ltmp0:
0x11: {  	s9 =	sadd.s32 $0x149E00, s9;
	s2 =	rddreg [dreg:$0x2];
	(pc) =	sbr.rel .LBB2_1-.Ltmp0, $4  }
0x12: {  	_ =	strace $0x80000047;
	p0 =	sne.s32 s7, s10;
	s10 =	simm.s32 $0x1  }
0x13: {  	[sflag:s6] =	ssyncpa.u1 $0x0;
	s7 =	simm.s32 $0x2;
	s10 =	simm.s32 @!p0 $0x0  }
0x14: {  	[sflag:s7] =	ssyncpa.u1 $0x0;
	p0 =	por $0x0, $0x0;
	s8 =	sadd.s32 s8, s10  }
0x15: {  	vm0 =	vmmov $0xff;
	vm1 =	vcmask $0x3F20;
	[sflag:s11] =	ssyncpa.u1 $0x0;
	s11 =	smov.u32 s1;
	s10 =	sadd.s32 $0x1, s8  }
.LBB2_6:
0x16: {  	[hbm:s17] =	stream.linear.scatter [tilespmem:s14], [sflag:$0x3], $0x400, $0x38;
	[tilespmem:$0x19320] =	vst v63  }
.LBB2_7:
0x17: {  	s13 =	sadd.s32 $0x190, s11  }
0x18: {  	s15 =	smov.u32 s1;
	p2 =	slt.s32 s13, s3  }
0x19: {  	s15 =	smov.u32 @p2 s13;
	p2 =	sne.s32 s12, s10  }
.Ltmp1:
0x1a: {  	p1 =	slt.u32 s12, $0x2;
	(pc) =	sbr.rel @!p2 .LBB2_8-.Ltmp1, $4  }
0x1b: {  	s14 =	simm.s32 @!p1 $0x3  }
0x1c: {  	s16 =	sadd.s32 $0x1, s12;
	_ =	swait.ge @!p1 [sflag:s14], $0xC800  }
0x1d: {  	p0 =	por !p0, !p0;
	s13 =	smov.u32 s11;
	[sflag:s14] =	ssyncset.done @!p1 $0x0  }
0x1e: {  	s12 =	smov.u32 s16;
	s11 =	smov.u32 s15;
	[sflag:s14] =	ssyncadd.s32 @!p1 $0xFFFF3800  }
.LBB2_1:
0x1f: {  	p1 =	sge.u32 s12, s8  }
0x20: {  	s14 =	sxor.u32 @!p1 $0xFFFFFFFF, s12  }
0x21: {  	s14 =	sand.u32 @!p1 $0x1, s14  }
0x22: {  	s14 =	smul.u32 @!p1 $0x640, s14  }
0x23: {  	s31 =	sadd.s32 $0xFFFFFFFF, s12;
	s15 =	sshrl.u32 @!p1 s11, $0x3  }
0x24: {  	s16 =	sand.u32 @!p1 $0x7, s11;
	s15 =	sadd.s32 @!p1 s4, s15;
	s14 =	sshrl.u32 @!p1 s14, $0x2  }
0x25: {  	[tilespmem:s14], [sflag:$0x2] =	stream.linear.gather @!p1 [hbm4b:s15+s16], $0x190, $0x38;
	[tilespmem:$0x19320] =	vst v63  }
0x26: {  	p1 =	sge.u32 s31, s8  }
.Ltmp2:
0x27: {  	_ = 	snop;
	(pc) =	sbr.rel @p1 .LBB2_7-.Ltmp2, $1  }
0x28: {  	_ =	sdelay $0x3  }
0x29: {  	s14 =	simm.s32 $0x1  }
0x2a: {  	s14 =	simm.s32 @!p0 $0x0  }
0x2b: {  	s15 =	smul.u32 $0x640, s14  }
0x2c: {  	_ =	swait.ge [sflag:s7], $0x190  }
0x2d: {  	[sflag:s7] =	ssyncset.done $0x0;
	s16 =	sshrl.u32 s15, $0x2  }
0x2e: {  	[sflag:s7] =	ssyncadd.s32 $0xFFFFFE70;
	s15 =	sadd.s32 $0x0, s16  }
0x2f: {  	v0 =	vld.msk [tilespmem:s15+$0x0 ss:$0x1], $0xffff;
	_ =	sdelay $0x4  }
0x30: {  	vm2 =	vgt.s32 v0, $0x0  }
0x31: {  	v0 =	vnsel vm2, $0x0, v0  }
0x32: {  	v0 =	vmin.u32 v0, $0x4E1FF  }
0x33: {  	v0 =	vshll.u32 v0, $0x4  }
0x34: {  	s14 =	smul.u32 $0x32000, s14;
	_ =	sdelay $0x1  }
0x35: {  	s14 =	sshrl.u32 s14, $0x2  }
0x36: {  	s14 =	sor.u32 $0x320, s14  }
0x37: {  	[tilespmem:s14], [sflag:$0x1] =	stream.indirect_vreg.gather [hbm:s5], $0x80, v0, vm0, $0x38;
	[tilespmem:$0x19320] =	vst v63  }
0x38: {  	s17 =	sadd.s32 $0x10, s16;
	s15 =	sadd.s32 $0x400, s14  }
0x39: {  	[tilespmem:s15], [sflag:$0x1] =	stream.indirect_vreg.gather [hbm:s5], $0x80, v0, vm1, $0x38;
	[tilespmem:$0x19320] =	vst v63  }
0x3a: {  	s18 =	simm.s32 $0x80;
	v0 =	vld.msk [tilespmem:s17+$0x0 ss:$0x1], $0xffff;
	s17 =	smov.u32 s14  }
.LBB2_3:
0x3b: {  	p1 =	sne.s32 s18, $0x600;
	_ =	sdelay $0x4  }
0x3c: {  	vm2 =	vgt.s32 v0, $0x0  }
0x3d: {  	v0 =	vnsel vm2, $0x0, v0  }
0x3e: {  	v0 =	vmin.u32 v0, $0x4E1FF  }
0x3f: {  	v0 =	vshll.u32 v0, $0x4;
	_ =	sdelay $0x3  }
.Ltmp3:
0x40: {  	s19 =	sshra.s32 s18, $0x2;
	s17 =	sadd.s32 $0x800, s17;
	(pc) =	sbr.rel @p1 .LBB2_3-.Ltmp3, $4  }
0x41: {  	[tilespmem:s17], [sflag:$0x1] =	stream.indirect_vreg.gather [hbm:s5], $0x80, v0, vm0, $0x38;
	[tilespmem:$0x19320] =	vst v63  }
0x42: {  	s19 =	sadd.s32 s19, s16;
	s20 =	sadd.s32 $0x400, s17  }
0x43: {  	[tilespmem:s20], [sflag:$0x1] =	stream.indirect_vreg.gather [hbm:s5], $0x80, v0, vm1, $0x38;
	[tilespmem:$0x19320] =	vst v63  }
0x44: {  	s18 =	sadd.s32 $0x40, s18;
	v0 =	vld.msk [tilespmem:s19+$0x0 ss:$0x1], $0xffff  }
0x45: {  	_ =	sdelay $0x3  }
0x46: {  	vm2 =	vgt.s32 v0, $0x0  }
0x47: {  	v0 =	vnsel vm2, $0x0, v0  }
0x48: {  	v0 =	vmin.u32 v0, $0x4E1FF  }
0x49: {  	v0 =	vshll.u32 v0, $0x4;
	_ =	sdelay $0x3  }
0x4a: {  	s16 =	sadd.s32 $0x800, s17  }
0x4b: {  	[tilespmem:s16], [sflag:$0x1] =	stream.indirect_vreg.gather [hbm:s5], $0x80, v0, vm0, $0x38;
	[tilespmem:$0x19320] =	vst v63  }
0x4c: {  	s16 =	sadd.s32 $0x400, s16  }
0x4d: {  	[tilespmem:s16], [sflag:$0x1] =	stream.indirect_vreg.gather [hbm:s5], $0x80, v0, vm1, $0x38;
	[tilespmem:$0x19320] =	vst v63  }
0x4e: {  	s13 =	sshll.u32 s13, $0x4;
	_ =	swait.ge [sflag:s6], $0xC800  }
0x4f: {  	s13 =	sadd.s32 s13, s9;
	[sflag:s6] =	ssyncset.done $0x0  }
0x50: {  	s17 =	sadd.s32 $0x0, s13;
	s16 =	simm.s32 $0x80;
	[sflag:s6] =	ssyncadd.s32 $0xFFFF3800  }
.LBB2_5:
0x51: {  	[hbm:s17] =	stream.linear.scatter [tilespmem:s14], [sflag:$0x3], $0x400, $0x38;
	[tilespmem:$0x19320] =	vst v63  }
0x52: {  	s17 =	smov.u32 s16;
	s14 =	smov.u32 s15;
	p1 =	sne.s32 s16, $0x1880  }
.Ltmp4:
0x53: {  	s16 =	sadd.s32 $0x80, s16;
	(pc) =	sbr.rel @p1 .LBB2_5-.Ltmp4, $2  }
0x54: {  	_ =	sdelay $0x2  }
0x55: {  	s15 =	sadd.s32 $0x400, s15;
	s17 =	sadd.s32 s17, s13  }
.Ltmp5:
0x56: {  	_ = 	snop;
	(pc) =	sbr.rel .LBB2_6-.Ltmp5, $1  }
0x57: {  	_ =	sdelay $0x3  }
.LBB2_8:
0x58: {  	_ =	sfence.sel $0x180000  }
0x59: {  	s1 =	simm.s32 $0x2;
	[bflag:$0x0] =	sbarrier.arrive $0xFFFF  }
0x5a: {  	s30 =	simm.s32 $0x3;
	[sflag:s1] =	ssyncpa.u1 $0x1  }
0x5b: {  	s31 =	simm.s32 $0x1;
	[sflag:s30] =	ssyncpa.u1 $0x1  }
0x5c: {  	[sflag:s31] =	ssyncpa.u1 $0x1  }
0x5d: {  	p0 =	sne.s32 s0, $0x0;
	_ =	strace $0x90000047  }
0x5e: {  	s0 =	sadd.s32 @!p0 $0x100000, s2;
	[bflag:$0x2] =	sbarrier.arrive $0xFFFF  }
0x5f: {  	[sflag:s0] =	ssyncadd.tile.s32 @!p0 $0x1;
	_ =	shalt  }
.Lfunc_end2:
_tile_overlayer_lowered:
.L_overlay_start_2:
0x60: {  	(tag) =	ssettag $0x2  }
0x61: {  	s0 =	rddreg [dreg:$0x0];
	s2 =	stileid.u32  }
0x62: {  	s1 =	rddreg [dreg:$0x1];
	p0 =	sne.s32 s2, $0x0  }
0x63: {  	s3 =	rddreg [dreg:$0x2];
	[bflag:$0x3] =	sbarrier.arrive $0xFFFF;
	s2 =	simm.s32 @!p0 $0x1C01  }
0x64: {  	[timem:s3], [sflag:s2] =	dma.local @!p0 [hbm:s0], s1  }
0x65: {  	s0 =	simm.s32 @!p0 $0x1  }
0x66: {  	_ =	swait.ge @!p0 [sflag:s0], s1  }
0x67: {  	s1 =	ssub.s32 @!p0 $0x0, s1;
	[sflag:s0] =	ssyncset.done @!p0 $0x0  }
0x68: {  	[sflag:s0] =	ssyncadd.s32 @!p0 s1  }
0x69: {  	[bflag:$0x3] =	sbarrier.arrive $0xFFFF  }
0x6a: {  	_ =	shalt  }

// kernel: gather_offload_async_start
scs
__scs_entry_jumppad:
0x0: {  	(pc) =	sbr.rel $0x88, $3  }
0x1: {  	(tag) =	ssettag $0x0;
	lr =	simm.s32 $0x1  }
0x2: {  	[smem:$0x3F79] =	sst lr;
	_ =	strace $0xD0000000  }
0x3: {  	_ = 	snop  }
0x4: {  	_ = 	snop  }
0x5: {  	_ = 	snop  }
0x6: {  	_ = 	snop  }
0x7: {  	_ = 	snop  }
__scs_overlays_trampoline_lowered:
0x8: {  	[smem:$0x3F88] =	sst s0  }
0x9: {  	[smem:$0x3F89] =	sst s1  }
0xa: {  	[smem:$0x3F8A] =	sst s2  }
0xb: {  	[smem:$0x3F8B] =	sst s3  }
0xc: {  	[smem:$0x3F8C] =	sst s4  }
0xd: {  	[smem:$0x3F8D] =	sst s5  }
0xe: {  	[smem:$0x3F8E] =	sst s6  }
0xf: {  	[smem:$0x3F8F] =	sst s7  }
0x10: {  	[smem:$0x3F90] =	sst s8  }
0x11: {  	[smem:$0x3F91] =	sst s9;
	s0 =	simm.s32 @!p0 $0x0  }
0x12: {  	s1 =	sld [smem:$0x3F77];
	s0 =	simm.s32 @p0 $0x1  }
0x13: {  	[smem:$0x3F92] =	sst s0;
	s0 =	simm.s32 @!p1 $0x0  }
0x14: {  	s2 =	sld [smem:$0x3F76];
	s0 =	simm.s32 @p1 $0x1  }
0x15: {  	[smem:$0x3F93] =	sst s0;
	s0 =	simm.s32 @!p2 $0x0  }
0x16: {  	s3 =	sld [smem:$0x3FDB];
	s0 =	simm.s32 @p2 $0x1  }
0x17: {  	s4 =	simm.s32 $0x1BF5;
	[smem:$0x3F95] =	sst s0  }
0x18: {  	s0 =	sld [smem:$0x3F78];
	_ =	swait.ge [sflag:s4], $0x0  }
0x19: {  	s7 =	sld [smem:$0x3F79]  }
0x1a: {  	s8 =	sadd.s32 $0xFFFFE003, lr  }
0x1b: {  	s9 =	sadd.s32 $0xFFFFFEF7, lr;
	s5 =	simm.s32 $0xFFFFFFFF;
	p2 =	slt.u32 s8, $0xFFFFF086  }
0x1c: {  	p1 =	slt.u32 s9, $0xF7A;
	s5 =	simm.s32 @!p2 $0x0  }
0x1d: {  	s5 =	simm.s32 @p1 $0x1;
	p0 =	seq.s32 s7, s2  }
0x1e: {  	s7 =	smul.u32 @!p0 $0xF7A, s2;
	p2 =	seq.s32 @!p0 s5, $0x0  }
0x1f: {  	s9 =	smul.u32 $0xF7A, s1;
	s8 =	simm.s32 @!p0 $0x1BF5;
	p2 =	por !p2, p0  }
0x20: {  	[sflag:s8] =	ssyncset.s32 @!p0 $0xFFFFF086;
	s6 =	sadd.s32 @!p0 s3, s7;
	s7 =	simm.s32 @!p0 $0x108  }
0x21: {  	s3 =	sadd.s32 s3, s9;
	s6 =	sadd.s32 @!p0 $0x88, s6;
	s7 =	simm.s32 @p2 $0x1082  }
0x22: {  	[simem:s7], [sflag:s8] =	dma.local @!p0 [hbm:s6], $0xF7A  }
0x23: {  	s9 =	sor.u32 $0xD0000000, s2;
	s6 =	simm.s32 $0x108;
	_ =	swait.ge @!p0 [sflag:s8], $0x0  }
0x24: {  	s3 =	sadd.s32 $0x88, s3;
	s6 =	simm.s32 @!p1 $0x1082;
	[sflag:s4] =	ssyncset.s32 $0xFFFFF086  }
0x25: {  	[simem:s6], [sflag:s4] =	dma.local [hbm:s3], $0xF7A  }
0x26: {  	[smem:$0x3F79] =	sst s1;
	(tag) =	ssettag s2;
	_ =	strace s9  }
0x27: {  	s1 =	sld [smem:$0x3F89]  }
0x28: {  	s2 =	sld [smem:$0x3F8A]  }
0x29: {  	s4 =	sld [smem:$0x3F8C]  }
0x2a: {  	p0 =	seq.s32 s5, $0x0;
	s5 =	sld [smem:$0x3F8D]  }
0x2b: {  	s6 =	sld [smem:$0x3F8E]  }
0x2c: {  	s7 =	sld [smem:$0x3F8F]  }
0x2d: {  	s3 =	simm.s32 $0x108;
	s8 =	sld [smem:$0x3F90]  }
0x2e: {  	s3 =	simm.s32 @!p0 $0x1082;
	s9 =	sld [smem:$0x3F91]  }
0x2f: {  	lr =	sadd.s32 s0, s3;
	s0 =	sld [smem:$0x3F88]  }
0x30: {  	s3 =	sld [smem:$0x3F8B]  }
0x31: {  	[smem:$0x3F94] =	sst s10  }
0x32: {  	s10 =	sld [smem:$0x3F92];
	_ =	sdelay $0x3  }
0x33: {  	p0 =	seq.s32 s10, $0x1;
	s10 =	sld [smem:$0x3F94];
	_ =	sdelay $0x3  }
0x34: {  	[smem:$0x3F94] =	sst s10  }
0x35: {  	s10 =	sld [smem:$0x3F93];
	_ =	sdelay $0x3  }
0x36: {  	p1 =	seq.s32 s10, $0x1;
	s10 =	sld [smem:$0x3F94];
	_ =	sdelay $0x3  }
0x37: {  	[smem:$0x3F94] =	sst s10  }
0x38: {  	s10 =	sld [smem:$0x3F95]  }
0x39: {  	_ = 	snop;
	(pc) =	sbr.ind lr, $3  }
0x3a: {  	_ = 	snop  }
0x3b: {  	_ = 	snop  }
0x3c: {  	p2 =	seq.s32 s10, $0x1;
	s10 =	sld [smem:$0x3F94]  }
0x3d: {  	_ =	shalt  }
0x3e: {  	_ =	shalt  }
0x3f: {  	_ =	shalt  }
0x40: {  	_ =	shalt  }
0x41: {  	_ =	shalt  }
0x42: {  	_ =	shalt  }
0x43: {  	_ =	shalt  }
0x44: {  	_ =	shalt  }
0x45: {  	_ =	shalt  }
0x46: {  	_ =	shalt  }
0x47: {  	_ =	shalt  }
0x48: {  	_ =	shalt  }
0x49: {  	_ =	shalt  }
0x4a: {  	_ =	shalt  }
0x4b: {  	_ =	shalt  }
0x4c: {  	_ =	shalt  }
0x4d: {  	_ =	shalt  }
0x4e: {  	_ =	shalt  }
0x4f: {  	_ =	shalt  }
0x50: {  	_ =	shalt  }
0x51: {  	_ =	shalt  }
0x52: {  	_ =	shalt  }
0x53: {  	_ =	shalt  }
0x54: {  	_ =	shalt  }
0x55: {  	_ =	shalt  }
0x56: {  	_ =	shalt  }
0x57: {  	_ =	shalt  }
0x58: {  	_ =	shalt  }
0x59: {  	_ =	shalt  }
0x5a: {  	_ =	shalt  }
0x5b: {  	_ =	shalt  }
0x5c: {  	_ =	shalt  }
0x5d: {  	_ =	shalt  }
0x5e: {  	_ =	shalt  }
0x5f: {  	_ =	shalt  }
0x60: {  	_ =	shalt  }
0x61: {  	_ =	shalt  }
0x62: {  	_ =	shalt  }
0x63: {  	_ =	shalt  }
0x64: {  	_ =	shalt  }
0x65: {  	_ =	shalt  }
0x66: {  	_ =	shalt  }
0x67: {  	_ =	shalt  }
0x68: {  	_ =	shalt  }
0x69: {  	_ =	shalt  }
0x6a: {  	_ =	shalt  }
0x6b: {  	_ =	shalt  }
0x6c: {  	_ =	shalt  }
0x6d: {  	_ =	shalt  }
0x6e: {  	_ =	shalt  }
0x6f: {  	_ =	shalt  }
0x70: {  	_ =	shalt  }
0x71: {  	_ =	shalt  }
0x72: {  	_ =	shalt  }
0x73: {  	_ =	shalt  }
0x74: {  	_ =	shalt  }
0x75: {  	_ =	shalt  }
0x76: {  	_ =	shalt  }
0x77: {  	_ =	shalt  }
0x78: {  	_ =	shalt  }
0x79: {  	_ =	shalt  }
0x7a: {  	_ =	shalt  }
0x7b: {  	_ =	shalt  }
0x7c: {  	_ =	shalt  }
0x7d: {  	_ =	shalt  }
0x7e: {  	_ =	shalt  }
0x7f: {  	_ =	shalt  }
0x80: {  	_ =	shalt  }
0x81: {  	_ =	shalt  }
0x82: {  	_ =	shalt  }
0x83: {  	_ =	shalt  }
0x84: {  	_ =	shalt  }
0x85: {  	_ =	shalt  }
0x86: {  	_ =	shalt  }
0x87: {  	_ =	shalt  }
.Lfunc_end0:
.L_simem_size_0:
called_computation_lowered:
.L_overlay_start_0:
0x88: {  	s0 =	sld [smem:$0x3FD9]  }
0x89: {  	s1 =	sld [smem:$0x3FFE];
	_ =	sdelay $0x3  }
0x8a: {  	s0 =	sadd.s32 s1, s0  }
0x8b: {  	[smem:$0x3FA0] =	sst s0  }
0x8c: {  	_ = 	snop  }
0x8d: {  	s0 =	sld [smem:$0x3FD0];
	_ =	sdelay $0x2  }
0x8e: {  	s2 =	simm.s32 $0xC;
	s3 =	simm.s32 $0x10;
	s14 =	sld [smem:$0x3FC7]  }
0x8f: {  	[smem:s3], [sflag:s2] =	dma.local [hbm:s0], $0x1  }
0x90: {  	_ =	swait.eq [sflag:s2], $0x1  }
0x91: {  	[sflag:s2] =	ssyncset.done $0x0  }
0x92: {  	s15 =	sld [smem:$0x11];
	[sflag:s2] =	ssyncadd.s32 $0xFFFFFFFF  }
0x93: {  	s16 =	sld [smem:$0x12];
	(tm) =	ssettm $0x1  }
0x94: {  	s17 =	sld [smem:$0x3FFB];
	_ =	sdelay $0x3  }
0x95: {  	_ =	strace s17  }
0x96: {  	s3 =	sld [smem:$0x3FFC];
	_ =	sdelay $0x3  }
0x97: {  	_ =	strace s3  }
0x98: {  	s3 =	sld [smem:$0x3FFD];
	_ =	sdelay $0x3  }
0x99: {  	_ =	strace s3  }
0x9a: {  	_ =	strace $0x8FFFFFFF  }
0x9b: {  	s18 =	sld [smem:$0x3FDB];
	_ =	sdelay $0x1  }
0x9c: {  	s4 =	simm.s32 $_scs_section_size  }
0x9d: {  	s5 =	simm.s32 $_size__tile_overlayer_lowered;
	s6 =	simm.s32 $_tile_overlayer_lowered  }
0x9e: {  	s21 =	simm.s32 $0x1BFF;
	s20 =	sshll.u32 s6, $0x1;
	s3 =	sadd.s32 s4, s18  }
0x9f: {  	s7 =	simm.s32 $0x0;
	s19 =	sshll.u32 s5, $0x1;
	s5 =	sadd.s32 s20, s3  }
0xa0: {  	[timem:s7], [sflag:s21] =	dma.local [hbm:s5], s19  }
0xa1: {  	_ =	swait.ge [sflag:s21], s19  }
0xa2: {  	s4 =	ssub.s32 $0x0, s19;
	[sflag:s21] =	ssyncset.done $0x0  }
0xa3: {  	[sflag:s21] =	ssyncadd.s32 s4;
	_ =	sdelay $0x1  }
0xa4: {  	s22 =	simm.s32 $0x1B8B  }
0xa5: {  	_ =	swait.ge [sflag:s22], $0x1  }
0xa6: {  	[sflag:s22] =	ssyncset.done $0x0  }
0xa7: {  	s23 =	simm.s32 $0x1B8E;
	[sflag:s22] =	ssyncadd.s32 $0xFFFFFFFF  }
0xa8: {  	s24 =	simm.s32 $execute0_lowered;
	[smem:$0x3FD2] =	sst s23  }
0xa9: {  	s4 =	sshll.u32 s24, $0x1;
	_ =	strace $0x8000004F;
	[dreg:$0x1] =	wrdreg $0xFFFFFFFF  }
0xaa: {  	s25 =	simm.s32 $_size_execute0_lowered;
	s3 =	sadd.s32 s3, s4;
	[dreg:$0x0] =	wrdreg $0x0  }
0xab: {  	s4 =	sshll.u32 s25, $0x1;
	[dreg:$0x2] =	wrdreg s3  }
0xac: {  	[dreg:$0x3] =	wrdreg s4  }
0xad: {  	[dreg:$0x4] =	wrdreg $0xC0  }
0xae: {  	_ =	task [dreg:s7], $0x5FFFF  }
0xaf: {  	[dreg:$0x1] =	wrdreg $0xFFFFFFFF  }
0xb0: {  	[dreg:$0x0] =	wrdreg $0x60  }
0xb1: {  	[dreg:$0x2] =	wrdreg s14  }
0xb2: {  	[dreg:$0x3] =	wrdreg s16  }
0xb3: {  	[dreg:$0x4] =	wrdreg s15  }
0xb4: {  	[dreg:$0x5] =	wrdreg $0x9  }
0xb5: {  	_ =	task.clear_ibuf [dreg:s7], $0x6FFFF;
	_ =	strace $0x9000004F  }
0xb6: {  	s26 =	simm.s32 $0x9;
	_ =	strace $0x80000051  }
0xb7: {  	_ =	swait.ge [sflag:s26], $0x1  }
0xb8: {  	[sflag:s26] =	ssyncadd.s32 $0xFFFFFFFF  }
0xb9: {  	_ =	strace $0x90000051  }
0xba: {  	_ =	sfence  }
0xbb: {  	s28 =	sld [smem:$0x0];
	_ =	sdelay $0x1  }
0xbc: {  	s29 =	srdreg.scid  }
0xbd: {  	s30 =	sshll.u32 s29, $0xD;
	s31 =	sshrl.u32 s29, $0x2  }
0xbe: {  	s1 =	sand.u32 $0x1, s29;
	s2 =	sand.u32 $0x4000, s30;
	s0 =	sadd.s32 s31, s28  }
0xbf: {  	s1 =	sor.u32 s2, s1;
	s0 =	sshll.u32 s0, $0x11  }
0xc0: {  	s0 =	sor.u32 s0, s1  }
0xc1: {  	s0 =	sadd.s32 $0x8F2B, s0  }
0xc2: {  	[sflag:s0] =	ssyncadd.remote.s32 $0x1  }
0xc3: {  	_ =	sfence.sel $0xFFFF  }
0xc4: {  	[dreg:$0x0] =	wrdreg $0xFFFFFFFF;
	(pc) =	sbr.abs _section_cstart, $3  }
0xc5: {  	[dreg:$0x1] =	wrdreg $0xFFFFFFFF  }
0xc6: {  	_ =	task.clear_ibuf [dreg:s7], $0x2FFFF;
	_ =	strace $0x9FFFFFFF  }
0xc7: {  	(tm) =	ssettm $0x7FFFFFFF  }
tec
execute0_lowered:
.L_overlay_start_1:
0x0: {  	(tag) =	ssettag $0x1  }
0x1: {  	s2 =	rddreg [dreg:$0x0]  }
0x2: {  	s3 =	rddreg [dreg:$0x1]  }
0x3: {  	s4 =	rddreg [dreg:$0x2]  }
0x4: {  	s0 =	rddreg [dreg:$0x3];
	_ =	strace $0x80000050  }
0x5: {  	s5 =	simm.s32 $0x1;
	s1 =	stileid.u32;
	s8 =	simm.s32 $0x1  }
0x6: {  	s9 =	simm.s32 $0x1;
	s7 =	simm.s32 $0x2;
	s10 =	simm.s32 $0x3  }
.Ltmp0:
0x7: {  	s13 =	simm.s32 $0x0;
	p0 =	slt.u32 s1, $0xA;
	(pc) =	sbr.rel .LBB2_1-.Ltmp0, $4  }
0x8: {  	[sflag:s5] =	ssyncpa.u1 $0x0;
	s8 =	simm.s32 @!p0 $0x0;
	p0 =	sne.s32 s1, $0x9  }
0x9: {  	s6 =	smul.u32 $0x190, s1;
	[sflag:s7] =	ssyncpa.u1 $0x0;
	s9 =	simm.s32 @!p0 $0x0  }
0xa: {  	s12 =	simm.s32 $0x0;
	[sflag:s10] =	ssyncpa.u1 $0x0;
	s8 =	sadd.s32 s9, s8  }
0xb: {  	vm0 =	vmmov $0xffff;
	s10 =	simm.s32 $0x0;
	s11 =	smov.u32 s6;
	s9 =	sadd.s32 $0x1, s8  }
.LBB2_4:
0xc: {  	v2 =	vnsel vm1, $0x0, v2  }
0xd: {  	vm1 =	vgt.s32 v0, $0x0;
	v2 =	vmin.u32 v2, $0x4E1FF  }
0xe: {  	v0 =	vnsel vm1, $0x0, v0  }
0xf: {  	v0 =	vmin.u32 v0, $0x4E1FF  }
0x10: {  	[tilespmem:s18], [sflag:$0x1] =	stream.indirect_vreg.gather [hbm4b:s2+s10], $0x1, v1, vm0, $0x4038;
	[tilespmem:$0x640] =	vst v63  }
0x11: {  	(ifvalue) =	ssetifvalue $0x7FFFFFFF  }
0x12: {  	[tilespmem:s15], [sflag:$0x1] =	stream.indirect_vreg.gather [hbm4b:s2+s10], $0x1, v2, vm0, $0x4038;
	[tilespmem:$0x640] =	vst v63  }
0x13: {  	s29 =	sadd.s32 $0x10, s15;
	(ifvalue) =	ssetifvalue $0x7FFFFFFF  }
0x14: {  	[tilespmem:s29], [sflag:$0x1] =	stream.indirect_vreg.gather [hbm4b:s2+s10], $0x1, v0, vm0, $0x4038;
	[tilespmem:$0x640] =	vst v63  }
0x15: {  	_ =	swait.ge [sflag:s5], $0x190  }
0x16: {  	s30 =	sshrl.u32 s13, $0x3;
	[sflag:s5] =	ssyncset.done $0x0  }
0x17: {  	s31 =	sand.u32 $0x7, s13;
	s15 =	sadd.s32 s4, s30;
	[sflag:s5] =	ssyncadd.s32 $0xFFFFFE70  }
0x18: {  	[hbm4b:s15+s31] =	stream.linear.scatter [tilespmem:s14], [sflag:$0x3], $0x190, $0x38;
	[tilespmem:$0x640] =	vst v63  }
.LBB2_5:
0x19: {  	s15 =	sadd.s32 $0x1900, s11  }
0x1a: {  	p1 =	sgt.s32 s15, $0x270F  }
0x1b: {  	s15 =	smov.u32 @p1 s6;
	p1 =	sne.s32 s12, s9  }
.Ltmp1:
0x1c: {  	p0 =	slt.u32 s12, $0x2;
	(pc) =	sbr.rel @!p1 .LBB2_6-.Ltmp1, $4  }
0x1d: {  	s14 =	simm.s32 @!p0 $0x3  }
0x1e: {  	_ =	swait.ge @!p0 [sflag:s14], $0x190  }
0x1f: {  	s16 =	sadd.s32 $0x1, s12;
	s13 =	smov.u32 s11;
	[sflag:s14] =	ssyncset.done @!p0 $0x0  }
0x20: {  	s12 =	smov.u32 s16;
	s11 =	smov.u32 s15;
	[sflag:s14] =	ssyncadd.s32 @!p0 $0xFFFFFE70  }
.LBB2_1:
0x21: {  	p0 =	sge.u32 s12, s8  }
0x22: {  	s14 =	sxor.u32 @!p0 $0x1, s12  }
0x23: {  	s14 =	smul.u32 @!p0 $0x640, s14  }
0x24: {  	s31 =	sadd.s32 $0xFFFFFFFF, s12;
	s15 =	sshrl.u32 @!p0 s11, $0x3  }
0x25: {  	s16 =	sand.u32 @!p0 $0x7, s11;
	s15 =	sadd.s32 @!p0 s3, s15;
	s14 =	sshra.s32 @!p0 s14, $0x2  }
0x26: {  	[tilespmem:s14], [sflag:$0x2] =	stream.linear.gather @!p0 [hbm4b:s15+s16], $0x190, $0x38;
	[tilespmem:$0x640] =	vst v63  }
0x27: {  	p0 =	sge.u32 s31, s8  }
.Ltmp2:
0x28: {  	_ = 	snop;
	(pc) =	sbr.rel @p0 .LBB2_5-.Ltmp2, $1  }
0x29: {  	_ =	sdelay $0x3  }
0x2a: {  	s14 =	sand.u32 $0x1, s12  }
0x2b: {  	_ =	swait.ge [sflag:s7], $0x190;
	p0 =	seq.s32 s14, $0x1;
	s14 =	simm.s32 $0x190  }
0x2c: {  	[sflag:s7] =	ssyncset.done $0x0;
	s14 =	simm.s32 @!p0 $0x0  }
0x2d: {  	[sflag:s7] =	ssyncadd.s32 $0xFFFFFE70;
	(ifvalue) =	ssetifvalue $0x7FFFFFFF;
	v0 =	vld.msk [tilespmem:s14+$0x0 ss:$0x1], $0xffff;
	_ =	sdelay $0x4  }
0x2e: {  	s15 =	sadd.s32 $0x10, s14;
	vm1 =	vgt.s32 v0, $0x0  }
0x2f: {  	v2 =	vld.msk [tilespmem:s15+$0x0 ss:$0x1], $0xffff;
	v1 =	vnsel vm1, $0x0, v0  }
0x30: {  	v1 =	vmin.u32 v1, $0x4E1FF;
	_ =	sdelay $0x2  }
0x31: {  	s17 =	simm.s32 $0x20;
	s14 =	sadd.s32 $0x320, s14;
	s16 =	sadd.s32 $0x10, s15  }
0x32: {  	s15 =	sadd.s32 $0x10, s14;
	s18 =	smov.u32 s14;
	v0 =	vld.msk [tilespmem:s16+$0x0 ss:$0x1], $0xffff;
	vm1 =	vgt.s32 v2, $0x0;
	(ifvalue) =	ssetifvalue $0x7FFFFFFF  }
.LBB2_3:
0x33: {  	[tilespmem:s18], [sflag:$0x1] =	stream.indirect_vreg.gather [hbm4b:s2+s10], $0x1, v1, vm0, $0x4038;
	[tilespmem:$0x640] =	vst v63  }
0x34: {  	s17 =	sadd.s32 $0x10, s17  }
0x35: {  	v2 =	vnsel vm1, $0x0, v2;
	p0 =	slt.u32 s17, $0x180  }
.Ltmp3:
0x36: {  	s18 =	smov.u32 s15;
	v1 =	vmin.u32 v2, $0x4E1FF;
	(pc) =	sbr.rel @p0 .LBB2_3-.Ltmp3, $3  }
0x37: {  	_ =	sdelay $0x1  }
0x38: {  	s16 =	sadd.s32 $0x10, s16  }
0x39: {  	vm1 =	vgt.s32 v0, $0x0;
	s15 =	sadd.s32 $0x10, s15;
	v2 =	vmov v0;
	(ifvalue) =	ssetifvalue $0x7FFFFFFF;
	v0 =	vld.msk [tilespmem:s16+$0x0 ss:$0x1], $0xffff  }
.Ltmp4:
0x3a: {  	_ = 	snop;
	(pc) =	sbr.rel .LBB2_4-.Ltmp4, $1  }
0x3b: {  	_ =	sdelay $0x3  }
.LBB2_6:
0x3c: {  	_ =	sfence.sel $0x180000  }
0x3d: {  	s2 =	simm.s32 $0x2;
	[bflag:$0x0] =	sbarrier.arrive $0xFFFF  }
0x3e: {  	s30 =	simm.s32 $0x3;
	[sflag:s2] =	ssyncpa.u1 $0x1  }
0x3f: {  	s31 =	simm.s32 $0x1;
	[sflag:s30] =	ssyncpa.u1 $0x1  }
0x40: {  	[sflag:s31] =	ssyncpa.u1 $0x1  }
0x41: {  	p0 =	sne.s32 s1, $0x0;
	_ =	strace $0x90000050  }
0x42: {  	s0 =	sadd.s32 @!p0 $0x100000, s0;
	[bflag:$0x2] =	sbarrier.arrive $0xFFFF  }
0x43: {  	[sflag:s0] =	ssyncadd.tile.s32 @!p0 $0x1;
	_ =	shalt  }
.Lfunc_end2:
_tile_overlayer_lowered:
.L_overlay_start_2:
0x44: {  	(tag) =	ssettag $0x2  }
0x45: {  	s0 =	rddreg [dreg:$0x0];
	s2 =	stileid.u32  }
0x46: {  	s1 =	rddreg [dreg:$0x1];
	p0 =	sne.s32 s2, $0x0  }
0x47: {  	s3 =	rddreg [dreg:$0x2];
	[bflag:$0x3] =	sbarrier.arrive $0xFFFF;
	s2 =	simm.s32 @!p0 $0x1C01  }
0x48: {  	[timem:s3], [sflag:s2] =	dma.local @!p0 [hbm:s0], s1  }
0x49: {  	s0 =	simm.s32 @!p0 $0x1  }
0x4a: {  	_ =	swait.ge @!p0 [sflag:s0], s1  }
0x4b: {  	s1 =	ssub.s32 @!p0 $0x0, s1;
	[sflag:s0] =	ssyncset.done @!p0 $0x0  }
0x4c: {  	[sflag:s0] =	ssyncadd.s32 @!p0 s1  }
0x4d: {  	[bflag:$0x3] =	sbarrier.arrive $0xFFFF  }
0x4e: {  	_ =	shalt  }

</sc_bundles>
